<compile_context>
chip_gen: v7x
topology: tpu7x:2x2x1
jax: 0.10.2.dev20260603
libtpu: 0.0.44.dev20260713+nightly
codegen_flags: <defaults>
</compile_context>

<pallas_src>
import functools

import jax
import jax.numpy as jnp
from jax import lax
from jax.experimental import pallas as pl
from jax.experimental.pallas import tpu as pltpu
from jax.experimental.pallas import tpu_sc as plsc


def _fused_gather(table, il, ir, base_idx_row, n_slice_rows):
    n_rows = n_slice_rows
    D = table.shape[1]
    info = plsc.get_sparse_core_info()
    NC, NS = info.num_cores, info.num_subcores
    NW = NC * NS
    rows_per_w = n_rows // NW
    CHUNK = 256
    n_chunk = rows_per_w // CHUNK
    JPC = CHUNK // 128
    idx_rows_w = rows_per_w // 128

    mesh = plsc.VectorSubcoreMesh(core_axis_name="c", subcore_axis_name="s")

    @functools.partial(
        pl.kernel,
        mesh=mesh,
        compiler_params=pltpu.CompilerParams(use_tc_tiling_on_sc=False),
        out_type=jax.ShapeDtypeStruct((n_rows, 2 * D), jnp.float32),
        scratch_types=[
            pltpu.VMEM((idx_rows_w, 128), jnp.int32),
            pltpu.VMEM((idx_rows_w, 128), jnp.int32),
            pltpu.VMEM((3, CHUNK, D), jnp.float32),
            pltpu.VMEM((3, CHUNK, D), jnp.float32),
            pltpu.SemaphoreType.DMA,
            pltpu.SemaphoreType.DMA,
            pltpu.SemaphoreType.DMA,
            pltpu.SemaphoreType.DMA,
            pltpu.SemaphoreType.DMA,
        ],
    )
    def gather_kernel(t_hbm, il_hbm, ir_hbm, o_hbm,
                      il_v, ir_v, rl_v, rr_v, sem_l, sem_r, sem_w0, sem_w1, sem_w2):
        wid = lax.axis_index("s") * NC + lax.axis_index("c")
        pltpu.sync_copy(
            il_hbm.at[pl.ds(base_idx_row + wid * idx_rows_w, idx_rows_w)],
            il_v)
        pltpu.sync_copy(
            ir_hbm.at[pl.ds(base_idx_row + wid * idx_rows_w, idx_rows_w)],
            ir_v)
        wsems = (sem_w0, sem_w1, sem_w2)

        def fire_gathers(ci, p):
            cps = []
            for j in range(JPC):
                row = ci * JPC + j
                cps.append(pltpu.async_copy(
                    t_hbm.at[il_v.at[row]],
                    rl_v.at[p].at[pl.ds(j * 128, 128)], sem_l))
                cps.append(pltpu.async_copy(
                    t_hbm.at[ir_v.at[row]],
                    rr_v.at[p].at[pl.ds(j * 128, 128)], sem_r))
            return cps

        def fire_writeback(ci, p):
            base = wid * rows_per_w + ci * CHUNK
            return [
                pltpu.async_copy(
                    rl_v.at[p], o_hbm.at[pl.ds(base, CHUNK), pl.ds(0, D)],
                    wsems[p]),
                pltpu.async_copy(
                    rr_v.at[p], o_hbm.at[pl.ds(base, CHUNK), pl.ds(D, D)],
                    wsems[p]),
            ]

        NB = 3
        pending_wb = [None] * NB
        pending_g = [None] * NB
        pending_g[0] = fire_gathers(0, 0)
        if n_chunk > 1:
            pending_g[1] = fire_gathers(1, 1)
        for ci in range(n_chunk):
            p = ci % NB
            for cp in pending_g[p]:
                cp.wait()
            nxt = ci + 2
            if nxt < n_chunk:
                q = nxt % NB
                if pending_wb[q] is not None:
                    for cp in pending_wb[q]:
                        cp.wait()
                    pending_wb[q] = None
                pending_g[q] = fire_gathers(nxt, q)
            pending_wb[p] = fire_writeback(ci, p)
        for p in range(NB):
            if pending_wb[p] is not None:
                for cp in pending_wb[p]:
                    cp.wait()

    return gather_kernel(table, il, ir)


def _mlp(f, w1, b1, w2, b2):
    n_rows, D2 = f.shape
    H = w1.shape[1]
    O = w2.shape[0]
    TM = 16384
    grid = (n_rows // TM,)

    def body(f_ref, w1_ref, b1_ref, w2t_ref, b2_ref, out_ref):
        h = jnp.dot(f_ref[...], w1_ref[...],
                    preferred_element_type=jnp.float32)
        h = jnp.maximum(h + b1_ref[...], 0.0)
        pt = jax.lax.dot_general(
            w2t_ref[...], h, (((1,), (1,)), ((), ())),
            preferred_element_type=jnp.float32)
        out_ref[...] = pt + b2_ref[...]

    return pl.pallas_call(
        body,
        grid=grid,
        in_specs=[
            pl.BlockSpec((TM, D2), lambda i: (i, 0)),
            pl.BlockSpec((D2, H), lambda i: (0, 0)),
            pl.BlockSpec((1, H), lambda i: (0, 0)),
            pl.BlockSpec((O, H), lambda i: (0, 0)),
            pl.BlockSpec((O, 1), lambda i: (0, 0)),
        ],
        out_specs=pl.BlockSpec((O, TM), lambda i: (0, i)),
        out_shape=jax.ShapeDtypeStruct((O, n_rows), jnp.float32),
    )(f, w1, b1, w2, b2)


def kernel(soutput_f_l, soutput_f_r, matches, non_matches, start_idx,
           num_points, W1, b1, W2, b2):
    B, M, _ = matches.shape
    NM = non_matches.shape[1]
    R, D = soutput_f_l.shape
    n_static = R // B

    def global_idx(x):
        x = jnp.where(x > -1, x, num_points[:, None])
        x = jnp.clip(x, 0, n_static - 1)
        return x + start_idx[:, None]

    il = 2 * jnp.concatenate(
        [global_idx(matches[:, :, 0]), global_idx(non_matches[:, :, 0])],
        axis=0)
    ir = 2 * jnp.concatenate(
        [global_idx(matches[:, :, 1]), global_idx(non_matches[:, :, 1])],
        axis=0) + 1
    n_rows = B * (M + NM)
    il = il.reshape(n_rows // 128, 128)
    ir = ir.reshape(n_rows // 128, 128)

    table = jnp.concatenate([soutput_f_l, soutput_f_r],
                            axis=1).reshape(2 * R, D)

    NSPLIT = 2
    idx_rows = n_rows // 128
    srows = idx_rows // NSPLIT
    preds = []
    for s in range(NSPLIT):
        f_s = _fused_gather(table, il, ir, s * srows, srows * 128)
        preds.append(_mlp(f_s, W1, b1.reshape(1, -1), W2.T,
                          b2.reshape(-1, 1)))
    prediction = jnp.concatenate(preds, axis=1).T
    label = jnp.concatenate(
        [jnp.ones((B * M,), jnp.float32), jnp.zeros((B * NM,), jnp.float32)])
    return (prediction, label)

# --- scband reference (transcript-rebuilt; emitter-appended) ---
"""Pipeline reference for scband-feature-fusion-rgbxyz-23450521436161 (READ-ONLY COPY).

The authoritative reference and input builder live on the scoring server;
editing this copy changes nothing except your own understanding.
"""

import jax, jax.numpy as jnp
import numpy as np

B = 8
P = 4096
D = 64
M = 4096
NM = 4096
H = 128


def setup_inputs(seed: int = 0) -> dict:
    key = jax.random.key(seed)
    ks = jax.random.split(key, 8)
    soutput_f_l = jax.random.normal(ks[0], (B * P, D), dtype=jnp.float32)
    soutput_f_r = jax.random.normal(ks[1], (B * P, D), dtype=jnp.float32)
    matches = jax.random.randint(ks[2], (B, M, 2), 0, P, dtype=jnp.int32)
    non_matches = jax.random.randint(ks[3], (B, NM, 2), 0, P, dtype=jnp.int32)
    start_idx = (jnp.arange(B, dtype=jnp.int32) * P)
    num_points = jnp.full((B,), P, dtype=jnp.int32)
    # base3DPoseNet(num_rgbxyz_feature*2=128, 2, use_batch_norm=False): MLP 128 -> 128 -> 2
    W1 = jax.random.normal(ks[4], (2 * D, H), dtype=jnp.float32) * 0.05
    b1 = jnp.zeros((H,), dtype=jnp.float32)
    W2 = jax.random.normal(ks[5], (H, 2), dtype=jnp.float32) * 0.05
    b2 = jnp.zeros((2,), dtype=jnp.float32)
    return {
        "soutput_f_l": soutput_f_l,
        "soutput_f_r": soutput_f_r,
        "matches": matches,
        "non_matches": non_matches,
        "start_idx": start_idx,
        "num_points": num_points,
        "W1": W1,
        "b1": b1,
        "W2": W2,
        "b2": b2,
    }


def reference(soutput_f_l, soutput_f_r, matches, non_matches, start_idx, num_points, W1, b1, W2, b2):
    n_static = soutput_f_l.shape[0] // B
    fused = {}
    for lr_id, (lr, soutput_f) in enumerate([("l", soutput_f_l), ("r", soutput_f_r)]):
        matches_feature_list = []
        non_matches_feature_list = []
        for batch_id in range(B):
            rgbxyz_feature = jax.lax.dynamic_slice_in_dim(soutput_f, start_idx[batch_id], n_static, axis=0)
            batch_matches = matches[batch_id, :, lr_id]
            batch_matches = jnp.where(batch_matches > -1, batch_matches, num_points[batch_id])
            batch_non_matches = non_matches[batch_id, :, lr_id]
            batch_non_matches = jnp.where(batch_non_matches > -1, batch_non_matches, num_points[batch_id])
            matches_feature_list.append(jnp.take(rgbxyz_feature, batch_matches, axis=0))
            non_matches_feature_list.append(jnp.take(rgbxyz_feature, batch_non_matches, axis=0))
        fused[lr] = {
            "matches_feature": matches_feature_list,
            "non_matches_feature": non_matches_feature_list,
        }
    matches_feature_l = jnp.concatenate(fused["l"]["matches_feature"], axis=0)
    matches_feature_r = jnp.concatenate(fused["r"]["matches_feature"], axis=0)
    non_matches_feature_l = jnp.concatenate(fused["l"]["non_matches_feature"], axis=0)
    non_matches_feature_r = jnp.concatenate(fused["r"]["non_matches_feature"], axis=0)
    matches_feature = jnp.concatenate((matches_feature_l, matches_feature_r), axis=1)
    non_matches_feature = jnp.concatenate((non_matches_feature_l, non_matches_feature_r), axis=1)
    matches_label = jnp.ones((matches_feature.shape[0],), dtype=jnp.float32)
    non_matches_label = jnp.zeros((non_matches_feature.shape[0],), dtype=jnp.float32)
    feature = jnp.concatenate((matches_feature, non_matches_feature), axis=0)
    feature = feature.reshape((-1, feature.shape[1]))
    label = jnp.concatenate((matches_label, non_matches_label))
    # base3DPoseNet MLP
    h = jax.nn.relu(feature @ W1 + b1)
    prediction = h @ W2 + b2
    return (prediction, label)

if __name__ == "__main__":
    import jax
    _d = setup_inputs()
    print(jax.jit(kernel)(*tuple(_d.values())))

</pallas_src>

<mosaic_0001>
#map = affine_map<(d0, d1) -> (0, 0)>
module attributes {stable_mosaic.version = 14 : i64} {
  func.func @gather_kernel(%arg0: i32, %arg1: i32, %arg2: memref<65536x64xf32, #tpu.memory_space<hbm>>, %arg3: memref<512x128xi32, #tpu.memory_space<hbm>>, %arg4: memref<512x128xi32, #tpu.memory_space<hbm>>, %arg5: memref<32768x128xf32, #tpu.memory_space<hbm>>, %arg6: memref<8x128xi32, #tpu.memory_space<vmem>>, %arg7: memref<8x128xi32, #tpu.memory_space<vmem>>, %arg8: memref<3x256x64xf32, #tpu.memory_space<vmem>>, %arg9: memref<3x256x64xf32, #tpu.memory_space<vmem>>, %arg10: memref<!tpu.dma_semaphore, #tpu.memory_space<semaphore_mem>>, %arg11: memref<!tpu.dma_semaphore, #tpu.memory_space<semaphore_mem>>, %arg12: memref<!tpu.dma_semaphore, #tpu.memory_space<semaphore_mem>>, %arg13: memref<!tpu.dma_semaphore, #tpu.memory_space<semaphore_mem>>, %arg14: memref<!tpu.dma_semaphore, #tpu.memory_space<semaphore_mem>>) attributes {dimension_semantics = [#tpu.dimension_semantics<core_parallel>, #tpu.dimension_semantics<subcore_parallel>], iteration_bounds = array<i64: 2, 16>, scalar_prefetch = 0 : i64, scratch_operands = 9 : i64, tpu.core_type = #tpu.core_type<sc_vector_subcore>, window_params = [{transform_indices = #map}, {transform_indices = #map}, {transform_indices = #map}, {transform_indices = #map}]} {
    %mul3A = arith.constant 2 : i32
    %mul3A_0 = arith.muli %arg1, %mul3A : i32
    %add3A = arith.addi %mul3A_0, %arg0 : i32
    %mul3A_1 = arith.constant 8 : i32
    %mul3A_2 = arith.muli %add3A, %mul3A_1 : i32
    %add3A_3 = arith.constant 0 : i32
    %add3A_4 = arith.addi %add3A_3, %mul3A_2 : i32
    "tpu.region"() ({
      %run_scoped3A = tpu.sem_alloc : memref<!tpu.dma_semaphore, #tpu.memory_space<semaphore_mem>>
      %dma_start3A_711 = arith.constant 0 : i32
      %dma_start3A_712 = tpu.memref_slice %arg3[%add3A_4, %dma_start3A_711] : memref<512x128xi32, #tpu.memory_space<hbm>> -> memref<8x128xi32, #tpu.memory_space<hbm>>
      %dma_start3A_713 = arith.constant 0 : i32
      %dma_start3A_714 = tpu.memref_slice %arg3[%add3A_4, %dma_start3A_713] : memref<512x128xi32, #tpu.memory_space<hbm>> -> memref<8x128xi32, #tpu.memory_space<hbm>>
      tpu.enqueue_dma source(%dma_start3A_714 : memref<8x128xi32, #tpu.memory_space<hbm>>) target(%arg6 : memref<8x128xi32, #tpu.memory_space<vmem>>) target_semaphore(%run_scoped3A : memref<!tpu.dma_semaphore, #tpu.memory_space<semaphore_mem>>)
      %dma_wait3A_715 = arith.constant 0 : i32
      %dma_wait3A_716 = tpu.memref_slice %arg3[%add3A_4, %dma_wait3A_715] : memref<512x128xi32, #tpu.memory_space<hbm>> -> memref<8x128xi32, #tpu.memory_space<hbm>>
      %dma_wait3A_717 = arith.constant 0 : i32
      %dma_wait3A_718 = tpu.memref_slice %arg3[%add3A_4, %dma_wait3A_717] : memref<512x128xi32, #tpu.memory_space<hbm>> -> memref<8x128xi32, #tpu.memory_space<hbm>>
      tpu.wait_dma2 semaphore(%run_scoped3A : memref<!tpu.dma_semaphore, #tpu.memory_space<semaphore_mem>>) src(%dma_wait3A_718 : memref<8x128xi32, #tpu.memory_space<hbm>>) dst(%arg6 : memref<8x128xi32, #tpu.memory_space<vmem>>)
      tpu.yield
    }) : () -> ()
    %mul3A_5 = arith.constant 8 : i32
    %mul3A_6 = arith.muli %add3A, %mul3A_5 : i32
    %add3A_7 = arith.constant 0 : i32
    %add3A_8 = arith.addi %add3A_7, %mul3A_6 : i32
    "tpu.region"() ({
      %run_scoped3A = tpu.sem_alloc : memref<!tpu.dma_semaphore, #tpu.memory_space<semaphore_mem>>
      %dma_start3A_711 = arith.constant 0 : i32
      %dma_start3A_712 = tpu.memref_slice %arg4[%add3A_8, %dma_start3A_711] : memref<512x128xi32, #tpu.memory_space<hbm>> -> memref<8x128xi32, #tpu.memory_space<hbm>>
      %dma_start3A_713 = arith.constant 0 : i32
      %dma_start3A_714 = tpu.memref_slice %arg4[%add3A_8, %dma_start3A_713] : memref<512x128xi32, #tpu.memory_space<hbm>> -> memref<8x128xi32, #tpu.memory_space<hbm>>
      tpu.enqueue_dma source(%dma_start3A_714 : memref<8x128xi32, #tpu.memory_space<hbm>>) target(%arg7 : memref<8x128xi32, #tpu.memory_space<vmem>>) target_semaphore(%run_scoped3A : memref<!tpu.dma_semaphore, #tpu.memory_space<semaphore_mem>>)
      %dma_wait3A_715 = arith.constant 0 : i32
      %dma_wait3A_716 = tpu.memref_slice %arg4[%add3A_8, %dma_wait3A_715] : memref<512x128xi32, #tpu.memory_space<hbm>> -> memref<8x128xi32, #tpu.memory_space<hbm>>
      %dma_wait3A_717 = arith.constant 0 : i32
      %dma_wait3A_718 = tpu.memref_slice %arg4[%add3A_8, %dma_wait3A_717] : memref<512x128xi32, #tpu.memory_space<hbm>> -> memref<8x128xi32, #tpu.memory_space<hbm>>
      tpu.wait_dma2 semaphore(%run_scoped3A : memref<!tpu.dma_semaphore, #tpu.memory_space<semaphore_mem>>) src(%dma_wait3A_718 : memref<8x128xi32, #tpu.memory_space<hbm>>) dst(%arg7 : memref<8x128xi32, #tpu.memory_space<vmem>>)
      tpu.yield
    }) : () -> ()
    %dma_start3A = arith.constant 0 : i32
    %dma_start3A_9 = arith.constant 0 : i32
    %dma_start3A_10 = arith.constant 0 : i32
    %dma_start3A_11 = arith.constant 0 : i32
    %dma_start3A_12 = tpu.memref_slice %arg8[%dma_start3A_9, %dma_start3A_10, %dma_start3A_11] : memref<3x256x64xf32, #tpu.memory_space<vmem>> -> memref<1x256x64xf32, #tpu.memory_space<vmem>>
    %dma_start3A_13 = tpu.memref_squeeze %dma_start3A_12 : memref<1x256x64xf32, #tpu.memory_space<vmem>> -> memref<256x64xf32, #tpu.memory_space<vmem>>
    %dma_start3A_14 = arith.constant 0 : i32
    %dma_start3A_15 = arith.constant 0 : i32
    %dma_start3A_16 = tpu.memref_slice %dma_start3A_13[%dma_start3A_14, %dma_start3A_15] : memref<256x64xf32, #tpu.memory_space<vmem>> -> memref<128x64xf32, #tpu.memory_space<vmem>>
    %dma_start3A_17 = arith.constant 0 : i32
    %dma_start3A_18 = tpu.memref_slice %arg6[%dma_start3A, %dma_start3A_17] : memref<8x128xi32, #tpu.memory_space<vmem>> -> memref<1x128xi32, #tpu.memory_space<vmem>>
    %dma_start3A_19 = tpu.memref_squeeze %dma_start3A_18 : memref<1x128xi32, #tpu.memory_space<vmem>> -> memref<128xi32, #tpu.memory_space<vmem>>
    %dma_start3A_20 = arith.constant 0 : i32
    %dma_start3A_21 = arith.constant 0 : i32
    %dma_start3A_22 = tpu.memref_slice %arg2[%dma_start3A_20, %dma_start3A_21] : memref<65536x64xf32, #tpu.memory_space<hbm>> -> memref<65536x64xf32, #tpu.memory_space<hbm>>
    tpu.enqueue_indirect_dma source(%dma_start3A_22 : memref<65536x64xf32, #tpu.memory_space<hbm>>) target(%dma_start3A_16 : memref<128x64xf32, #tpu.memory_space<vmem>>) offsets(%dma_start3A_19 : memref<128xi32, #tpu.memory_space<vmem>>) semaphore(%arg10 : memref<!tpu.dma_semaphore, #tpu.memory_space<semaphore_mem>>)
    %dma_start3A_23 = arith.constant 0 : i32
    %dma_start3A_24 = arith.constant 0 : i32
    %dma_start3A_25 = arith.constant 0 : i32
    %dma_start3A_26 = arith.constant 0 : i32
    %dma_start3A_27 = tpu.memref_slice %arg9[%dma_start3A_24, %dma_start3A_25, %dma_start3A_26] : memref<3x256x64xf32, #tpu.memory_space<vmem>> -> memref<1x256x64xf32, #tpu.memory_space<vmem>>
    %dma_start3A_28 = tpu.memref_squeeze %dma_start3A_27 : memref<1x256x64xf32, #tpu.memory_space<vmem>> -> memref<256x64xf32, #tpu.memory_space<vmem>>
    %dma_start3A_29 = arith.constant 0 : i32
    %dma_start3A_30 = arith.constant 0 : i32
    %dma_start3A_31 = tpu.memref_slice %dma_start3A_28[%dma_start3A_29, %dma_start3A_30] : memref<256x64xf32, #tpu.memory_space<vmem>> -> memref<128x64xf32, #tpu.memory_space<vmem>>
    %dma_start3A_32 = arith.constant 0 : i32
    %dma_start3A_33 = tpu.memref_slice %arg7[%dma_start3A_23, %dma_start3A_32] : memref<8x128xi32, #tpu.memory_space<vmem>> -> memref<1x128xi32, #tpu.memory_space<vmem>>
    %dma_start3A_34 = tpu.memref_squeeze %dma_start3A_33 : memref<1x128xi32, #tpu.memory_space<vmem>> -> memref<128xi32, #tpu.memory_space<vmem>>
    %dma_start3A_35 = arith.constant 0 : i32
    %dma_start3A_36 = arith.constant 0 : i32
    %dma_start3A_37 = tpu.memref_slice %arg2[%dma_start3A_35, %dma_start3A_36] : memref<65536x64xf32, #tpu.memory_space<hbm>> -> memref<65536x64xf32, #tpu.memory_space<hbm>>
    tpu.enqueue_indirect_dma source(%dma_start3A_37 : memref<65536x64xf32, #tpu.memory_space<hbm>>) target(%dma_start3A_31 : memref<128x64xf32, #tpu.memory_space<vmem>>) offsets(%dma_start3A_34 : memref<128xi32, #tpu.memory_space<vmem>>) semaphore(%arg11 : memref<!tpu.dma_semaphore, #tpu.memory_space<semaphore_mem>>)
    %dma_start3A_38 = arith.constant 1 : i32
    %dma_start3A_39 = arith.constant 0 : i32
    %dma_start3A_40 = arith.constant 0 : i32
    %dma_start3A_41 = arith.constant 0 : i32
    %dma_start3A_42 = tpu.memref_slice %arg8[%dma_start3A_39, %dma_start3A_40, %dma_start3A_41] : memref<3x256x64xf32, #tpu.memory_space<vmem>> -> memref<1x256x64xf32, #tpu.memory_space<vmem>>
    %dma_start3A_43 = tpu.memref_squeeze %dma_start3A_42 : memref<1x256x64xf32, #tpu.memory_space<vmem>> -> memref<256x64xf32, #tpu.memory_space<vmem>>
    %dma_start3A_44 = arith.constant 128 : i32
    %dma_start3A_45 = arith.constant 0 : i32
    %dma_start3A_46 = tpu.memref_slice %dma_start3A_43[%dma_start3A_44, %dma_start3A_45] : memref<256x64xf32, #tpu.memory_space<vmem>> -> memref<128x64xf32, #tpu.memory_space<vmem>>
    %dma_start3A_47 = arith.constant 0 : i32
    %dma_start3A_48 = tpu.memref_slice %arg6[%dma_start3A_38, %dma_start3A_47] : memref<8x128xi32, #tpu.memory_space<vmem>> -> memref<1x128xi32, #tpu.memory_space<vmem>>
    %dma_start3A_49 = tpu.memref_squeeze %dma_start3A_48 : memref<1x128xi32, #tpu.memory_space<vmem>> -> memref<128xi32, #tpu.memory_space<vmem>>
    %dma_start3A_50 = arith.constant 0 : i32
    %dma_start3A_51 = arith.constant 0 : i32
    %dma_start3A_52 = tpu.memref_slice %arg2[%dma_start3A_50, %dma_start3A_51] : memref<65536x64xf32, #tpu.memory_space<hbm>> -> memref<65536x64xf32, #tpu.memory_space<hbm>>
    tpu.enqueue_indirect_dma source(%dma_start3A_52 : memref<65536x64xf32, #tpu.memory_space<hbm>>) target(%dma_start3A_46 : memref<128x64xf32, #tpu.memory_space<vmem>>) offsets(%dma_start3A_49 : memref<128xi32, #tpu.memory_space<vmem>>) semaphore(%arg10 : memref<!tpu.dma_semaphore, #tpu.memory_space<semaphore_mem>>)
    %dma_start3A_53 = arith.constant 1 : i32
    %dma_start3A_54 = arith.constant 0 : i32
    %dma_start3A_55 = arith.constant 0 : i32
    %dma_start3A_56 = arith.constant 0 : i32
    %dma_start3A_57 = tpu.memref_slice %arg9[%dma_start3A_54, %dma_start3A_55, %dma_start3A_56] : memref<3x256x64xf32, #tpu.memory_space<vmem>> -> memref<1x256x64xf32, #tpu.memory_space<vmem>>
    %dma_start3A_58 = tpu.memref_squeeze %dma_start3A_57 : memref<1x256x64xf32, #tpu.memory_space<vmem>> -> memref<256x64xf32, #tpu.memory_space<vmem>>
    %dma_start3A_59 = arith.constant 128 : i32
    %dma_start3A_60 = arith.constant 0 : i32
    %dma_start3A_61 = tpu.memref_slice %dma_start3A_58[%dma_start3A_59, %dma_start3A_60] : memref<256x64xf32, #tpu.memory_space<vmem>> -> memref<128x64xf32, #tpu.memory_space<vmem>>
    %dma_start3A_62 = arith.constant 0 : i32
    %dma_start3A_63 = tpu.memref_slice %arg7[%dma_start3A_53, %dma_start3A_62] : memref<8x128xi32, #tpu.memory_space<vmem>> -> memref<1x128xi32, #tpu.memory_space<vmem>>
    %dma_start3A_64 = tpu.memref_squeeze %dma_start3A_63 : memref<1x128xi32, #tpu.memory_space<vmem>> -> memref<128xi32, #tpu.memory_space<vmem>>
    %dma_start3A_65 = arith.constant 0 : i32
    %dma_start3A_66 = arith.constant 0 : i32
    %dma_start3A_67 = tpu.memref_slice %arg2[%dma_start3A_65, %dma_start3A_66] : memref<65536x64xf32, #tpu.memory_space<hbm>> -> memref<65536x64xf32, #tpu.memory_space<hbm>>
    tpu.enqueue_indirect_dma source(%dma_start3A_67 : memref<65536x64xf32, #tpu.memory_space<hbm>>) target(%dma_start3A_61 : memref<128x64xf32, #tpu.memory_space<vmem>>) offsets(%dma_start3A_64 : memref<128xi32, #tpu.memory_space<vmem>>) semaphore(%arg11 : memref<!tpu.dma_semaphore, #tpu.memory_space<semaphore_mem>>)
    %dma_start3A_68 = arith.constant 2 : i32
    %dma_start3A_69 = arith.constant 1 : i32
    %dma_start3A_70 = arith.constant 0 : i32
    %dma_start3A_71 = arith.constant 0 : i32
    %dma_start3A_72 = tpu.memref_slice %arg8[%dma_start3A_69, %dma_start3A_70, %dma_start3A_71] : memref<3x256x64xf32, #tpu.memory_space<vmem>> -> memref<1x256x64xf32, #tpu.memory_space<vmem>>
    %dma_start3A_73 = tpu.memref_squeeze %dma_start3A_72 : memref<1x256x64xf32, #tpu.memory_space<vmem>> -> memref<256x64xf32, #tpu.memory_space<vmem>>
    %dma_start3A_74 = arith.constant 0 : i32
    %dma_start3A_75 = arith.constant 0 : i32
    %dma_start3A_76 = tpu.memref_slice %dma_start3A_73[%dma_start3A_74, %dma_start3A_75] : memref<256x64xf32, #tpu.memory_space<vmem>> -> memref<128x64xf32, #tpu.memory_space<vmem>>
    %dma_start3A_77 = arith.constant 0 : i32
    %dma_start3A_78 = tpu.memref_slice %arg6[%dma_start3A_68, %dma_start3A_77] : memref<8x128xi32, #tpu.memory_space<vmem>> -> memref<1x128xi32, #tpu.memory_space<vmem>>
    %dma_start3A_79 = tpu.memref_squeeze %dma_start3A_78 : memref<1x128xi32, #tpu.memory_space<vmem>> -> memref<128xi32, #tpu.memory_space<vmem>>
    %dma_start3A_80 = arith.constant 0 : i32
    %dma_start3A_81 = arith.constant 0 : i32
    %dma_start3A_82 = tpu.memref_slice %arg2[%dma_start3A_80, %dma_start3A_81] : memref<65536x64xf32, #tpu.memory_space<hbm>> -> memref<65536x64xf32, #tpu.memory_space<hbm>>
    tpu.enqueue_indirect_dma source(%dma_start3A_82 : memref<65536x64xf32, #tpu.memory_space<hbm>>) target(%dma_start3A_76 : memref<128x64xf32, #tpu.memory_space<vmem>>) offsets(%dma_start3A_79 : memref<128xi32, #tpu.memory_space<vmem>>) semaphore(%arg10 : memref<!tpu.dma_semaphore, #tpu.memory_space<semaphore_mem>>)
    %dma_start3A_83 = arith.constant 2 : i32
    %dma_start3A_84 = arith.constant 1 : i32
    %dma_start3A_85 = arith.constant 0 : i32
    %dma_start3A_86 = arith.constant 0 : i32
    %dma_start3A_87 = tpu.memref_slice %arg9[%dma_start3A_84, %dma_start3A_85, %dma_start3A_86] : memref<3x256x64xf32, #tpu.memory_space<vmem>> -> memref<1x256x64xf32, #tpu.memory_space<vmem>>
    %dma_start3A_88 = tpu.memref_squeeze %dma_start3A_87 : memref<1x256x64xf32, #tpu.memory_space<vmem>> -> memref<256x64xf32, #tpu.memory_space<vmem>>
    %dma_start3A_89 = arith.constant 0 : i32
    %dma_start3A_90 = arith.constant 0 : i32
    %dma_start3A_91 = tpu.memref_slice %dma_start3A_88[%dma_start3A_89, %dma_start3A_90] : memref<256x64xf32, #tpu.memory_space<vmem>> -> memref<128x64xf32, #tpu.memory_space<vmem>>
    %dma_start3A_92 = arith.constant 0 : i32
    %dma_start3A_93 = tpu.memref_slice %arg7[%dma_start3A_83, %dma_start3A_92] : memref<8x128xi32, #tpu.memory_space<vmem>> -> memref<1x128xi32, #tpu.memory_space<vmem>>
    %dma_start3A_94 = tpu.memref_squeeze %dma_start3A_93 : memref<1x128xi32, #tpu.memory_space<vmem>> -> memref<128xi32, #tpu.memory_space<vmem>>
    %dma_start3A_95 = arith.constant 0 : i32
    %dma_start3A_96 = arith.constant 0 : i32
    %dma_start3A_97 = tpu.memref_slice %arg2[%dma_start3A_95, %dma_start3A_96] : memref<65536x64xf32, #tpu.memory_space<hbm>> -> memref<65536x64xf32, #tpu.memory_space<hbm>>
    tpu.enqueue_indirect_dma source(%dma_start3A_97 : memref<65536x64xf32, #tpu.memory_space<hbm>>) target(%dma_start3A_91 : memref<128x64xf32, #tpu.memory_space<vmem>>) offsets(%dma_start3A_94 : memref<128xi32, #tpu.memory_space<vmem>>) semaphore(%arg11 : memref<!tpu.dma_semaphore, #tpu.memory_space<semaphore_mem>>)
    %dma_start3A_98 = arith.constant 3 : i32
    %dma_start3A_99 = arith.constant 1 : i32
    %dma_start3A_100 = arith.constant 0 : i32
    %dma_start3A_101 = arith.constant 0 : i32
    %dma_start3A_102 = tpu.memref_slice %arg8[%dma_start3A_99, %dma_start3A_100, %dma_start3A_101] : memref<3x256x64xf32, #tpu.memory_space<vmem>> -> memref<1x256x64xf32, #tpu.memory_space<vmem>>
    %dma_start3A_103 = tpu.memref_squeeze %dma_start3A_102 : memref<1x256x64xf32, #tpu.memory_space<vmem>> -> memref<256x64xf32, #tpu.memory_space<vmem>>
    %dma_start3A_104 = arith.constant 128 : i32
    %dma_start3A_105 = arith.constant 0 : i32
    %dma_start3A_106 = tpu.memref_slice %dma_start3A_103[%dma_start3A_104, %dma_start3A_105] : memref<256x64xf32, #tpu.memory_space<vmem>> -> memref<128x64xf32, #tpu.memory_space<vmem>>
    %dma_start3A_107 = arith.constant 0 : i32
    %dma_start3A_108 = tpu.memref_slice %arg6[%dma_start3A_98, %dma_start3A_107] : memref<8x128xi32, #tpu.memory_space<vmem>> -> memref<1x128xi32, #tpu.memory_space<vmem>>
    %dma_start3A_109 = tpu.memref_squeeze %dma_start3A_108 : memref<1x128xi32, #tpu.memory_space<vmem>> -> memref<128xi32, #tpu.memory_space<vmem>>
    %dma_start3A_110 = arith.constant 0 : i32
    %dma_start3A_111 = arith.constant 0 : i32
    %dma_start3A_112 = tpu.memref_slice %arg2[%dma_start3A_110, %dma_start3A_111] : memref<65536x64xf32, #tpu.memory_space<hbm>> -> memref<65536x64xf32, #tpu.memory_space<hbm>>
    tpu.enqueue_indirect_dma source(%dma_start3A_112 : memref<65536x64xf32, #tpu.memory_space<hbm>>) target(%dma_start3A_106 : memref<128x64xf32, #tpu.memory_space<vmem>>) offsets(%dma_start3A_109 : memref<128xi32, #tpu.memory_space<vmem>>) semaphore(%arg10 : memref<!tpu.dma_semaphore, #tpu.memory_space<semaphore_mem>>)
    %dma_start3A_113 = arith.constant 3 : i32
    %dma_start3A_114 = arith.constant 1 : i32
    %dma_start3A_115 = arith.constant 0 : i32
    %dma_start3A_116 = arith.constant 0 : i32
    %dma_start3A_117 = tpu.memref_slice %arg9[%dma_start3A_114, %dma_start3A_115, %dma_start3A_116] : memref<3x256x64xf32, #tpu.memory_space<vmem>> -> memref<1x256x64xf32, #tpu.memory_space<vmem>>
    %dma_start3A_118 = tpu.memref_squeeze %dma_start3A_117 : memref<1x256x64xf32, #tpu.memory_space<vmem>> -> memref<256x64xf32, #tpu.memory_space<vmem>>
    %dma_start3A_119 = arith.constant 128 : i32
    %dma_start3A_120 = arith.constant 0 : i32
    %dma_start3A_121 = tpu.memref_slice %dma_start3A_118[%dma_start3A_119, %dma_start3A_120] : memref<256x64xf32, #tpu.memory_space<vmem>> -> memref<128x64xf32, #tpu.memory_space<vmem>>
    %dma_start3A_122 = arith.constant 0 : i32
    %dma_start3A_123 = tpu.memref_slice %arg7[%dma_start3A_113, %dma_start3A_122] : memref<8x128xi32, #tpu.memory_space<vmem>> -> memref<1x128xi32, #tpu.memory_space<vmem>>
    %dma_start3A_124 = tpu.memref_squeeze %dma_start3A_123 : memref<1x128xi32, #tpu.memory_space<vmem>> -> memref<128xi32, #tpu.memory_space<vmem>>
    %dma_start3A_125 = arith.constant 0 : i32
    %dma_start3A_126 = arith.constant 0 : i32
    %dma_start3A_127 = tpu.memref_slice %arg2[%dma_start3A_125, %dma_start3A_126] : memref<65536x64xf32, #tpu.memory_space<hbm>> -> memref<65536x64xf32, #tpu.memory_space<hbm>>
    tpu.enqueue_indirect_dma source(%dma_start3A_127 : memref<65536x64xf32, #tpu.memory_space<hbm>>) target(%dma_start3A_121 : memref<128x64xf32, #tpu.memory_space<vmem>>) offsets(%dma_start3A_124 : memref<128xi32, #tpu.memory_space<vmem>>) semaphore(%arg11 : memref<!tpu.dma_semaphore, #tpu.memory_space<semaphore_mem>>)
    %dma_wait3A = arith.constant 0 : i32
    %dma_wait3A_128 = arith.constant 0 : i32
    %dma_wait3A_129 = arith.constant 0 : i32
    %dma_wait3A_130 = arith.constant 0 : i32
    %dma_wait3A_131 = tpu.memref_slice %arg8[%dma_wait3A_128, %dma_wait3A_129, %dma_wait3A_130] : memref<3x256x64xf32, #tpu.memory_space<vmem>> -> memref<1x256x64xf32, #tpu.memory_space<vmem>>
    %dma_wait3A_132 = tpu.memref_squeeze %dma_wait3A_131 : memref<1x256x64xf32, #tpu.memory_space<vmem>> -> memref<256x64xf32, #tpu.memory_space<vmem>>
    %dma_wait3A_133 = arith.constant 0 : i32
    %dma_wait3A_134 = arith.constant 0 : i32
    %dma_wait3A_135 = tpu.memref_slice %dma_wait3A_132[%dma_wait3A_133, %dma_wait3A_134] : memref<256x64xf32, #tpu.memory_space<vmem>> -> memref<128x64xf32, #tpu.memory_space<vmem>>
    %dma_wait3A_136 = arith.constant 0 : i32
    %dma_wait3A_137 = tpu.memref_slice %arg6[%dma_wait3A, %dma_wait3A_136] : memref<8x128xi32, #tpu.memory_space<vmem>> -> memref<1x128xi32, #tpu.memory_space<vmem>>
    %dma_wait3A_138 = tpu.memref_squeeze %dma_wait3A_137 : memref<1x128xi32, #tpu.memory_space<vmem>> -> memref<128xi32, #tpu.memory_space<vmem>>
    %dma_wait3A_139 = arith.constant 0 : i32
    %dma_wait3A_140 = arith.constant 0 : i32
    %dma_wait3A_141 = tpu.memref_slice %arg2[%dma_wait3A_139, %dma_wait3A_140] : memref<65536x64xf32, #tpu.memory_space<hbm>> -> memref<65536x64xf32, #tpu.memory_space<hbm>>
    tpu.wait_indirect_dma semaphore(%arg10 : memref<!tpu.dma_semaphore, #tpu.memory_space<semaphore_mem>>) src(%dma_wait3A_141 : memref<65536x64xf32, #tpu.memory_space<hbm>>) dst(%dma_wait3A_135 : memref<128x64xf32, #tpu.memory_space<vmem>>)
    %dma_wait3A_142 = arith.constant 0 : i32
    %dma_wait3A_143 = arith.constant 0 : i32
    %dma_wait3A_144 = arith.constant 0 : i32
    %dma_wait3A_145 = arith.constant 0 : i32
    %dma_wait3A_146 = tpu.memref_slice %arg9[%dma_wait3A_143, %dma_wait3A_144, %dma_wait3A_145] : memref<3x256x64xf32, #tpu.memory_space<vmem>> -> memref<1x256x64xf32, #tpu.memory_space<vmem>>
    %dma_wait3A_147 = tpu.memref_squeeze %dma_wait3A_146 : memref<1x256x64xf32, #tpu.memory_space<vmem>> -> memref<256x64xf32, #tpu.memory_space<vmem>>
    %dma_wait3A_148 = arith.constant 0 : i32
    %dma_wait3A_149 = arith.constant 0 : i32
    %dma_wait3A_150 = tpu.memref_slice %dma_wait3A_147[%dma_wait3A_148, %dma_wait3A_149] : memref<256x64xf32, #tpu.memory_space<vmem>> -> memref<128x64xf32, #tpu.memory_space<vmem>>
    %dma_wait3A_151 = arith.constant 0 : i32
    %dma_wait3A_152 = tpu.memref_slice %arg7[%dma_wait3A_142, %dma_wait3A_151] : memref<8x128xi32, #tpu.memory_space<vmem>> -> memref<1x128xi32, #tpu.memory_space<vmem>>
    %dma_wait3A_153 = tpu.memref_squeeze %dma_wait3A_152 : memref<1x128xi32, #tpu.memory_space<vmem>> -> memref<128xi32, #tpu.memory_space<vmem>>
    %dma_wait3A_154 = arith.constant 0 : i32
    %dma_wait3A_155 = arith.constant 0 : i32
    %dma_wait3A_156 = tpu.memref_slice %arg2[%dma_wait3A_154, %dma_wait3A_155] : memref<65536x64xf32, #tpu.memory_space<hbm>> -> memref<65536x64xf32, #tpu.memory_space<hbm>>
    tpu.wait_indirect_dma semaphore(%arg11 : memref<!tpu.dma_semaphore, #tpu.memory_space<semaphore_mem>>) src(%dma_wait3A_156 : memref<65536x64xf32, #tpu.memory_space<hbm>>) dst(%dma_wait3A_150 : memref<128x64xf32, #tpu.memory_space<vmem>>)
    %dma_wait3A_157 = arith.constant 1 : i32
    %dma_wait3A_158 = arith.constant 0 : i32
    %dma_wait3A_159 = arith.constant 0 : i32
    %dma_wait3A_160 = arith.constant 0 : i32
    %dma_wait3A_161 = tpu.memref_slice %arg8[%dma_wait3A_158, %dma_wait3A_159, %dma_wait3A_160] : memref<3x256x64xf32, #tpu.memory_space<vmem>> -> memref<1x256x64xf32, #tpu.memory_space<vmem>>
    %dma_wait3A_162 = tpu.memref_squeeze %dma_wait3A_161 : memref<1x256x64xf32, #tpu.memory_space<vmem>> -> memref<256x64xf32, #tpu.memory_space<vmem>>
    %dma_wait3A_163 = arith.constant 128 : i32
    %dma_wait3A_164 = arith.constant 0 : i32
    %dma_wait3A_165 = tpu.memref_slice %dma_wait3A_162[%dma_wait3A_163, %dma_wait3A_164] : memref<256x64xf32, #tpu.memory_space<vmem>> -> memref<128x64xf32, #tpu.memory_space<vmem>>
    %dma_wait3A_166 = arith.constant 0 : i32
    %dma_wait3A_167 = tpu.memref_slice %arg6[%dma_wait3A_157, %dma_wait3A_166] : memref<8x128xi32, #tpu.memory_space<vmem>> -> memref<1x128xi32, #tpu.memory_space<vmem>>
    %dma_wait3A_168 = tpu.memref_squeeze %dma_wait3A_167 : memref<1x128xi32, #tpu.memory_space<vmem>> -> memref<128xi32, #tpu.memory_space<vmem>>
    %dma_wait3A_169 = arith.constant 0 : i32
    %dma_wait3A_170 = arith.constant 0 : i32
    %dma_wait3A_171 = tpu.memref_slice %arg2[%dma_wait3A_169, %dma_wait3A_170] : memref<65536x64xf32, #tpu.memory_space<hbm>> -> memref<65536x64xf32, #tpu.memory_space<hbm>>
    tpu.wait_indirect_dma semaphore(%arg10 : memref<!tpu.dma_semaphore, #tpu.memory_space<semaphore_mem>>) src(%dma_wait3A_171 : memref<65536x64xf32, #tpu.memory_space<hbm>>) dst(%dma_wait3A_165 : memref<128x64xf32, #tpu.memory_space<vmem>>)
    %dma_wait3A_172 = arith.constant 1 : i32
    %dma_wait3A_173 = arith.constant 0 : i32
    %dma_wait3A_174 = arith.constant 0 : i32
    %dma_wait3A_175 = arith.constant 0 : i32
    %dma_wait3A_176 = tpu.memref_slice %arg9[%dma_wait3A_173, %dma_wait3A_174, %dma_wait3A_175] : memref<3x256x64xf32, #tpu.memory_space<vmem>> -> memref<1x256x64xf32, #tpu.memory_space<vmem>>
    %dma_wait3A_177 = tpu.memref_squeeze %dma_wait3A_176 : memref<1x256x64xf32, #tpu.memory_space<vmem>> -> memref<256x64xf32, #tpu.memory_space<vmem>>
    %dma_wait3A_178 = arith.constant 128 : i32
    %dma_wait3A_179 = arith.constant 0 : i32
    %dma_wait3A_180 = tpu.memref_slice %dma_wait3A_177[%dma_wait3A_178, %dma_wait3A_179] : memref<256x64xf32, #tpu.memory_space<vmem>> -> memref<128x64xf32, #tpu.memory_space<vmem>>
    %dma_wait3A_181 = arith.constant 0 : i32
    %dma_wait3A_182 = tpu.memref_slice %arg7[%dma_wait3A_172, %dma_wait3A_181] : memref<8x128xi32, #tpu.memory_space<vmem>> -> memref<1x128xi32, #tpu.memory_space<vmem>>
    %dma_wait3A_183 = tpu.memref_squeeze %dma_wait3A_182 : memref<1x128xi32, #tpu.memory_space<vmem>> -> memref<128xi32, #tpu.memory_space<vmem>>
    %dma_wait3A_184 = arith.constant 0 : i32
    %dma_wait3A_185 = arith.constant 0 : i32
    %dma_wait3A_186 = tpu.memref_slice %arg2[%dma_wait3A_184, %dma_wait3A_185] : memref<65536x64xf32, #tpu.memory_space<hbm>> -> memref<65536x64xf32, #tpu.memory_space<hbm>>
    tpu.wait_indirect_dma semaphore(%arg11 : memref<!tpu.dma_semaphore, #tpu.memory_space<semaphore_mem>>) src(%dma_wait3A_186 : memref<65536x64xf32, #tpu.memory_space<hbm>>) dst(%dma_wait3A_180 : memref<128x64xf32, #tpu.memory_space<vmem>>)
    %dma_start3A_187 = arith.constant 4 : i32
    %dma_start3A_188 = arith.constant 2 : i32
    %dma_start3A_189 = arith.constant 0 : i32
    %dma_start3A_190 = arith.constant 0 : i32
    %dma_start3A_191 = tpu.memref_slice %arg8[%dma_start3A_188, %dma_start3A_189, %dma_start3A_190] : memref<3x256x64xf32, #tpu.memory_space<vmem>> -> memref<1x256x64xf32, #tpu.memory_space<vmem>>
    %dma_start3A_192 = tpu.memref_squeeze %dma_start3A_191 : memref<1x256x64xf32, #tpu.memory_space<vmem>> -> memref<256x64xf32, #tpu.memory_space<vmem>>
    %dma_start3A_193 = arith.constant 0 : i32
    %dma_start3A_194 = arith.constant 0 : i32
    %dma_start3A_195 = tpu.memref_slice %dma_start3A_192[%dma_start3A_193, %dma_start3A_194] : memref<256x64xf32, #tpu.memory_space<vmem>> -> memref<128x64xf32, #tpu.memory_space<vmem>>
    %dma_start3A_196 = arith.constant 0 : i32
    %dma_start3A_197 = tpu.memref_slice %arg6[%dma_start3A_187, %dma_start3A_196] : memref<8x128xi32, #tpu.memory_space<vmem>> -> memref<1x128xi32, #tpu.memory_space<vmem>>
    %dma_start3A_198 = tpu.memref_squeeze %dma_start3A_197 : memref<1x128xi32, #tpu.memory_space<vmem>> -> memref<128xi32, #tpu.memory_space<vmem>>
    %dma_start3A_199 = arith.constant 0 : i32
    %dma_start3A_200 = arith.constant 0 : i32
    %dma_start3A_201 = tpu.memref_slice %arg2[%dma_start3A_199, %dma_start3A_200] : memref<65536x64xf32, #tpu.memory_space<hbm>> -> memref<65536x64xf32, #tpu.memory_space<hbm>>
    tpu.enqueue_indirect_dma source(%dma_start3A_201 : memref<65536x64xf32, #tpu.memory_space<hbm>>) target(%dma_start3A_195 : memref<128x64xf32, #tpu.memory_space<vmem>>) offsets(%dma_start3A_198 : memref<128xi32, #tpu.memory_space<vmem>>) semaphore(%arg10 : memref<!tpu.dma_semaphore, #tpu.memory_space<semaphore_mem>>)
    %dma_start3A_202 = arith.constant 4 : i32
    %dma_start3A_203 = arith.constant 2 : i32
    %dma_start3A_204 = arith.constant 0 : i32
    %dma_start3A_205 = arith.constant 0 : i32
    %dma_start3A_206 = tpu.memref_slice %arg9[%dma_start3A_203, %dma_start3A_204, %dma_start3A_205] : memref<3x256x64xf32, #tpu.memory_space<vmem>> -> memref<1x256x64xf32, #tpu.memory_space<vmem>>
    %dma_start3A_207 = tpu.memref_squeeze %dma_start3A_206 : memref<1x256x64xf32, #tpu.memory_space<vmem>> -> memref<256x64xf32, #tpu.memory_space<vmem>>
    %dma_start3A_208 = arith.constant 0 : i32
    %dma_start3A_209 = arith.constant 0 : i32
    %dma_start3A_210 = tpu.memref_slice %dma_start3A_207[%dma_start3A_208, %dma_start3A_209] : memref<256x64xf32, #tpu.memory_space<vmem>> -> memref<128x64xf32, #tpu.memory_space<vmem>>
    %dma_start3A_211 = arith.constant 0 : i32
    %dma_start3A_212 = tpu.memref_slice %arg7[%dma_start3A_202, %dma_start3A_211] : memref<8x128xi32, #tpu.memory_space<vmem>> -> memref<1x128xi32, #tpu.memory_space<vmem>>
    %dma_start3A_213 = tpu.memref_squeeze %dma_start3A_212 : memref<1x128xi32, #tpu.memory_space<vmem>> -> memref<128xi32, #tpu.memory_space<vmem>>
    %dma_start3A_214 = arith.constant 0 : i32
    %dma_start3A_215 = arith.constant 0 : i32
    %dma_start3A_216 = tpu.memref_slice %arg2[%dma_start3A_214, %dma_start3A_215] : memref<65536x64xf32, #tpu.memory_space<hbm>> -> memref<65536x64xf32, #tpu.memory_space<hbm>>
    tpu.enqueue_indirect_dma source(%dma_start3A_216 : memref<65536x64xf32, #tpu.memory_space<hbm>>) target(%dma_start3A_210 : memref<128x64xf32, #tpu.memory_space<vmem>>) offsets(%dma_start3A_213 : memref<128xi32, #tpu.memory_space<vmem>>) semaphore(%arg11 : memref<!tpu.dma_semaphore, #tpu.memory_space<semaphore_mem>>)
    %dma_start3A_217 = arith.constant 5 : i32
    %dma_start3A_218 = arith.constant 2 : i32
    %dma_start3A_219 = arith.constant 0 : i32
    %dma_start3A_220 = arith.constant 0 : i32
    %dma_start3A_221 = tpu.memref_slice %arg8[%dma_start3A_218, %dma_start3A_219, %dma_start3A_220] : memref<3x256x64xf32, #tpu.memory_space<vmem>> -> memref<1x256x64xf32, #tpu.memory_space<vmem>>
    %dma_start3A_222 = tpu.memref_squeeze %dma_start3A_221 : memref<1x256x64xf32, #tpu.memory_space<vmem>> -> memref<256x64xf32, #tpu.memory_space<vmem>>
    %dma_start3A_223 = arith.constant 128 : i32
    %dma_start3A_224 = arith.constant 0 : i32
    %dma_start3A_225 = tpu.memref_slice %dma_start3A_222[%dma_start3A_223, %dma_start3A_224] : memref<256x64xf32, #tpu.memory_space<vmem>> -> memref<128x64xf32, #tpu.memory_space<vmem>>
    %dma_start3A_226 = arith.constant 0 : i32
    %dma_start3A_227 = tpu.memref_slice %arg6[%dma_start3A_217, %dma_start3A_226] : memref<8x128xi32, #tpu.memory_space<vmem>> -> memref<1x128xi32, #tpu.memory_space<vmem>>
    %dma_start3A_228 = tpu.memref_squeeze %dma_start3A_227 : memref<1x128xi32, #tpu.memory_space<vmem>> -> memref<128xi32, #tpu.memory_space<vmem>>
    %dma_start3A_229 = arith.constant 0 : i32
    %dma_start3A_230 = arith.constant 0 : i32
    %dma_start3A_231 = tpu.memref_slice %arg2[%dma_start3A_229, %dma_start3A_230] : memref<65536x64xf32, #tpu.memory_space<hbm>> -> memref<65536x64xf32, #tpu.memory_space<hbm>>
    tpu.enqueue_indirect_dma source(%dma_start3A_231 : memref<65536x64xf32, #tpu.memory_space<hbm>>) target(%dma_start3A_225 : memref<128x64xf32, #tpu.memory_space<vmem>>) offsets(%dma_start3A_228 : memref<128xi32, #tpu.memory_space<vmem>>) semaphore(%arg10 : memref<!tpu.dma_semaphore, #tpu.memory_space<semaphore_mem>>)
    %dma_start3A_232 = arith.constant 5 : i32
    %dma_start3A_233 = arith.constant 2 : i32
    %dma_start3A_234 = arith.constant 0 : i32
    %dma_start3A_235 = arith.constant 0 : i32
    %dma_start3A_236 = tpu.memref_slice %arg9[%dma_start3A_233, %dma_start3A_234, %dma_start3A_235] : memref<3x256x64xf32, #tpu.memory_space<vmem>> -> memref<1x256x64xf32, #tpu.memory_space<vmem>>
    %dma_start3A_237 = tpu.memref_squeeze %dma_start3A_236 : memref<1x256x64xf32, #tpu.memory_space<vmem>> -> memref<256x64xf32, #tpu.memory_space<vmem>>
    %dma_start3A_238 = arith.constant 128 : i32
    %dma_start3A_239 = arith.constant 0 : i32
    %dma_start3A_240 = tpu.memref_slice %dma_start3A_237[%dma_start3A_238, %dma_start3A_239] : memref<256x64xf32, #tpu.memory_space<vmem>> -> memref<128x64xf32, #tpu.memory_space<vmem>>
    %dma_start3A_241 = arith.constant 0 : i32
    %dma_start3A_242 = tpu.memref_slice %arg7[%dma_start3A_232, %dma_start3A_241] : memref<8x128xi32, #tpu.memory_space<vmem>> -> memref<1x128xi32, #tpu.memory_space<vmem>>
    %dma_start3A_243 = tpu.memref_squeeze %dma_start3A_242 : memref<1x128xi32, #tpu.memory_space<vmem>> -> memref<128xi32, #tpu.memory_space<vmem>>
    %dma_start3A_244 = arith.constant 0 : i32
    %dma_start3A_245 = arith.constant 0 : i32
    %dma_start3A_246 = tpu.memref_slice %arg2[%dma_start3A_244, %dma_start3A_245] : memref<65536x64xf32, #tpu.memory_space<hbm>> -> memref<65536x64xf32, #tpu.memory_space<hbm>>
    tpu.enqueue_indirect_dma source(%dma_start3A_246 : memref<65536x64xf32, #tpu.memory_space<hbm>>) target(%dma_start3A_240 : memref<128x64xf32, #tpu.memory_space<vmem>>) offsets(%dma_start3A_243 : memref<128xi32, #tpu.memory_space<vmem>>) semaphore(%arg11 : memref<!tpu.dma_semaphore, #tpu.memory_space<semaphore_mem>>)
    %mul3A_247 = arith.constant 1024 : i32
    %mul3A_248 = arith.muli %add3A, %mul3A_247 : i32
    %add3A_249 = arith.constant 0 : i32
    %add3A_250 = arith.addi %mul3A_248, %add3A_249 : i32
    %dma_start3A_251 = arith.constant 0 : i32
    %dma_start3A_252 = arith.constant 0 : i32
    %dma_start3A_253 = arith.constant 0 : i32
    %dma_start3A_254 = tpu.memref_slice %arg8[%dma_start3A_251, %dma_start3A_252, %dma_start3A_253] : memref<3x256x64xf32, #tpu.memory_space<vmem>> -> memref<1x256x64xf32, #tpu.memory_space<vmem>>
    %dma_start3A_255 = tpu.memref_squeeze %dma_start3A_254 : memref<1x256x64xf32, #tpu.memory_space<vmem>> -> memref<256x64xf32, #tpu.memory_space<vmem>>
    %dma_start3A_256 = arith.constant 0 : i32
    %dma_start3A_257 = tpu.memref_slice %arg5[%add3A_250, %dma_start3A_256] : memref<32768x128xf32, #tpu.memory_space<hbm>> -> memref<256x64xf32, #tpu.memory_space<hbm>>
    %dma_start3A_258 = arith.constant 0 : i32
    %dma_start3A_259 = tpu.memref_slice %arg5[%add3A_250, %dma_start3A_258] : memref<32768x128xf32, #tpu.memory_space<hbm>> -> memref<256x64xf32, #tpu.memory_space<hbm>>
    %dma_start3A_260 = arith.constant 0 : i32
    %dma_start3A_261 = arith.constant 0 : i32
    %dma_start3A_262 = tpu.memref_slice %arg8[%dma_start3A_251, %dma_start3A_260, %dma_start3A_261] : memref<3x256x64xf32, #tpu.memory_space<vmem>> -> memref<1x256x64xf32, #tpu.memory_space<vmem>>
    %dma_start3A_263 = tpu.memref_squeeze %dma_start3A_262 : memref<1x256x64xf32, #tpu.memory_space<vmem>> -> memref<256x64xf32, #tpu.memory_space<vmem>>
    tpu.enqueue_dma source(%dma_start3A_263 : memref<256x64xf32, #tpu.memory_space<vmem>>) target(%dma_start3A_259 : memref<256x64xf32, #tpu.memory_space<hbm>>) target_semaphore(%arg12 : memref<!tpu.dma_semaphore, #tpu.memory_space<semaphore_mem>>)
    %dma_start3A_264 = arith.constant 0 : i32
    %dma_start3A_265 = arith.constant 0 : i32
    %dma_start3A_266 = arith.constant 0 : i32
    %dma_start3A_267 = tpu.memref_slice %arg9[%dma_start3A_264, %dma_start3A_265, %dma_start3A_266] : memref<3x256x64xf32, #tpu.memory_space<vmem>> -> memref<1x256x64xf32, #tpu.memory_space<vmem>>
    %dma_start3A_268 = tpu.memref_squeeze %dma_start3A_267 : memref<1x256x64xf32, #tpu.memory_space<vmem>> -> memref<256x64xf32, #tpu.memory_space<vmem>>
    %dma_start3A_269 = arith.constant 64 : i32
    %dma_start3A_270 = tpu.memref_slice %arg5[%add3A_250, %dma_start3A_269] : memref<32768x128xf32, #tpu.memory_space<hbm>> -> memref<256x64xf32, #tpu.memory_space<hbm>>
    %dma_start3A_271 = arith.constant 64 : i32
    %dma_start3A_272 = tpu.memref_slice %arg5[%add3A_250, %dma_start3A_271] : memref<32768x128xf32, #tpu.memory_space<hbm>> -> memref<256x64xf32, #tpu.memory_space<hbm>>
    %dma_start3A_273 = arith.constant 0 : i32
    %dma_start3A_274 = arith.constant 0 : i32
    %dma_start3A_275 = tpu.memref_slice %arg9[%dma_start3A_264, %dma_start3A_273, %dma_start3A_274] : memref<3x256x64xf32, #tpu.memory_space<vmem>> -> memref<1x256x64xf32, #tpu.memory_space<vmem>>
    %dma_start3A_276 = tpu.memref_squeeze %dma_start3A_275 : memref<1x256x64xf32, #tpu.memory_space<vmem>> -> memref<256x64xf32, #tpu.memory_space<vmem>>
    tpu.enqueue_dma source(%dma_start3A_276 : memref<256x64xf32, #tpu.memory_space<vmem>>) target(%dma_start3A_272 : memref<256x64xf32, #tpu.memory_space<hbm>>) target_semaphore(%arg12 : memref<!tpu.dma_semaphore, #tpu.memory_space<semaphore_mem>>)
    %dma_wait3A_277 = arith.constant 2 : i32
    %dma_wait3A_278 = arith.constant 1 : i32
    %dma_wait3A_279 = arith.constant 0 : i32
    %dma_wait3A_280 = arith.constant 0 : i32
    %dma_wait3A_281 = tpu.memref_slice %arg8[%dma_wait3A_278, %dma_wait3A_279, %dma_wait3A_280] : memref<3x256x64xf32, #tpu.memory_space<vmem>> -> memref<1x256x64xf32, #tpu.memory_space<vmem>>
    %dma_wait3A_282 = tpu.memref_squeeze %dma_wait3A_281 : memref<1x256x64xf32, #tpu.memory_space<vmem>> -> memref<256x64xf32, #tpu.memory_space<vmem>>
    %dma_wait3A_283 = arith.constant 0 : i32
    %dma_wait3A_284 = arith.constant 0 : i32
    %dma_wait3A_285 = tpu.memref_slice %dma_wait3A_282[%dma_wait3A_283, %dma_wait3A_284] : memref<256x64xf32, #tpu.memory_space<vmem>> -> memref<128x64xf32, #tpu.memory_space<vmem>>
    %dma_wait3A_286 = arith.constant 0 : i32
    %dma_wait3A_287 = tpu.memref_slice %arg6[%dma_wait3A_277, %dma_wait3A_286] : memref<8x128xi32, #tpu.memory_space<vmem>> -> memref<1x128xi32, #tpu.memory_space<vmem>>
    %dma_wait3A_288 = tpu.memref_squeeze %dma_wait3A_287 : memref<1x128xi32, #tpu.memory_space<vmem>> -> memref<128xi32, #tpu.memory_space<vmem>>
    %dma_wait3A_289 = arith.constant 0 : i32
    %dma_wait3A_290 = arith.constant 0 : i32
    %dma_wait3A_291 = tpu.memref_slice %arg2[%dma_wait3A_289, %dma_wait3A_290] : memref<65536x64xf32, #tpu.memory_space<hbm>> -> memref<65536x64xf32, #tpu.memory_space<hbm>>
    tpu.wait_indirect_dma semaphore(%arg10 : memref<!tpu.dma_semaphore, #tpu.memory_space<semaphore_mem>>) src(%dma_wait3A_291 : memref<65536x64xf32, #tpu.memory_space<hbm>>) dst(%dma_wait3A_285 : memref<128x64xf32, #tpu.memory_space<vmem>>)
    %dma_wait3A_292 = arith.constant 2 : i32
    %dma_wait3A_293 = arith.constant 1 : i32
    %dma_wait3A_294 = arith.constant 0 : i32
    %dma_wait3A_295 = arith.constant 0 : i32
    %dma_wait3A_296 = tpu.memref_slice %arg9[%dma_wait3A_293, %dma_wait3A_294, %dma_wait3A_295] : memref<3x256x64xf32, #tpu.memory_space<vmem>> -> memref<1x256x64xf32, #tpu.memory_space<vmem>>
    %dma_wait3A_297 = tpu.memref_squeeze %dma_wait3A_296 : memref<1x256x64xf32, #tpu.memory_space<vmem>> -> memref<256x64xf32, #tpu.memory_space<vmem>>
    %dma_wait3A_298 = arith.constant 0 : i32
    %dma_wait3A_299 = arith.constant 0 : i32
    %dma_wait3A_300 = tpu.memref_slice %dma_wait3A_297[%dma_wait3A_298, %dma_wait3A_299] : memref<256x64xf32, #tpu.memory_space<vmem>> -> memref<128x64xf32, #tpu.memory_space<vmem>>
    %dma_wait3A_301 = arith.constant 0 : i32
    %dma_wait3A_302 = tpu.memref_slice %arg7[%dma_wait3A_292, %dma_wait3A_301] : memref<8x128xi32, #tpu.memory_space<vmem>> -> memref<1x128xi32, #tpu.memory_space<vmem>>
    %dma_wait3A_303 = tpu.memref_squeeze %dma_wait3A_302 : memref<1x128xi32, #tpu.memory_space<vmem>> -> memref<128xi32, #tpu.memory_space<vmem>>
    %dma_wait3A_304 = arith.constant 0 : i32
    %dma_wait3A_305 = arith.constant 0 : i32
    %dma_wait3A_306 = tpu.memref_slice %arg2[%dma_wait3A_304, %dma_wait3A_305] : memref<65536x64xf32, #tpu.memory_space<hbm>> -> memref<65536x64xf32, #tpu.memory_space<hbm>>
    tpu.wait_indirect_dma semaphore(%arg11 : memref<!tpu.dma_semaphore, #tpu.memory_space<semaphore_mem>>) src(%dma_wait3A_306 : memref<65536x64xf32, #tpu.memory_space<hbm>>) dst(%dma_wait3A_300 : memref<128x64xf32, #tpu.memory_space<vmem>>)
    %dma_wait3A_307 = arith.constant 3 : i32
    %dma_wait3A_308 = arith.constant 1 : i32
    %dma_wait3A_309 = arith.constant 0 : i32
    %dma_wait3A_310 = arith.constant 0 : i32
    %dma_wait3A_311 = tpu.memref_slice %arg8[%dma_wait3A_308, %dma_wait3A_309, %dma_wait3A_310] : memref<3x256x64xf32, #tpu.memory_space<vmem>> -> memref<1x256x64xf32, #tpu.memory_space<vmem>>
    %dma_wait3A_312 = tpu.memref_squeeze %dma_wait3A_311 : memref<1x256x64xf32, #tpu.memory_space<vmem>> -> memref<256x64xf32, #tpu.memory_space<vmem>>
    %dma_wait3A_313 = arith.constant 128 : i32
    %dma_wait3A_314 = arith.constant 0 : i32
    %dma_wait3A_315 = tpu.memref_slice %dma_wait3A_312[%dma_wait3A_313, %dma_wait3A_314] : memref<256x64xf32, #tpu.memory_space<vmem>> -> memref<128x64xf32, #tpu.memory_space<vmem>>
    %dma_wait3A_316 = arith.constant 0 : i32
    %dma_wait3A_317 = tpu.memref_slice %arg6[%dma_wait3A_307, %dma_wait3A_316] : memref<8x128xi32, #tpu.memory_space<vmem>> -> memref<1x128xi32, #tpu.memory_space<vmem>>
    %dma_wait3A_318 = tpu.memref_squeeze %dma_wait3A_317 : memref<1x128xi32, #tpu.memory_space<vmem>> -> memref<128xi32, #tpu.memory_space<vmem>>
    %dma_wait3A_319 = arith.constant 0 : i32
    %dma_wait3A_320 = arith.constant 0 : i32
    %dma_wait3A_321 = tpu.memref_slice %arg2[%dma_wait3A_319, %dma_wait3A_320] : memref<65536x64xf32, #tpu.memory_space<hbm>> -> memref<65536x64xf32, #tpu.memory_space<hbm>>
    tpu.wait_indirect_dma semaphore(%arg10 : memref<!tpu.dma_semaphore, #tpu.memory_space<semaphore_mem>>) src(%dma_wait3A_321 : memref<65536x64xf32, #tpu.memory_space<hbm>>) dst(%dma_wait3A_315 : memref<128x64xf32, #tpu.memory_space<vmem>>)
    %dma_wait3A_322 = arith.constant 3 : i32
    %dma_wait3A_323 = arith.constant 1 : i32
    %dma_wait3A_324 = arith.constant 0 : i32
    %dma_wait3A_325 = arith.constant 0 : i32
    %dma_wait3A_326 = tpu.memref_slice %arg9[%dma_wait3A_323, %dma_wait3A_324, %dma_wait3A_325] : memref<3x256x64xf32, #tpu.memory_space<vmem>> -> memref<1x256x64xf32, #tpu.memory_space<vmem>>
    %dma_wait3A_327 = tpu.memref_squeeze %dma_wait3A_326 : memref<1x256x64xf32, #tpu.memory_space<vmem>> -> memref<256x64xf32, #tpu.memory_space<vmem>>
    %dma_wait3A_328 = arith.constant 128 : i32
    %dma_wait3A_329 = arith.constant 0 : i32
    %dma_wait3A_330 = tpu.memref_slice %dma_wait3A_327[%dma_wait3A_328, %dma_wait3A_329] : memref<256x64xf32, #tpu.memory_space<vmem>> -> memref<128x64xf32, #tpu.memory_space<vmem>>
    %dma_wait3A_331 = arith.constant 0 : i32
    %dma_wait3A_332 = tpu.memref_slice %arg7[%dma_wait3A_322, %dma_wait3A_331] : memref<8x128xi32, #tpu.memory_space<vmem>> -> memref<1x128xi32, #tpu.memory_space<vmem>>
    %dma_wait3A_333 = tpu.memref_squeeze %dma_wait3A_332 : memref<1x128xi32, #tpu.memory_space<vmem>> -> memref<128xi32, #tpu.memory_space<vmem>>
    %dma_wait3A_334 = arith.constant 0 : i32
    %dma_wait3A_335 = arith.constant 0 : i32
    %dma_wait3A_336 = tpu.memref_slice %arg2[%dma_wait3A_334, %dma_wait3A_335] : memref<65536x64xf32, #tpu.memory_space<hbm>> -> memref<65536x64xf32, #tpu.memory_space<hbm>>
    tpu.wait_indirect_dma semaphore(%arg11 : memref<!tpu.dma_semaphore, #tpu.memory_space<semaphore_mem>>) src(%dma_wait3A_336 : memref<65536x64xf32, #tpu.memory_space<hbm>>) dst(%dma_wait3A_330 : memref<128x64xf32, #tpu.memory_space<vmem>>)
    %dma_wait3A_337 = arith.constant 0 : i32
    %dma_wait3A_338 = arith.constant 0 : i32
    %dma_wait3A_339 = arith.constant 0 : i32
    %dma_wait3A_340 = tpu.memref_slice %arg8[%dma_wait3A_337, %dma_wait3A_338, %dma_wait3A_339] : memref<3x256x64xf32, #tpu.memory_space<vmem>> -> memref<1x256x64xf32, #tpu.memory_space<vmem>>
    %dma_wait3A_341 = tpu.memref_squeeze %dma_wait3A_340 : memref<1x256x64xf32, #tpu.memory_space<vmem>> -> memref<256x64xf32, #tpu.memory_space<vmem>>
    %dma_wait3A_342 = arith.constant 0 : i32
    %dma_wait3A_343 = tpu.memref_slice %arg5[%add3A_250, %dma_wait3A_342] : memref<32768x128xf32, #tpu.memory_space<hbm>> -> memref<256x64xf32, #tpu.memory_space<hbm>>
    %dma_wait3A_344 = arith.constant 0 : i32
    %dma_wait3A_345 = tpu.memref_slice %arg5[%add3A_250, %dma_wait3A_344] : memref<32768x128xf32, #tpu.memory_space<hbm>> -> memref<256x64xf32, #tpu.memory_space<hbm>>
    %dma_wait3A_346 = arith.constant 0 : i32
    %dma_wait3A_347 = arith.constant 0 : i32
    %dma_wait3A_348 = tpu.memref_slice %arg8[%dma_wait3A_337, %dma_wait3A_346, %dma_wait3A_347] : memref<3x256x64xf32, #tpu.memory_space<vmem>> -> memref<1x256x64xf32, #tpu.memory_space<vmem>>
    %dma_wait3A_349 = tpu.memref_squeeze %dma_wait3A_348 : memref<1x256x64xf32, #tpu.memory_space<vmem>> -> memref<256x64xf32, #tpu.memory_space<vmem>>
    tpu.wait_dma2 semaphore(%arg12 : memref<!tpu.dma_semaphore, #tpu.memory_space<semaphore_mem>>) src(%dma_wait3A_349 : memref<256x64xf32, #tpu.memory_space<vmem>>) dst(%dma_wait3A_345 : memref<256x64xf32, #tpu.memory_space<hbm>>)
    %dma_wait3A_350 = arith.constant 0 : i32
    %dma_wait3A_351 = arith.constant 0 : i32
    %dma_wait3A_352 = arith.constant 0 : i32
    %dma_wait3A_353 = tpu.memref_slice %arg9[%dma_wait3A_350, %dma_wait3A_351, %dma_wait3A_352] : memref<3x256x64xf32, #tpu.memory_space<vmem>> -> memref<1x256x64xf32, #tpu.memory_space<vmem>>
    %dma_wait3A_354 = tpu.memref_squeeze %dma_wait3A_353 : memref<1x256x64xf32, #tpu.memory_space<vmem>> -> memref<256x64xf32, #tpu.memory_space<vmem>>
    %dma_wait3A_355 = arith.constant 64 : i32
    %dma_wait3A_356 = tpu.memref_slice %arg5[%add3A_250, %dma_wait3A_355] : memref<32768x128xf32, #tpu.memory_space<hbm>> -> memref<256x64xf32, #tpu.memory_space<hbm>>
    %dma_wait3A_357 = arith.constant 64 : i32
    %dma_wait3A_358 = tpu.memref_slice %arg5[%add3A_250, %dma_wait3A_357] : memref<32768x128xf32, #tpu.memory_space<hbm>> -> memref<256x64xf32, #tpu.memory_space<hbm>>
    %dma_wait3A_359 = arith.constant 0 : i32
    %dma_wait3A_360 = arith.constant 0 : i32
    %dma_wait3A_361 = tpu.memref_slice %arg9[%dma_wait3A_350, %dma_wait3A_359, %dma_wait3A_360] : memref<3x256x64xf32, #tpu.memory_space<vmem>> -> memref<1x256x64xf32, #tpu.memory_space<vmem>>
    %dma_wait3A_362 = tpu.memref_squeeze %dma_wait3A_361 : memref<1x256x64xf32, #tpu.memory_space<vmem>> -> memref<256x64xf32, #tpu.memory_space<vmem>>
    tpu.wait_dma2 semaphore(%arg12 : memref<!tpu.dma_semaphore, #tpu.memory_space<semaphore_mem>>) src(%dma_wait3A_362 : memref<256x64xf32, #tpu.memory_space<vmem>>) dst(%dma_wait3A_358 : memref<256x64xf32, #tpu.memory_space<hbm>>)
    %dma_start3A_363 = arith.constant 6 : i32
    %dma_start3A_364 = arith.constant 0 : i32
    %dma_start3A_365 = arith.constant 0 : i32
    %dma_start3A_366 = arith.constant 0 : i32
    %dma_start3A_367 = tpu.memref_slice %arg8[%dma_start3A_364, %dma_start3A_365, %dma_start3A_366] : memref<3x256x64xf32, #tpu.memory_space<vmem>> -> memref<1x256x64xf32, #tpu.memory_space<vmem>>
    %dma_start3A_368 = tpu.memref_squeeze %dma_start3A_367 : memref<1x256x64xf32, #tpu.memory_space<vmem>> -> memref<256x64xf32, #tpu.memory_space<vmem>>
    %dma_start3A_369 = arith.constant 0 : i32
    %dma_start3A_370 = arith.constant 0 : i32
    %dma_start3A_371 = tpu.memref_slice %dma_start3A_368[%dma_start3A_369, %dma_start3A_370] : memref<256x64xf32, #tpu.memory_space<vmem>> -> memref<128x64xf32, #tpu.memory_space<vmem>>
    %dma_start3A_372 = arith.constant 0 : i32
    %dma_start3A_373 = tpu.memref_slice %arg6[%dma_start3A_363, %dma_start3A_372] : memref<8x128xi32, #tpu.memory_space<vmem>> -> memref<1x128xi32, #tpu.memory_space<vmem>>
    %dma_start3A_374 = tpu.memref_squeeze %dma_start3A_373 : memref<1x128xi32, #tpu.memory_space<vmem>> -> memref<128xi32, #tpu.memory_space<vmem>>
    %dma_start3A_375 = arith.constant 0 : i32
    %dma_start3A_376 = arith.constant 0 : i32
    %dma_start3A_377 = tpu.memref_slice %arg2[%dma_start3A_375, %dma_start3A_376] : memref<65536x64xf32, #tpu.memory_space<hbm>> -> memref<65536x64xf32, #tpu.memory_space<hbm>>
    tpu.enqueue_indirect_dma source(%dma_start3A_377 : memref<65536x64xf32, #tpu.memory_space<hbm>>) target(%dma_start3A_371 : memref<128x64xf32, #tpu.memory_space<vmem>>) offsets(%dma_start3A_374 : memref<128xi32, #tpu.memory_space<vmem>>) semaphore(%arg10 : memref<!tpu.dma_semaphore, #tpu.memory_space<semaphore_mem>>)
    %dma_start3A_378 = arith.constant 6 : i32
    %dma_start3A_379 = arith.constant 0 : i32
    %dma_start3A_380 = arith.constant 0 : i32
    %dma_start3A_381 = arith.constant 0 : i32
    %dma_start3A_382 = tpu.memref_slice %arg9[%dma_start3A_379, %dma_start3A_380, %dma_start3A_381] : memref<3x256x64xf32, #tpu.memory_space<vmem>> -> memref<1x256x64xf32, #tpu.memory_space<vmem>>
    %dma_start3A_383 = tpu.memref_squeeze %dma_start3A_382 : memref<1x256x64xf32, #tpu.memory_space<vmem>> -> memref<256x64xf32, #tpu.memory_space<vmem>>
    %dma_start3A_384 = arith.constant 0 : i32
    %dma_start3A_385 = arith.constant 0 : i32
    %dma_start3A_386 = tpu.memref_slice %dma_start3A_383[%dma_start3A_384, %dma_start3A_385] : memref<256x64xf32, #tpu.memory_space<vmem>> -> memref<128x64xf32, #tpu.memory_space<vmem>>
    %dma_start3A_387 = arith.constant 0 : i32
    %dma_start3A_388 = tpu.memref_slice %arg7[%dma_start3A_378, %dma_start3A_387] : memref<8x128xi32, #tpu.memory_space<vmem>> -> memref<1x128xi32, #tpu.memory_space<vmem>>
    %dma_start3A_389 = tpu.memref_squeeze %dma_start3A_388 : memref<1x128xi32, #tpu.memory_space<vmem>> -> memref<128xi32, #tpu.memory_space<vmem>>
    %dma_start3A_390 = arith.constant 0 : i32
    %dma_start3A_391 = arith.constant 0 : i32
    %dma_start3A_392 = tpu.memref_slice %arg2[%dma_start3A_390, %dma_start3A_391] : memref<65536x64xf32, #tpu.memory_space<hbm>> -> memref<65536x64xf32, #tpu.memory_space<hbm>>
    tpu.enqueue_indirect_dma source(%dma_start3A_392 : memref<65536x64xf32, #tpu.memory_space<hbm>>) target(%dma_start3A_386 : memref<128x64xf32, #tpu.memory_space<vmem>>) offsets(%dma_start3A_389 : memref<128xi32, #tpu.memory_space<vmem>>) semaphore(%arg11 : memref<!tpu.dma_semaphore, #tpu.memory_space<semaphore_mem>>)
    %dma_start3A_393 = arith.constant 7 : i32
    %dma_start3A_394 = arith.constant 0 : i32
    %dma_start3A_395 = arith.constant 0 : i32
    %dma_start3A_396 = arith.constant 0 : i32
    %dma_start3A_397 = tpu.memref_slice %arg8[%dma_start3A_394, %dma_start3A_395, %dma_start3A_396] : memref<3x256x64xf32, #tpu.memory_space<vmem>> -> memref<1x256x64xf32, #tpu.memory_space<vmem>>
    %dma_start3A_398 = tpu.memref_squeeze %dma_start3A_397 : memref<1x256x64xf32, #tpu.memory_space<vmem>> -> memref<256x64xf32, #tpu.memory_space<vmem>>
    %dma_start3A_399 = arith.constant 128 : i32
    %dma_start3A_400 = arith.constant 0 : i32
    %dma_start3A_401 = tpu.memref_slice %dma_start3A_398[%dma_start3A_399, %dma_start3A_400] : memref<256x64xf32, #tpu.memory_space<vmem>> -> memref<128x64xf32, #tpu.memory_space<vmem>>
    %dma_start3A_402 = arith.constant 0 : i32
    %dma_start3A_403 = tpu.memref_slice %arg6[%dma_start3A_393, %dma_start3A_402] : memref<8x128xi32, #tpu.memory_space<vmem>> -> memref<1x128xi32, #tpu.memory_space<vmem>>
    %dma_start3A_404 = tpu.memref_squeeze %dma_start3A_403 : memref<1x128xi32, #tpu.memory_space<vmem>> -> memref<128xi32, #tpu.memory_space<vmem>>
    %dma_start3A_405 = arith.constant 0 : i32
    %dma_start3A_406 = arith.constant 0 : i32
    %dma_start3A_407 = tpu.memref_slice %arg2[%dma_start3A_405, %dma_start3A_406] : memref<65536x64xf32, #tpu.memory_space<hbm>> -> memref<65536x64xf32, #tpu.memory_space<hbm>>
    tpu.enqueue_indirect_dma source(%dma_start3A_407 : memref<65536x64xf32, #tpu.memory_space<hbm>>) target(%dma_start3A_401 : memref<128x64xf32, #tpu.memory_space<vmem>>) offsets(%dma_start3A_404 : memref<128xi32, #tpu.memory_space<vmem>>) semaphore(%arg10 : memref<!tpu.dma_semaphore, #tpu.memory_space<semaphore_mem>>)
    %dma_start3A_408 = arith.constant 7 : i32
    %dma_start3A_409 = arith.constant 0 : i32
    %dma_start3A_410 = arith.constant 0 : i32
    %dma_start3A_411 = arith.constant 0 : i32
    %dma_start3A_412 = tpu.memref_slice %arg9[%dma_start3A_409, %dma_start3A_410, %dma_start3A_411] : memref<3x256x64xf32, #tpu.memory_space<vmem>> -> memref<1x256x64xf32, #tpu.memory_space<vmem>>
    %dma_start3A_413 = tpu.memref_squeeze %dma_start3A_412 : memref<1x256x64xf32, #tpu.memory_space<vmem>> -> memref<256x64xf32, #tpu.memory_space<vmem>>
    %dma_start3A_414 = arith.constant 128 : i32
    %dma_start3A_415 = arith.constant 0 : i32
    %dma_start3A_416 = tpu.memref_slice %dma_start3A_413[%dma_start3A_414, %dma_start3A_415] : memref<256x64xf32, #tpu.memory_space<vmem>> -> memref<128x64xf32, #tpu.memory_space<vmem>>
    %dma_start3A_417 = arith.constant 0 : i32
    %dma_start3A_418 = tpu.memref_slice %arg7[%dma_start3A_408, %dma_start3A_417] : memref<8x128xi32, #tpu.memory_space<vmem>> -> memref<1x128xi32, #tpu.memory_space<vmem>>
    %dma_start3A_419 = tpu.memref_squeeze %dma_start3A_418 : memref<1x128xi32, #tpu.memory_space<vmem>> -> memref<128xi32, #tpu.memory_space<vmem>>
    %dma_start3A_420 = arith.constant 0 : i32
    %dma_start3A_421 = arith.constant 0 : i32
    %dma_start3A_422 = tpu.memref_slice %arg2[%dma_start3A_420, %dma_start3A_421] : memref<65536x64xf32, #tpu.memory_space<hbm>> -> memref<65536x64xf32, #tpu.memory_space<hbm>>
    tpu.enqueue_indirect_dma source(%dma_start3A_422 : memref<65536x64xf32, #tpu.memory_space<hbm>>) target(%dma_start3A_416 : memref<128x64xf32, #tpu.memory_space<vmem>>) offsets(%dma_start3A_419 : memref<128xi32, #tpu.memory_space<vmem>>) semaphore(%arg11 : memref<!tpu.dma_semaphore, #tpu.memory_space<semaphore_mem>>)
    %mul3A_423 = arith.constant 1024 : i32
    %mul3A_424 = arith.muli %add3A, %mul3A_423 : i32
    %add3A_425 = arith.constant 256 : i32
    %add3A_426 = arith.addi %mul3A_424, %add3A_425 : i32
    %dma_start3A_427 = arith.constant 1 : i32
    %dma_start3A_428 = arith.constant 0 : i32
    %dma_start3A_429 = arith.constant 0 : i32
    %dma_start3A_430 = tpu.memref_slice %arg8[%dma_start3A_427, %dma_start3A_428, %dma_start3A_429] : memref<3x256x64xf32, #tpu.memory_space<vmem>> -> memref<1x256x64xf32, #tpu.memory_space<vmem>>
    %dma_start3A_431 = tpu.memref_squeeze %dma_start3A_430 : memref<1x256x64xf32, #tpu.memory_space<vmem>> -> memref<256x64xf32, #tpu.memory_space<vmem>>
    %dma_start3A_432 = arith.constant 0 : i32
    %dma_start3A_433 = tpu.memref_slice %arg5[%add3A_426, %dma_start3A_432] : memref<32768x128xf32, #tpu.memory_space<hbm>> -> memref<256x64xf32, #tpu.memory_space<hbm>>
    %dma_start3A_434 = arith.constant 0 : i32
    %dma_start3A_435 = tpu.memref_slice %arg5[%add3A_426, %dma_start3A_434] : memref<32768x128xf32, #tpu.memory_space<hbm>> -> memref<256x64xf32, #tpu.memory_space<hbm>>
    %dma_start3A_436 = arith.constant 0 : i32
    %dma_start3A_437 = arith.constant 0 : i32
    %dma_start3A_438 = tpu.memref_slice %arg8[%dma_start3A_427, %dma_start3A_436, %dma_start3A_437] : memref<3x256x64xf32, #tpu.memory_space<vmem>> -> memref<1x256x64xf32, #tpu.memory_space<vmem>>
    %dma_start3A_439 = tpu.memref_squeeze %dma_start3A_438 : memref<1x256x64xf32, #tpu.memory_space<vmem>> -> memref<256x64xf32, #tpu.memory_space<vmem>>
    tpu.enqueue_dma source(%dma_start3A_439 : memref<256x64xf32, #tpu.memory_space<vmem>>) target(%dma_start3A_435 : memref<256x64xf32, #tpu.memory_space<hbm>>) target_semaphore(%arg13 : memref<!tpu.dma_semaphore, #tpu.memory_space<semaphore_mem>>)
    %dma_start3A_440 = arith.constant 1 : i32
    %dma_start3A_441 = arith.constant 0 : i32
    %dma_start3A_442 = arith.constant 0 : i32
    %dma_start3A_443 = tpu.memref_slice %arg9[%dma_start3A_440, %dma_start3A_441, %dma_start3A_442] : memref<3x256x64xf32, #tpu.memory_space<vmem>> -> memref<1x256x64xf32, #tpu.memory_space<vmem>>
    %dma_start3A_444 = tpu.memref_squeeze %dma_start3A_443 : memref<1x256x64xf32, #tpu.memory_space<vmem>> -> memref<256x64xf32, #tpu.memory_space<vmem>>
    %dma_start3A_445 = arith.constant 64 : i32
    %dma_start3A_446 = tpu.memref_slice %arg5[%add3A_426, %dma_start3A_445] : memref<32768x128xf32, #tpu.memory_space<hbm>> -> memref<256x64xf32, #tpu.memory_space<hbm>>
    %dma_start3A_447 = arith.constant 64 : i32
    %dma_start3A_448 = tpu.memref_slice %arg5[%add3A_426, %dma_start3A_447] : memref<32768x128xf32, #tpu.memory_space<hbm>> -> memref<256x64xf32, #tpu.memory_space<hbm>>
    %dma_start3A_449 = arith.constant 0 : i32
    %dma_start3A_450 = arith.constant 0 : i32
    %dma_start3A_451 = tpu.memref_slice %arg9[%dma_start3A_440, %dma_start3A_449, %dma_start3A_450] : memref<3x256x64xf32, #tpu.memory_space<vmem>> -> memref<1x256x64xf32, #tpu.memory_space<vmem>>
    %dma_start3A_452 = tpu.memref_squeeze %dma_start3A_451 : memref<1x256x64xf32, #tpu.memory_space<vmem>> -> memref<256x64xf32, #tpu.memory_space<vmem>>
    tpu.enqueue_dma source(%dma_start3A_452 : memref<256x64xf32, #tpu.memory_space<vmem>>) target(%dma_start3A_448 : memref<256x64xf32, #tpu.memory_space<hbm>>) target_semaphore(%arg13 : memref<!tpu.dma_semaphore, #tpu.memory_space<semaphore_mem>>)
    %dma_wait3A_453 = arith.constant 4 : i32
    %dma_wait3A_454 = arith.constant 2 : i32
    %dma_wait3A_455 = arith.constant 0 : i32
    %dma_wait3A_456 = arith.constant 0 : i32
    %dma_wait3A_457 = tpu.memref_slice %arg8[%dma_wait3A_454, %dma_wait3A_455, %dma_wait3A_456] : memref<3x256x64xf32, #tpu.memory_space<vmem>> -> memref<1x256x64xf32, #tpu.memory_space<vmem>>
    %dma_wait3A_458 = tpu.memref_squeeze %dma_wait3A_457 : memref<1x256x64xf32, #tpu.memory_space<vmem>> -> memref<256x64xf32, #tpu.memory_space<vmem>>
    %dma_wait3A_459 = arith.constant 0 : i32
    %dma_wait3A_460 = arith.constant 0 : i32
    %dma_wait3A_461 = tpu.memref_slice %dma_wait3A_458[%dma_wait3A_459, %dma_wait3A_460] : memref<256x64xf32, #tpu.memory_space<vmem>> -> memref<128x64xf32, #tpu.memory_space<vmem>>
    %dma_wait3A_462 = arith.constant 0 : i32
    %dma_wait3A_463 = tpu.memref_slice %arg6[%dma_wait3A_453, %dma_wait3A_462] : memref<8x128xi32, #tpu.memory_space<vmem>> -> memref<1x128xi32, #tpu.memory_space<vmem>>
    %dma_wait3A_464 = tpu.memref_squeeze %dma_wait3A_463 : memref<1x128xi32, #tpu.memory_space<vmem>> -> memref<128xi32, #tpu.memory_space<vmem>>
    %dma_wait3A_465 = arith.constant 0 : i32
    %dma_wait3A_466 = arith.constant 0 : i32
    %dma_wait3A_467 = tpu.memref_slice %arg2[%dma_wait3A_465, %dma_wait3A_466] : memref<65536x64xf32, #tpu.memory_space<hbm>> -> memref<65536x64xf32, #tpu.memory_space<hbm>>
    tpu.wait_indirect_dma semaphore(%arg10 : memref<!tpu.dma_semaphore, #tpu.memory_space<semaphore_mem>>) src(%dma_wait3A_467 : memref<65536x64xf32, #tpu.memory_space<hbm>>) dst(%dma_wait3A_461 : memref<128x64xf32, #tpu.memory_space<vmem>>)
    %dma_wait3A_468 = arith.constant 4 : i32
    %dma_wait3A_469 = arith.constant 2 : i32
    %dma_wait3A_470 = arith.constant 0 : i32
    %dma_wait3A_471 = arith.constant 0 : i32
    %dma_wait3A_472 = tpu.memref_slice %arg9[%dma_wait3A_469, %dma_wait3A_470, %dma_wait3A_471] : memref<3x256x64xf32, #tpu.memory_space<vmem>> -> memref<1x256x64xf32, #tpu.memory_space<vmem>>
    %dma_wait3A_473 = tpu.memref_squeeze %dma_wait3A_472 : memref<1x256x64xf32, #tpu.memory_space<vmem>> -> memref<256x64xf32, #tpu.memory_space<vmem>>
    %dma_wait3A_474 = arith.constant 0 : i32
    %dma_wait3A_475 = arith.constant 0 : i32
    %dma_wait3A_476 = tpu.memref_slice %dma_wait3A_473[%dma_wait3A_474, %dma_wait3A_475] : memref<256x64xf32, #tpu.memory_space<vmem>> -> memref<128x64xf32, #tpu.memory_space<vmem>>
    %dma_wait3A_477 = arith.constant 0 : i32
    %dma_wait3A_478 = tpu.memref_slice %arg7[%dma_wait3A_468, %dma_wait3A_477] : memref<8x128xi32, #tpu.memory_space<vmem>> -> memref<1x128xi32, #tpu.memory_space<vmem>>
    %dma_wait3A_479 = tpu.memref_squeeze %dma_wait3A_478 : memref<1x128xi32, #tpu.memory_space<vmem>> -> memref<128xi32, #tpu.memory_space<vmem>>
    %dma_wait3A_480 = arith.constant 0 : i32
    %dma_wait3A_481 = arith.constant 0 : i32
    %dma_wait3A_482 = tpu.memref_slice %arg2[%dma_wait3A_480, %dma_wait3A_481] : memref<65536x64xf32, #tpu.memory_space<hbm>> -> memref<65536x64xf32, #tpu.memory_space<hbm>>
    tpu.wait_indirect_dma semaphore(%arg11 : memref<!tpu.dma_semaphore, #tpu.memory_space<semaphore_mem>>) src(%dma_wait3A_482 : memref<65536x64xf32, #tpu.memory_space<hbm>>) dst(%dma_wait3A_476 : memref<128x64xf32, #tpu.memory_space<vmem>>)
    %dma_wait3A_483 = arith.constant 5 : i32
    %dma_wait3A_484 = arith.constant 2 : i32
    %dma_wait3A_485 = arith.constant 0 : i32
    %dma_wait3A_486 = arith.constant 0 : i32
    %dma_wait3A_487 = tpu.memref_slice %arg8[%dma_wait3A_484, %dma_wait3A_485, %dma_wait3A_486] : memref<3x256x64xf32, #tpu.memory_space<vmem>> -> memref<1x256x64xf32, #tpu.memory_space<vmem>>
    %dma_wait3A_488 = tpu.memref_squeeze %dma_wait3A_487 : memref<1x256x64xf32, #tpu.memory_space<vmem>> -> memref<256x64xf32, #tpu.memory_space<vmem>>
    %dma_wait3A_489 = arith.constant 128 : i32
    %dma_wait3A_490 = arith.constant 0 : i32
    %dma_wait3A_491 = tpu.memref_slice %dma_wait3A_488[%dma_wait3A_489, %dma_wait3A_490] : memref<256x64xf32, #tpu.memory_space<vmem>> -> memref<128x64xf32, #tpu.memory_space<vmem>>
    %dma_wait3A_492 = arith.constant 0 : i32
    %dma_wait3A_493 = tpu.memref_slice %arg6[%dma_wait3A_483, %dma_wait3A_492] : memref<8x128xi32, #tpu.memory_space<vmem>> -> memref<1x128xi32, #tpu.memory_space<vmem>>
    %dma_wait3A_494 = tpu.memref_squeeze %dma_wait3A_493 : memref<1x128xi32, #tpu.memory_space<vmem>> -> memref<128xi32, #tpu.memory_space<vmem>>
    %dma_wait3A_495 = arith.constant 0 : i32
    %dma_wait3A_496 = arith.constant 0 : i32
    %dma_wait3A_497 = tpu.memref_slice %arg2[%dma_wait3A_495, %dma_wait3A_496] : memref<65536x64xf32, #tpu.memory_space<hbm>> -> memref<65536x64xf32, #tpu.memory_space<hbm>>
    tpu.wait_indirect_dma semaphore(%arg10 : memref<!tpu.dma_semaphore, #tpu.memory_space<semaphore_mem>>) src(%dma_wait3A_497 : memref<65536x64xf32, #tpu.memory_space<hbm>>) dst(%dma_wait3A_491 : memref<128x64xf32, #tpu.memory_space<vmem>>)
    %dma_wait3A_498 = arith.constant 5 : i32
    %dma_wait3A_499 = arith.constant 2 : i32
    %dma_wait3A_500 = arith.constant 0 : i32
    %dma_wait3A_501 = arith.constant 0 : i32
    %dma_wait3A_502 = tpu.memref_slice %arg9[%dma_wait3A_499, %dma_wait3A_500, %dma_wait3A_501] : memref<3x256x64xf32, #tpu.memory_space<vmem>> -> memref<1x256x64xf32, #tpu.memory_space<vmem>>
    %dma_wait3A_503 = tpu.memref_squeeze %dma_wait3A_502 : memref<1x256x64xf32, #tpu.memory_space<vmem>> -> memref<256x64xf32, #tpu.memory_space<vmem>>
    %dma_wait3A_504 = arith.constant 128 : i32
    %dma_wait3A_505 = arith.constant 0 : i32
    %dma_wait3A_506 = tpu.memref_slice %dma_wait3A_503[%dma_wait3A_504, %dma_wait3A_505] : memref<256x64xf32, #tpu.memory_space<vmem>> -> memref<128x64xf32, #tpu.memory_space<vmem>>
    %dma_wait3A_507 = arith.constant 0 : i32
    %dma_wait3A_508 = tpu.memref_slice %arg7[%dma_wait3A_498, %dma_wait3A_507] : memref<8x128xi32, #tpu.memory_space<vmem>> -> memref<1x128xi32, #tpu.memory_space<vmem>>
    %dma_wait3A_509 = tpu.memref_squeeze %dma_wait3A_508 : memref<1x128xi32, #tpu.memory_space<vmem>> -> memref<128xi32, #tpu.memory_space<vmem>>
    %dma_wait3A_510 = arith.constant 0 : i32
    %dma_wait3A_511 = arith.constant 0 : i32
    %dma_wait3A_512 = tpu.memref_slice %arg2[%dma_wait3A_510, %dma_wait3A_511] : memref<65536x64xf32, #tpu.memory_space<hbm>> -> memref<65536x64xf32, #tpu.memory_space<hbm>>
    tpu.wait_indirect_dma semaphore(%arg11 : memref<!tpu.dma_semaphore, #tpu.memory_space<semaphore_mem>>) src(%dma_wait3A_512 : memref<65536x64xf32, #tpu.memory_space<hbm>>) dst(%dma_wait3A_506 : memref<128x64xf32, #tpu.memory_space<vmem>>)
    %mul3A_513 = arith.constant 1024 : i32
    %mul3A_514 = arith.muli %add3A, %mul3A_513 : i32
    %add3A_515 = arith.constant 512 : i32
    %add3A_516 = arith.addi %mul3A_514, %add3A_515 : i32
    %dma_start3A_517 = arith.constant 2 : i32
    %dma_start3A_518 = arith.constant 0 : i32
    %dma_start3A_519 = arith.constant 0 : i32
    %dma_start3A_520 = tpu.memref_slice %arg8[%dma_start3A_517, %dma_start3A_518, %dma_start3A_519] : memref<3x256x64xf32, #tpu.memory_space<vmem>> -> memref<1x256x64xf32, #tpu.memory_space<vmem>>
    %dma_start3A_521 = tpu.memref_squeeze %dma_start3A_520 : memref<1x256x64xf32, #tpu.memory_space<vmem>> -> memref<256x64xf32, #tpu.memory_space<vmem>>
    %dma_start3A_522 = arith.constant 0 : i32
    %dma_start3A_523 = tpu.memref_slice %arg5[%add3A_516, %dma_start3A_522] : memref<32768x128xf32, #tpu.memory_space<hbm>> -> memref<256x64xf32, #tpu.memory_space<hbm>>
    %dma_start3A_524 = arith.constant 0 : i32
    %dma_start3A_525 = tpu.memref_slice %arg5[%add3A_516, %dma_start3A_524] : memref<32768x128xf32, #tpu.memory_space<hbm>> -> memref<256x64xf32, #tpu.memory_space<hbm>>
    %dma_start3A_526 = arith.constant 0 : i32
    %dma_start3A_527 = arith.constant 0 : i32
    %dma_start3A_528 = tpu.memref_slice %arg8[%dma_start3A_517, %dma_start3A_526, %dma_start3A_527] : memref<3x256x64xf32, #tpu.memory_space<vmem>> -> memref<1x256x64xf32, #tpu.memory_space<vmem>>
    %dma_start3A_529 = tpu.memref_squeeze %dma_start3A_528 : memref<1x256x64xf32, #tpu.memory_space<vmem>> -> memref<256x64xf32, #tpu.memory_space<vmem>>
    tpu.enqueue_dma source(%dma_start3A_529 : memref<256x64xf32, #tpu.memory_space<vmem>>) target(%dma_start3A_525 : memref<256x64xf32, #tpu.memory_space<hbm>>) target_semaphore(%arg14 : memref<!tpu.dma_semaphore, #tpu.memory_space<semaphore_mem>>)
    %dma_start3A_530 = arith.constant 2 : i32
    %dma_start3A_531 = arith.constant 0 : i32
    %dma_start3A_532 = arith.constant 0 : i32
    %dma_start3A_533 = tpu.memref_slice %arg9[%dma_start3A_530, %dma_start3A_531, %dma_start3A_532] : memref<3x256x64xf32, #tpu.memory_space<vmem>> -> memref<1x256x64xf32, #tpu.memory_space<vmem>>
    %dma_start3A_534 = tpu.memref_squeeze %dma_start3A_533 : memref<1x256x64xf32, #tpu.memory_space<vmem>> -> memref<256x64xf32, #tpu.memory_space<vmem>>
    %dma_start3A_535 = arith.constant 64 : i32
    %dma_start3A_536 = tpu.memref_slice %arg5[%add3A_516, %dma_start3A_535] : memref<32768x128xf32, #tpu.memory_space<hbm>> -> memref<256x64xf32, #tpu.memory_space<hbm>>
    %dma_start3A_537 = arith.constant 64 : i32
    %dma_start3A_538 = tpu.memref_slice %arg5[%add3A_516, %dma_start3A_537] : memref<32768x128xf32, #tpu.memory_space<hbm>> -> memref<256x64xf32, #tpu.memory_space<hbm>>
    %dma_start3A_539 = arith.constant 0 : i32
    %dma_start3A_540 = arith.constant 0 : i32
    %dma_start3A_541 = tpu.memref_slice %arg9[%dma_start3A_530, %dma_start3A_539, %dma_start3A_540] : memref<3x256x64xf32, #tpu.memory_space<vmem>> -> memref<1x256x64xf32, #tpu.memory_space<vmem>>
    %dma_start3A_542 = tpu.memref_squeeze %dma_start3A_541 : memref<1x256x64xf32, #tpu.memory_space<vmem>> -> memref<256x64xf32, #tpu.memory_space<vmem>>
    tpu.enqueue_dma source(%dma_start3A_542 : memref<256x64xf32, #tpu.memory_space<vmem>>) target(%dma_start3A_538 : memref<256x64xf32, #tpu.memory_space<hbm>>) target_semaphore(%arg14 : memref<!tpu.dma_semaphore, #tpu.memory_space<semaphore_mem>>)
    %dma_wait3A_543 = arith.constant 6 : i32
    %dma_wait3A_544 = arith.constant 0 : i32
    %dma_wait3A_545 = arith.constant 0 : i32
    %dma_wait3A_546 = arith.constant 0 : i32
    %dma_wait3A_547 = tpu.memref_slice %arg8[%dma_wait3A_544, %dma_wait3A_545, %dma_wait3A_546] : memref<3x256x64xf32, #tpu.memory_space<vmem>> -> memref<1x256x64xf32, #tpu.memory_space<vmem>>
    %dma_wait3A_548 = tpu.memref_squeeze %dma_wait3A_547 : memref<1x256x64xf32, #tpu.memory_space<vmem>> -> memref<256x64xf32, #tpu.memory_space<vmem>>
    %dma_wait3A_549 = arith.constant 0 : i32
    %dma_wait3A_550 = arith.constant 0 : i32
    %dma_wait3A_551 = tpu.memref_slice %dma_wait3A_548[%dma_wait3A_549, %dma_wait3A_550] : memref<256x64xf32, #tpu.memory_space<vmem>> -> memref<128x64xf32, #tpu.memory_space<vmem>>
    %dma_wait3A_552 = arith.constant 0 : i32
    %dma_wait3A_553 = tpu.memref_slice %arg6[%dma_wait3A_543, %dma_wait3A_552] : memref<8x128xi32, #tpu.memory_space<vmem>> -> memref<1x128xi32, #tpu.memory_space<vmem>>
    %dma_wait3A_554 = tpu.memref_squeeze %dma_wait3A_553 : memref<1x128xi32, #tpu.memory_space<vmem>> -> memref<128xi32, #tpu.memory_space<vmem>>
    %dma_wait3A_555 = arith.constant 0 : i32
    %dma_wait3A_556 = arith.constant 0 : i32
    %dma_wait3A_557 = tpu.memref_slice %arg2[%dma_wait3A_555, %dma_wait3A_556] : memref<65536x64xf32, #tpu.memory_space<hbm>> -> memref<65536x64xf32, #tpu.memory_space<hbm>>
    tpu.wait_indirect_dma semaphore(%arg10 : memref<!tpu.dma_semaphore, #tpu.memory_space<semaphore_mem>>) src(%dma_wait3A_557 : memref<65536x64xf32, #tpu.memory_space<hbm>>) dst(%dma_wait3A_551 : memref<128x64xf32, #tpu.memory_space<vmem>>)
    %dma_wait3A_558 = arith.constant 6 : i32
    %dma_wait3A_559 = arith.constant 0 : i32
    %dma_wait3A_560 = arith.constant 0 : i32
    %dma_wait3A_561 = arith.constant 0 : i32
    %dma_wait3A_562 = tpu.memref_slice %arg9[%dma_wait3A_559, %dma_wait3A_560, %dma_wait3A_561] : memref<3x256x64xf32, #tpu.memory_space<vmem>> -> memref<1x256x64xf32, #tpu.memory_space<vmem>>
    %dma_wait3A_563 = tpu.memref_squeeze %dma_wait3A_562 : memref<1x256x64xf32, #tpu.memory_space<vmem>> -> memref<256x64xf32, #tpu.memory_space<vmem>>
    %dma_wait3A_564 = arith.constant 0 : i32
    %dma_wait3A_565 = arith.constant 0 : i32
    %dma_wait3A_566 = tpu.memref_slice %dma_wait3A_563[%dma_wait3A_564, %dma_wait3A_565] : memref<256x64xf32, #tpu.memory_space<vmem>> -> memref<128x64xf32, #tpu.memory_space<vmem>>
    %dma_wait3A_567 = arith.constant 0 : i32
    %dma_wait3A_568 = tpu.memref_slice %arg7[%dma_wait3A_558, %dma_wait3A_567] : memref<8x128xi32, #tpu.memory_space<vmem>> -> memref<1x128xi32, #tpu.memory_space<vmem>>
    %dma_wait3A_569 = tpu.memref_squeeze %dma_wait3A_568 : memref<1x128xi32, #tpu.memory_space<vmem>> -> memref<128xi32, #tpu.memory_space<vmem>>
    %dma_wait3A_570 = arith.constant 0 : i32
    %dma_wait3A_571 = arith.constant 0 : i32
    %dma_wait3A_572 = tpu.memref_slice %arg2[%dma_wait3A_570, %dma_wait3A_571] : memref<65536x64xf32, #tpu.memory_space<hbm>> -> memref<65536x64xf32, #tpu.memory_space<hbm>>
    tpu.wait_indirect_dma semaphore(%arg11 : memref<!tpu.dma_semaphore, #tpu.memory_space<semaphore_mem>>) src(%dma_wait3A_572 : memref<65536x64xf32, #tpu.memory_space<hbm>>) dst(%dma_wait3A_566 : memref<128x64xf32, #tpu.memory_space<vmem>>)
    %dma_wait3A_573 = arith.constant 7 : i32
    %dma_wait3A_574 = arith.constant 0 : i32
    %dma_wait3A_575 = arith.constant 0 : i32
    %dma_wait3A_576 = arith.constant 0 : i32
    %dma_wait3A_577 = tpu.memref_slice %arg8[%dma_wait3A_574, %dma_wait3A_575, %dma_wait3A_576] : memref<3x256x64xf32, #tpu.memory_space<vmem>> -> memref<1x256x64xf32, #tpu.memory_space<vmem>>
    %dma_wait3A_578 = tpu.memref_squeeze %dma_wait3A_577 : memref<1x256x64xf32, #tpu.memory_space<vmem>> -> memref<256x64xf32, #tpu.memory_space<vmem>>
    %dma_wait3A_579 = arith.constant 128 : i32
    %dma_wait3A_580 = arith.constant 0 : i32
    %dma_wait3A_581 = tpu.memref_slice %dma_wait3A_578[%dma_wait3A_579, %dma_wait3A_580] : memref<256x64xf32, #tpu.memory_space<vmem>> -> memref<128x64xf32, #tpu.memory_space<vmem>>
    %dma_wait3A_582 = arith.constant 0 : i32
    %dma_wait3A_583 = tpu.memref_slice %arg6[%dma_wait3A_573, %dma_wait3A_582] : memref<8x128xi32, #tpu.memory_space<vmem>> -> memref<1x128xi32, #tpu.memory_space<vmem>>
    %dma_wait3A_584 = tpu.memref_squeeze %dma_wait3A_583 : memref<1x128xi32, #tpu.memory_space<vmem>> -> memref<128xi32, #tpu.memory_space<vmem>>
    %dma_wait3A_585 = arith.constant 0 : i32
    %dma_wait3A_586 = arith.constant 0 : i32
    %dma_wait3A_587 = tpu.memref_slice %arg2[%dma_wait3A_585, %dma_wait3A_586] : memref<65536x64xf32, #tpu.memory_space<hbm>> -> memref<65536x64xf32, #tpu.memory_space<hbm>>
    tpu.wait_indirect_dma semaphore(%arg10 : memref<!tpu.dma_semaphore, #tpu.memory_space<semaphore_mem>>) src(%dma_wait3A_587 : memref<65536x64xf32, #tpu.memory_space<hbm>>) dst(%dma_wait3A_581 : memref<128x64xf32, #tpu.memory_space<vmem>>)
    %dma_wait3A_588 = arith.constant 7 : i32
    %dma_wait3A_589 = arith.constant 0 : i32
    %dma_wait3A_590 = arith.constant 0 : i32
    %dma_wait3A_591 = arith.constant 0 : i32
    %dma_wait3A_592 = tpu.memref_slice %arg9[%dma_wait3A_589, %dma_wait3A_590, %dma_wait3A_591] : memref<3x256x64xf32, #tpu.memory_space<vmem>> -> memref<1x256x64xf32, #tpu.memory_space<vmem>>
    %dma_wait3A_593 = tpu.memref_squeeze %dma_wait3A_592 : memref<1x256x64xf32, #tpu.memory_space<vmem>> -> memref<256x64xf32, #tpu.memory_space<vmem>>
    %dma_wait3A_594 = arith.constant 128 : i32
    %dma_wait3A_595 = arith.constant 0 : i32
    %dma_wait3A_596 = tpu.memref_slice %dma_wait3A_593[%dma_wait3A_594, %dma_wait3A_595] : memref<256x64xf32, #tpu.memory_space<vmem>> -> memref<128x64xf32, #tpu.memory_space<vmem>>
    %dma_wait3A_597 = arith.constant 0 : i32
    %dma_wait3A_598 = tpu.memref_slice %arg7[%dma_wait3A_588, %dma_wait3A_597] : memref<8x128xi32, #tpu.memory_space<vmem>> -> memref<1x128xi32, #tpu.memory_space<vmem>>
    %dma_wait3A_599 = tpu.memref_squeeze %dma_wait3A_598 : memref<1x128xi32, #tpu.memory_space<vmem>> -> memref<128xi32, #tpu.memory_space<vmem>>
    %dma_wait3A_600 = arith.constant 0 : i32
    %dma_wait3A_601 = arith.constant 0 : i32
    %dma_wait3A_602 = tpu.memref_slice %arg2[%dma_wait3A_600, %dma_wait3A_601] : memref<65536x64xf32, #tpu.memory_space<hbm>> -> memref<65536x64xf32, #tpu.memory_space<hbm>>
    tpu.wait_indirect_dma semaphore(%arg11 : memref<!tpu.dma_semaphore, #tpu.memory_space<semaphore_mem>>) src(%dma_wait3A_602 : memref<65536x64xf32, #tpu.memory_space<hbm>>) dst(%dma_wait3A_596 : memref<128x64xf32, #tpu.memory_space<vmem>>)
    %mul3A_603 = arith.constant 1024 : i32
    %mul3A_604 = arith.muli %add3A, %mul3A_603 : i32
    %add3A_605 = arith.constant 768 : i32
    %add3A_606 = arith.addi %mul3A_604, %add3A_605 : i32
    %dma_start3A_607 = arith.constant 0 : i32
    %dma_start3A_608 = arith.constant 0 : i32
    %dma_start3A_609 = arith.constant 0 : i32
    %dma_start3A_610 = tpu.memref_slice %arg8[%dma_start3A_607, %dma_start3A_608, %dma_start3A_609] : memref<3x256x64xf32, #tpu.memory_space<vmem>> -> memref<1x256x64xf32, #tpu.memory_space<vmem>>
    %dma_start3A_611 = tpu.memref_squeeze %dma_start3A_610 : memref<1x256x64xf32, #tpu.memory_space<vmem>> -> memref<256x64xf32, #tpu.memory_space<vmem>>
    %dma_start3A_612 = arith.constant 0 : i32
    %dma_start3A_613 = tpu.memref_slice %arg5[%add3A_606, %dma_start3A_612] : memref<32768x128xf32, #tpu.memory_space<hbm>> -> memref<256x64xf32, #tpu.memory_space<hbm>>
    %dma_start3A_614 = arith.constant 0 : i32
    %dma_start3A_615 = tpu.memref_slice %arg5[%add3A_606, %dma_start3A_614] : memref<32768x128xf32, #tpu.memory_space<hbm>> -> memref<256x64xf32, #tpu.memory_space<hbm>>
    %dma_start3A_616 = arith.constant 0 : i32
    %dma_start3A_617 = arith.constant 0 : i32
    %dma_start3A_618 = tpu.memref_slice %arg8[%dma_start3A_607, %dma_start3A_616, %dma_start3A_617] : memref<3x256x64xf32, #tpu.memory_space<vmem>> -> memref<1x256x64xf32, #tpu.memory_space<vmem>>
    %dma_start3A_619 = tpu.memref_squeeze %dma_start3A_618 : memref<1x256x64xf32, #tpu.memory_space<vmem>> -> memref<256x64xf32, #tpu.memory_space<vmem>>
    tpu.enqueue_dma source(%dma_start3A_619 : memref<256x64xf32, #tpu.memory_space<vmem>>) target(%dma_start3A_615 : memref<256x64xf32, #tpu.memory_space<hbm>>) target_semaphore(%arg12 : memref<!tpu.dma_semaphore, #tpu.memory_space<semaphore_mem>>)
    %dma_start3A_620 = arith.constant 0 : i32
    %dma_start3A_621 = arith.constant 0 : i32
    %dma_start3A_622 = arith.constant 0 : i32
    %dma_start3A_623 = tpu.memref_slice %arg9[%dma_start3A_620, %dma_start3A_621, %dma_start3A_622] : memref<3x256x64xf32, #tpu.memory_space<vmem>> -> memref<1x256x64xf32, #tpu.memory_space<vmem>>
    %dma_start3A_624 = tpu.memref_squeeze %dma_start3A_623 : memref<1x256x64xf32, #tpu.memory_space<vmem>> -> memref<256x64xf32, #tpu.memory_space<vmem>>
    %dma_start3A_625 = arith.constant 64 : i32
    %dma_start3A_626 = tpu.memref_slice %arg5[%add3A_606, %dma_start3A_625] : memref<32768x128xf32, #tpu.memory_space<hbm>> -> memref<256x64xf32, #tpu.memory_space<hbm>>
    %dma_start3A_627 = arith.constant 64 : i32
    %dma_start3A_628 = tpu.memref_slice %arg5[%add3A_606, %dma_start3A_627] : memref<32768x128xf32, #tpu.memory_space<hbm>> -> memref<256x64xf32, #tpu.memory_space<hbm>>
    %dma_start3A_629 = arith.constant 0 : i32
    %dma_start3A_630 = arith.constant 0 : i32
    %dma_start3A_631 = tpu.memref_slice %arg9[%dma_start3A_620, %dma_start3A_629, %dma_start3A_630] : memref<3x256x64xf32, #tpu.memory_space<vmem>> -> memref<1x256x64xf32, #tpu.memory_space<vmem>>
    %dma_start3A_632 = tpu.memref_squeeze %dma_start3A_631 : memref<1x256x64xf32, #tpu.memory_space<vmem>> -> memref<256x64xf32, #tpu.memory_space<vmem>>
    tpu.enqueue_dma source(%dma_start3A_632 : memref<256x64xf32, #tpu.memory_space<vmem>>) target(%dma_start3A_628 : memref<256x64xf32, #tpu.memory_space<hbm>>) target_semaphore(%arg12 : memref<!tpu.dma_semaphore, #tpu.memory_space<semaphore_mem>>)
    %dma_wait3A_633 = arith.constant 0 : i32
    %dma_wait3A_634 = arith.constant 0 : i32
    %dma_wait3A_635 = arith.constant 0 : i32
    %dma_wait3A_636 = tpu.memref_slice %arg8[%dma_wait3A_633, %dma_wait3A_634, %dma_wait3A_635] : memref<3x256x64xf32, #tpu.memory_space<vmem>> -> memref<1x256x64xf32, #tpu.memory_space<vmem>>
    %dma_wait3A_637 = tpu.memref_squeeze %dma_wait3A_636 : memref<1x256x64xf32, #tpu.memory_space<vmem>> -> memref<256x64xf32, #tpu.memory_space<vmem>>
    %dma_wait3A_638 = arith.constant 0 : i32
    %dma_wait3A_639 = tpu.memref_slice %arg5[%add3A_606, %dma_wait3A_638] : memref<32768x128xf32, #tpu.memory_space<hbm>> -> memref<256x64xf32, #tpu.memory_space<hbm>>
    %dma_wait3A_640 = arith.constant 0 : i32
    %dma_wait3A_641 = tpu.memref_slice %arg5[%add3A_606, %dma_wait3A_640] : memref<32768x128xf32, #tpu.memory_space<hbm>> -> memref<256x64xf32, #tpu.memory_space<hbm>>
    %dma_wait3A_642 = arith.constant 0 : i32
    %dma_wait3A_643 = arith.constant 0 : i32
    %dma_wait3A_644 = tpu.memref_slice %arg8[%dma_wait3A_633, %dma_wait3A_642, %dma_wait3A_643] : memref<3x256x64xf32, #tpu.memory_space<vmem>> -> memref<1x256x64xf32, #tpu.memory_space<vmem>>
    %dma_wait3A_645 = tpu.memref_squeeze %dma_wait3A_644 : memref<1x256x64xf32, #tpu.memory_space<vmem>> -> memref<256x64xf32, #tpu.memory_space<vmem>>
    tpu.wait_dma2 semaphore(%arg12 : memref<!tpu.dma_semaphore, #tpu.memory_space<semaphore_mem>>) src(%dma_wait3A_645 : memref<256x64xf32, #tpu.memory_space<vmem>>) dst(%dma_wait3A_641 : memref<256x64xf32, #tpu.memory_space<hbm>>)
    %dma_wait3A_646 = arith.constant 0 : i32
    %dma_wait3A_647 = arith.constant 0 : i32
    %dma_wait3A_648 = arith.constant 0 : i32
    %dma_wait3A_649 = tpu.memref_slice %arg9[%dma_wait3A_646, %dma_wait3A_647, %dma_wait3A_648] : memref<3x256x64xf32, #tpu.memory_space<vmem>> -> memref<1x256x64xf32, #tpu.memory_space<vmem>>
    %dma_wait3A_650 = tpu.memref_squeeze %dma_wait3A_649 : memref<1x256x64xf32, #tpu.memory_space<vmem>> -> memref<256x64xf32, #tpu.memory_space<vmem>>
    %dma_wait3A_651 = arith.constant 64 : i32
    %dma_wait3A_652 = tpu.memref_slice %arg5[%add3A_606, %dma_wait3A_651] : memref<32768x128xf32, #tpu.memory_space<hbm>> -> memref<256x64xf32, #tpu.memory_space<hbm>>
    %dma_wait3A_653 = arith.constant 64 : i32
    %dma_wait3A_654 = tpu.memref_slice %arg5[%add3A_606, %dma_wait3A_653] : memref<32768x128xf32, #tpu.memory_space<hbm>> -> memref<256x64xf32, #tpu.memory_space<hbm>>
    %dma_wait3A_655 = arith.constant 0 : i32
    %dma_wait3A_656 = arith.constant 0 : i32
    %dma_wait3A_657 = tpu.memref_slice %arg9[%dma_wait3A_646, %dma_wait3A_655, %dma_wait3A_656] : memref<3x256x64xf32, #tpu.memory_space<vmem>> -> memref<1x256x64xf32, #tpu.memory_space<vmem>>
    %dma_wait3A_658 = tpu.memref_squeeze %dma_wait3A_657 : memref<1x256x64xf32, #tpu.memory_space<vmem>> -> memref<256x64xf32, #tpu.memory_space<vmem>>
    tpu.wait_dma2 semaphore(%arg12 : memref<!tpu.dma_semaphore, #tpu.memory_space<semaphore_mem>>) src(%dma_wait3A_658 : memref<256x64xf32, #tpu.memory_space<vmem>>) dst(%dma_wait3A_654 : memref<256x64xf32, #tpu.memory_space<hbm>>)
    %dma_wait3A_659 = arith.constant 1 : i32
    %dma_wait3A_660 = arith.constant 0 : i32
    %dma_wait3A_661 = arith.constant 0 : i32
    %dma_wait3A_662 = tpu.memref_slice %arg8[%dma_wait3A_659, %dma_wait3A_660, %dma_wait3A_661] : memref<3x256x64xf32, #tpu.memory_space<vmem>> -> memref<1x256x64xf32, #tpu.memory_space<vmem>>
    %dma_wait3A_663 = tpu.memref_squeeze %dma_wait3A_662 : memref<1x256x64xf32, #tpu.memory_space<vmem>> -> memref<256x64xf32, #tpu.memory_space<vmem>>
    %dma_wait3A_664 = arith.constant 0 : i32
    %dma_wait3A_665 = tpu.memref_slice %arg5[%add3A_426, %dma_wait3A_664] : memref<32768x128xf32, #tpu.memory_space<hbm>> -> memref<256x64xf32, #tpu.memory_space<hbm>>
    %dma_wait3A_666 = arith.constant 0 : i32
    %dma_wait3A_667 = tpu.memref_slice %arg5[%add3A_426, %dma_wait3A_666] : memref<32768x128xf32, #tpu.memory_space<hbm>> -> memref<256x64xf32, #tpu.memory_space<hbm>>
    %dma_wait3A_668 = arith.constant 0 : i32
    %dma_wait3A_669 = arith.constant 0 : i32
    %dma_wait3A_670 = tpu.memref_slice %arg8[%dma_wait3A_659, %dma_wait3A_668, %dma_wait3A_669] : memref<3x256x64xf32, #tpu.memory_space<vmem>> -> memref<1x256x64xf32, #tpu.memory_space<vmem>>
    %dma_wait3A_671 = tpu.memref_squeeze %dma_wait3A_670 : memref<1x256x64xf32, #tpu.memory_space<vmem>> -> memref<256x64xf32, #tpu.memory_space<vmem>>
    tpu.wait_dma2 semaphore(%arg13 : memref<!tpu.dma_semaphore, #tpu.memory_space<semaphore_mem>>) src(%dma_wait3A_671 : memref<256x64xf32, #tpu.memory_space<vmem>>) dst(%dma_wait3A_667 : memref<256x64xf32, #tpu.memory_space<hbm>>)
    %dma_wait3A_672 = arith.constant 1 : i32
    %dma_wait3A_673 = arith.constant 0 : i32
    %dma_wait3A_674 = arith.constant 0 : i32
    %dma_wait3A_675 = tpu.memref_slice %arg9[%dma_wait3A_672, %dma_wait3A_673, %dma_wait3A_674] : memref<3x256x64xf32, #tpu.memory_space<vmem>> -> memref<1x256x64xf32, #tpu.memory_space<vmem>>
    %dma_wait3A_676 = tpu.memref_squeeze %dma_wait3A_675 : memref<1x256x64xf32, #tpu.memory_space<vmem>> -> memref<256x64xf32, #tpu.memory_space<vmem>>
    %dma_wait3A_677 = arith.constant 64 : i32
    %dma_wait3A_678 = tpu.memref_slice %arg5[%add3A_426, %dma_wait3A_677] : memref<32768x128xf32, #tpu.memory_space<hbm>> -> memref<256x64xf32, #tpu.memory_space<hbm>>
    %dma_wait3A_679 = arith.constant 64 : i32
    %dma_wait3A_680 = tpu.memref_slice %arg5[%add3A_426, %dma_wait3A_679] : memref<32768x128xf32, #tpu.memory_space<hbm>> -> memref<256x64xf32, #tpu.memory_space<hbm>>
    %dma_wait3A_681 = arith.constant 0 : i32
    %dma_wait3A_682 = arith.constant 0 : i32
    %dma_wait3A_683 = tpu.memref_slice %arg9[%dma_wait3A_672, %dma_wait3A_681, %dma_wait3A_682] : memref<3x256x64xf32, #tpu.memory_space<vmem>> -> memref<1x256x64xf32, #tpu.memory_space<vmem>>
    %dma_wait3A_684 = tpu.memref_squeeze %dma_wait3A_683 : memref<1x256x64xf32, #tpu.memory_space<vmem>> -> memref<256x64xf32, #tpu.memory_space<vmem>>
    tpu.wait_dma2 semaphore(%arg13 : memref<!tpu.dma_semaphore, #tpu.memory_space<semaphore_mem>>) src(%dma_wait3A_684 : memref<256x64xf32, #tpu.memory_space<vmem>>) dst(%dma_wait3A_680 : memref<256x64xf32, #tpu.memory_space<hbm>>)
    %dma_wait3A_685 = arith.constant 2 : i32
    %dma_wait3A_686 = arith.constant 0 : i32
    %dma_wait3A_687 = arith.constant 0 : i32
    %dma_wait3A_688 = tpu.memref_slice %arg8[%dma_wait3A_685, %dma_wait3A_686, %dma_wait3A_687] : memref<3x256x64xf32, #tpu.memory_space<vmem>> -> memref<1x256x64xf32, #tpu.memory_space<vmem>>
    %dma_wait3A_689 = tpu.memref_squeeze %dma_wait3A_688 : memref<1x256x64xf32, #tpu.memory_space<vmem>> -> memref<256x64xf32, #tpu.memory_space<vmem>>
    %dma_wait3A_690 = arith.constant 0 : i32
    %dma_wait3A_691 = tpu.memref_slice %arg5[%add3A_516, %dma_wait3A_690] : memref<32768x128xf32, #tpu.memory_space<hbm>> -> memref<256x64xf32, #tpu.memory_space<hbm>>
    %dma_wait3A_692 = arith.constant 0 : i32
    %dma_wait3A_693 = tpu.memref_slice %arg5[%add3A_516, %dma_wait3A_692] : memref<32768x128xf32, #tpu.memory_space<hbm>> -> memref<256x64xf32, #tpu.memory_space<hbm>>
    %dma_wait3A_694 = arith.constant 0 : i32
    %dma_wait3A_695 = arith.constant 0 : i32
    %dma_wait3A_696 = tpu.memref_slice %arg8[%dma_wait3A_685, %dma_wait3A_694, %dma_wait3A_695] : memref<3x256x64xf32, #tpu.memory_space<vmem>> -> memref<1x256x64xf32, #tpu.memory_space<vmem>>
    %dma_wait3A_697 = tpu.memref_squeeze %dma_wait3A_696 : memref<1x256x64xf32, #tpu.memory_space<vmem>> -> memref<256x64xf32, #tpu.memory_space<vmem>>
    tpu.wait_dma2 semaphore(%arg14 : memref<!tpu.dma_semaphore, #tpu.memory_space<semaphore_mem>>) src(%dma_wait3A_697 : memref<256x64xf32, #tpu.memory_space<vmem>>) dst(%dma_wait3A_693 : memref<256x64xf32, #tpu.memory_space<hbm>>)
    %dma_wait3A_698 = arith.constant 2 : i32
    %dma_wait3A_699 = arith.constant 0 : i32
    %dma_wait3A_700 = arith.constant 0 : i32
    %dma_wait3A_701 = tpu.memref_slice %arg9[%dma_wait3A_698, %dma_wait3A_699, %dma_wait3A_700] : memref<3x256x64xf32, #tpu.memory_space<vmem>> -> memref<1x256x64xf32, #tpu.memory_space<vmem>>
    %dma_wait3A_702 = tpu.memref_squeeze %dma_wait3A_701 : memref<1x256x64xf32, #tpu.memory_space<vmem>> -> memref<256x64xf32, #tpu.memory_space<vmem>>
    %dma_wait3A_703 = arith.constant 64 : i32
    %dma_wait3A_704 = tpu.memref_slice %arg5[%add3A_516, %dma_wait3A_703] : memref<32768x128xf32, #tpu.memory_space<hbm>> -> memref<256x64xf32, #tpu.memory_space<hbm>>
    %dma_wait3A_705 = arith.constant 64 : i32
    %dma_wait3A_706 = tpu.memref_slice %arg5[%add3A_516, %dma_wait3A_705] : memref<32768x128xf32, #tpu.memory_space<hbm>> -> memref<256x64xf32, #tpu.memory_space<hbm>>
    %dma_wait3A_707 = arith.constant 0 : i32
    %dma_wait3A_708 = arith.constant 0 : i32
    %dma_wait3A_709 = tpu.memref_slice %arg9[%dma_wait3A_698, %dma_wait3A_707, %dma_wait3A_708] : memref<3x256x64xf32, #tpu.memory_space<vmem>> -> memref<1x256x64xf32, #tpu.memory_space<vmem>>
    %dma_wait3A_710 = tpu.memref_squeeze %dma_wait3A_709 : memref<1x256x64xf32, #tpu.memory_space<vmem>> -> memref<256x64xf32, #tpu.memory_space<vmem>>
    tpu.wait_dma2 semaphore(%arg14 : memref<!tpu.dma_semaphore, #tpu.memory_space<semaphore_mem>>) src(%dma_wait3A_710 : memref<256x64xf32, #tpu.memory_space<vmem>>) dst(%dma_wait3A_706 : memref<256x64xf32, #tpu.memory_space<hbm>>)
    return
  }
}

#map = affine_map<(d0, d1) -> (0, 0)>
module attributes {stable_mosaic.version = 14 : i64} {
  func.func @gather_kernel(%arg0: i32, %arg1: i32, %arg2: memref<65536x64xf32, #tpu.memory_space<hbm>>, %arg3: memref<512x128xi32, #tpu.memory_space<hbm>>, %arg4: memref<512x128xi32, #tpu.memory_space<hbm>>, %arg5: memref<32768x128xf32, #tpu.memory_space<hbm>>, %arg6: memref<8x128xi32, #tpu.memory_space<vmem>>, %arg7: memref<8x128xi32, #tpu.memory_space<vmem>>, %arg8: memref<3x256x64xf32, #tpu.memory_space<vmem>>, %arg9: memref<3x256x64xf32, #tpu.memory_space<vmem>>, %arg10: memref<!tpu.dma_semaphore, #tpu.memory_space<semaphore_mem>>, %arg11: memref<!tpu.dma_semaphore, #tpu.memory_space<semaphore_mem>>, %arg12: memref<!tpu.dma_semaphore, #tpu.memory_space<semaphore_mem>>, %arg13: memref<!tpu.dma_semaphore, #tpu.memory_space<semaphore_mem>>, %arg14: memref<!tpu.dma_semaphore, #tpu.memory_space<semaphore_mem>>) attributes {dimension_semantics = [#tpu.dimension_semantics<core_parallel>, #tpu.dimension_semantics<subcore_parallel>], iteration_bounds = array<i64: 2, 16>, scalar_prefetch = 0 : i64, scratch_operands = 9 : i64, tpu.core_type = #tpu.core_type<sc_vector_subcore>, window_params = [{transform_indices = #map}, {transform_indices = #map}, {transform_indices = #map}, {transform_indices = #map}]} {
    %mul3A = arith.constant 2 : i32
    %mul3A_0 = arith.muli %arg1, %mul3A : i32
    %add3A = arith.addi %mul3A_0, %arg0 : i32
    %mul3A_1 = arith.constant 8 : i32
    %mul3A_2 = arith.muli %add3A, %mul3A_1 : i32
    %add3A_3 = arith.constant 256 : i32
    %add3A_4 = arith.addi %add3A_3, %mul3A_2 : i32
    "tpu.region"() ({
      %run_scoped3A = tpu.sem_alloc : memref<!tpu.dma_semaphore, #tpu.memory_space<semaphore_mem>>
      %dma_start3A_711 = arith.constant 0 : i32
      %dma_start3A_712 = tpu.memref_slice %arg3[%add3A_4, %dma_start3A_711] : memref<512x128xi32, #tpu.memory_space<hbm>> -> memref<8x128xi32, #tpu.memory_space<hbm>>
      %dma_start3A_713 = arith.constant 0 : i32
      %dma_start3A_714 = tpu.memref_slice %arg3[%add3A_4, %dma_start3A_713] : memref<512x128xi32, #tpu.memory_space<hbm>> -> memref<8x128xi32, #tpu.memory_space<hbm>>
      tpu.enqueue_dma source(%dma_start3A_714 : memref<8x128xi32, #tpu.memory_space<hbm>>) target(%arg6 : memref<8x128xi32, #tpu.memory_space<vmem>>) target_semaphore(%run_scoped3A : memref<!tpu.dma_semaphore, #tpu.memory_space<semaphore_mem>>)
      %dma_wait3A_715 = arith.constant 0 : i32
      %dma_wait3A_716 = tpu.memref_slice %arg3[%add3A_4, %dma_wait3A_715] : memref<512x128xi32, #tpu.memory_space<hbm>> -> memref<8x128xi32, #tpu.memory_space<hbm>>
      %dma_wait3A_717 = arith.constant 0 : i32
      %dma_wait3A_718 = tpu.memref_slice %arg3[%add3A_4, %dma_wait3A_717] : memref<512x128xi32, #tpu.memory_space<hbm>> -> memref<8x128xi32, #tpu.memory_space<hbm>>
      tpu.wait_dma2 semaphore(%run_scoped3A : memref<!tpu.dma_semaphore, #tpu.memory_space<semaphore_mem>>) src(%dma_wait3A_718 : memref<8x128xi32, #tpu.memory_space<hbm>>) dst(%arg6 : memref<8x128xi32, #tpu.memory_space<vmem>>)
      tpu.yield
    }) : () -> ()
    %mul3A_5 = arith.constant 8 : i32
    %mul3A_6 = arith.muli %add3A, %mul3A_5 : i32
    %add3A_7 = arith.constant 256 : i32
    %add3A_8 = arith.addi %add3A_7, %mul3A_6 : i32
    "tpu.region"() ({
      %run_scoped3A = tpu.sem_alloc : memref<!tpu.dma_semaphore, #tpu.memory_space<semaphore_mem>>
      %dma_start3A_711 = arith.constant 0 : i32
      %dma_start3A_712 = tpu.memref_slice %arg4[%add3A_8, %dma_start3A_711] : memref<512x128xi32, #tpu.memory_space<hbm>> -> memref<8x128xi32, #tpu.memory_space<hbm>>
      %dma_start3A_713 = arith.constant 0 : i32
      %dma_start3A_714 = tpu.memref_slice %arg4[%add3A_8, %dma_start3A_713] : memref<512x128xi32, #tpu.memory_space<hbm>> -> memref<8x128xi32, #tpu.memory_space<hbm>>
      tpu.enqueue_dma source(%dma_start3A_714 : memref<8x128xi32, #tpu.memory_space<hbm>>) target(%arg7 : memref<8x128xi32, #tpu.memory_space<vmem>>) target_semaphore(%run_scoped3A : memref<!tpu.dma_semaphore, #tpu.memory_space<semaphore_mem>>)
      %dma_wait3A_715 = arith.constant 0 : i32
      %dma_wait3A_716 = tpu.memref_slice %arg4[%add3A_8, %dma_wait3A_715] : memref<512x128xi32, #tpu.memory_space<hbm>> -> memref<8x128xi32, #tpu.memory_space<hbm>>
      %dma_wait3A_717 = arith.constant 0 : i32
      %dma_wait3A_718 = tpu.memref_slice %arg4[%add3A_8, %dma_wait3A_717] : memref<512x128xi32, #tpu.memory_space<hbm>> -> memref<8x128xi32, #tpu.memory_space<hbm>>
      tpu.wait_dma2 semaphore(%run_scoped3A : memref<!tpu.dma_semaphore, #tpu.memory_space<semaphore_mem>>) src(%dma_wait3A_718 : memref<8x128xi32, #tpu.memory_space<hbm>>) dst(%arg7 : memref<8x128xi32, #tpu.memory_space<vmem>>)
      tpu.yield
    }) : () -> ()
    %dma_start3A = arith.constant 0 : i32
    %dma_start3A_9 = arith.constant 0 : i32
    %dma_start3A_10 = arith.constant 0 : i32
    %dma_start3A_11 = arith.constant 0 : i32
    %dma_start3A_12 = tpu.memref_slice %arg8[%dma_start3A_9, %dma_start3A_10, %dma_start3A_11] : memref<3x256x64xf32, #tpu.memory_space<vmem>> -> memref<1x256x64xf32, #tpu.memory_space<vmem>>
    %dma_start3A_13 = tpu.memref_squeeze %dma_start3A_12 : memref<1x256x64xf32, #tpu.memory_space<vmem>> -> memref<256x64xf32, #tpu.memory_space<vmem>>
    %dma_start3A_14 = arith.constant 0 : i32
    %dma_start3A_15 = arith.constant 0 : i32
    %dma_start3A_16 = tpu.memref_slice %dma_start3A_13[%dma_start3A_14, %dma_start3A_15] : memref<256x64xf32, #tpu.memory_space<vmem>> -> memref<128x64xf32, #tpu.memory_space<vmem>>
    %dma_start3A_17 = arith.constant 0 : i32
    %dma_start3A_18 = tpu.memref_slice %arg6[%dma_start3A, %dma_start3A_17] : memref<8x128xi32, #tpu.memory_space<vmem>> -> memref<1x128xi32, #tpu.memory_space<vmem>>
    %dma_start3A_19 = tpu.memref_squeeze %dma_start3A_18 : memref<1x128xi32, #tpu.memory_space<vmem>> -> memref<128xi32, #tpu.memory_space<vmem>>
    %dma_start3A_20 = arith.constant 0 : i32
    %dma_start3A_21 = arith.constant 0 : i32
    %dma_start3A_22 = tpu.memref_slice %arg2[%dma_start3A_20, %dma_start3A_21] : memref<65536x64xf32, #tpu.memory_space<hbm>> -> memref<65536x64xf32, #tpu.memory_space<hbm>>
    tpu.enqueue_indirect_dma source(%dma_start3A_22 : memref<65536x64xf32, #tpu.memory_space<hbm>>) target(%dma_start3A_16 : memref<128x64xf32, #tpu.memory_space<vmem>>) offsets(%dma_start3A_19 : memref<128xi32, #tpu.memory_space<vmem>>) semaphore(%arg10 : memref<!tpu.dma_semaphore, #tpu.memory_space<semaphore_mem>>)
    %dma_start3A_23 = arith.constant 0 : i32
    %dma_start3A_24 = arith.constant 0 : i32
    %dma_start3A_25 = arith.constant 0 : i32
    %dma_start3A_26 = arith.constant 0 : i32
    %dma_start3A_27 = tpu.memref_slice %arg9[%dma_start3A_24, %dma_start3A_25, %dma_start3A_26] : memref<3x256x64xf32, #tpu.memory_space<vmem>> -> memref<1x256x64xf32, #tpu.memory_space<vmem>>
    %dma_start3A_28 = tpu.memref_squeeze %dma_start3A_27 : memref<1x256x64xf32, #tpu.memory_space<vmem>> -> memref<256x64xf32, #tpu.memory_space<vmem>>
    %dma_start3A_29 = arith.constant 0 : i32
    %dma_start3A_30 = arith.constant 0 : i32
    %dma_start3A_31 = tpu.memref_slice %dma_start3A_28[%dma_start3A_29, %dma_start3A_30] : memref<256x64xf32, #tpu.memory_space<vmem>> -> memref<128x64xf32, #tpu.memory_space<vmem>>
    %dma_start3A_32 = arith.constant 0 : i32
    %dma_start3A_33 = tpu.memref_slice %arg7[%dma_start3A_23, %dma_start3A_32] : memref<8x128xi32, #tpu.memory_space<vmem>> -> memref<1x128xi32, #tpu.memory_space<vmem>>
    %dma_start3A_34 = tpu.memref_squeeze %dma_start3A_33 : memref<1x128xi32, #tpu.memory_space<vmem>> -> memref<128xi32, #tpu.memory_space<vmem>>
    %dma_start3A_35 = arith.constant 0 : i32
    %dma_start3A_36 = arith.constant 0 : i32
    %dma_start3A_37 = tpu.memref_slice %arg2[%dma_start3A_35, %dma_start3A_36] : memref<65536x64xf32, #tpu.memory_space<hbm>> -> memref<65536x64xf32, #tpu.memory_space<hbm>>
    tpu.enqueue_indirect_dma source(%dma_start3A_37 : memref<65536x64xf32, #tpu.memory_space<hbm>>) target(%dma_start3A_31 : memref<128x64xf32, #tpu.memory_space<vmem>>) offsets(%dma_start3A_34 : memref<128xi32, #tpu.memory_space<vmem>>) semaphore(%arg11 : memref<!tpu.dma_semaphore, #tpu.memory_space<semaphore_mem>>)
    %dma_start3A_38 = arith.constant 1 : i32
    %dma_start3A_39 = arith.constant 0 : i32
    %dma_start3A_40 = arith.constant 0 : i32
    %dma_start3A_41 = arith.constant 0 : i32
    %dma_start3A_42 = tpu.memref_slice %arg8[%dma_start3A_39, %dma_start3A_40, %dma_start3A_41] : memref<3x256x64xf32, #tpu.memory_space<vmem>> -> memref<1x256x64xf32, #tpu.memory_space<vmem>>
    %dma_start3A_43 = tpu.memref_squeeze %dma_start3A_42 : memref<1x256x64xf32, #tpu.memory_space<vmem>> -> memref<256x64xf32, #tpu.memory_space<vmem>>
    %dma_start3A_44 = arith.constant 128 : i32
    %dma_start3A_45 = arith.constant 0 : i32
    %dma_start3A_46 = tpu.memref_slice %dma_start3A_43[%dma_start3A_44, %dma_start3A_45] : memref<256x64xf32, #tpu.memory_space<vmem>> -> memref<128x64xf32, #tpu.memory_space<vmem>>
    %dma_start3A_47 = arith.constant 0 : i32
    %dma_start3A_48 = tpu.memref_slice %arg6[%dma_start3A_38, %dma_start3A_47] : memref<8x128xi32, #tpu.memory_space<vmem>> -> memref<1x128xi32, #tpu.memory_space<vmem>>
    %dma_start3A_49 = tpu.memref_squeeze %dma_start3A_48 : memref<1x128xi32, #tpu.memory_space<vmem>> -> memref<128xi32, #tpu.memory_space<vmem>>
    %dma_start3A_50 = arith.constant 0 : i32
    %dma_start3A_51 = arith.constant 0 : i32
    %dma_start3A_52 = tpu.memref_slice %arg2[%dma_start3A_50, %dma_start3A_51] : memref<65536x64xf32, #tpu.memory_space<hbm>> -> memref<65536x64xf32, #tpu.memory_space<hbm>>
    tpu.enqueue_indirect_dma source(%dma_start3A_52 : memref<65536x64xf32, #tpu.memory_space<hbm>>) target(%dma_start3A_46 : memref<128x64xf32, #tpu.memory_space<vmem>>) offsets(%dma_start3A_49 : memref<128xi32, #tpu.memory_space<vmem>>) semaphore(%arg10 : memref<!tpu.dma_semaphore, #tpu.memory_space<semaphore_mem>>)
    %dma_start3A_53 = arith.constant 1 : i32
    %dma_start3A_54 = arith.constant 0 : i32
    %dma_start3A_55 = arith.constant 0 : i32
    %dma_start3A_56 = arith.constant 0 : i32
    %dma_start3A_57 = tpu.memref_slice %arg9[%dma_start3A_54, %dma_start3A_55, %dma_start3A_56] : memref<3x256x64xf32, #tpu.memory_space<vmem>> -> memref<1x256x64xf32, #tpu.memory_space<vmem>>
    %dma_start3A_58 = tpu.memref_squeeze %dma_start3A_57 : memref<1x256x64xf32, #tpu.memory_space<vmem>> -> memref<256x64xf32, #tpu.memory_space<vmem>>
    %dma_start3A_59 = arith.constant 128 : i32
    %dma_start3A_60 = arith.constant 0 : i32
    %dma_start3A_61 = tpu.memref_slice %dma_start3A_58[%dma_start3A_59, %dma_start3A_60] : memref<256x64xf32, #tpu.memory_space<vmem>> -> memref<128x64xf32, #tpu.memory_space<vmem>>
    %dma_start3A_62 = arith.constant 0 : i32
    %dma_start3A_63 = tpu.memref_slice %arg7[%dma_start3A_53, %dma_start3A_62] : memref<8x128xi32, #tpu.memory_space<vmem>> -> memref<1x128xi32, #tpu.memory_space<vmem>>
    %dma_start3A_64 = tpu.memref_squeeze %dma_start3A_63 : memref<1x128xi32, #tpu.memory_space<vmem>> -> memref<128xi32, #tpu.memory_space<vmem>>
    %dma_start3A_65 = arith.constant 0 : i32
    %dma_start3A_66 = arith.constant 0 : i32
    %dma_start3A_67 = tpu.memref_slice %arg2[%dma_start3A_65, %dma_start3A_66] : memref<65536x64xf32, #tpu.memory_space<hbm>> -> memref<65536x64xf32, #tpu.memory_space<hbm>>
    tpu.enqueue_indirect_dma source(%dma_start3A_67 : memref<65536x64xf32, #tpu.memory_space<hbm>>) target(%dma_start3A_61 : memref<128x64xf32, #tpu.memory_space<vmem>>) offsets(%dma_start3A_64 : memref<128xi32, #tpu.memory_space<vmem>>) semaphore(%arg11 : memref<!tpu.dma_semaphore, #tpu.memory_space<semaphore_mem>>)
    %dma_start3A_68 = arith.constant 2 : i32
    %dma_start3A_69 = arith.constant 1 : i32
    %dma_start3A_70 = arith.constant 0 : i32
    %dma_start3A_71 = arith.constant 0 : i32
    %dma_start3A_72 = tpu.memref_slice %arg8[%dma_start3A_69, %dma_start3A_70, %dma_start3A_71] : memref<3x256x64xf32, #tpu.memory_space<vmem>> -> memref<1x256x64xf32, #tpu.memory_space<vmem>>
    %dma_start3A_73 = tpu.memref_squeeze %dma_start3A_72 : memref<1x256x64xf32, #tpu.memory_space<vmem>> -> memref<256x64xf32, #tpu.memory_space<vmem>>
    %dma_start3A_74 = arith.constant 0 : i32
    %dma_start3A_75 = arith.constant 0 : i32
    %dma_start3A_76 = tpu.memref_slice %dma_start3A_73[%dma_start3A_74, %dma_start3A_75] : memref<256x64xf32, #tpu.memory_space<vmem>> -> memref<128x64xf32, #tpu.memory_space<vmem>>
    %dma_start3A_77 = arith.constant 0 : i32
    %dma_start3A_78 = tpu.memref_slice %arg6[%dma_start3A_68, %dma_start3A_77] : memref<8x128xi32, #tpu.memory_space<vmem>> -> memref<1x128xi32, #tpu.memory_space<vmem>>
    %dma_start3A_79 = tpu.memref_squeeze %dma_start3A_78 : memref<1x128xi32, #tpu.memory_space<vmem>> -> memref<128xi32, #tpu.memory_space<vmem>>
    %dma_start3A_80 = arith.constant 0 : i32
    %dma_start3A_81 = arith.constant 0 : i32
    %dma_start3A_82 = tpu.memref_slice %arg2[%dma_start3A_80, %dma_start3A_81] : memref<65536x64xf32, #tpu.memory_space<hbm>> -> memref<65536x64xf32, #tpu.memory_space<hbm>>
    tpu.enqueue_indirect_dma source(%dma_start3A_82 : memref<65536x64xf32, #tpu.memory_space<hbm>>) target(%dma_start3A_76 : memref<128x64xf32, #tpu.memory_space<vmem>>) offsets(%dma_start3A_79 : memref<128xi32, #tpu.memory_space<vmem>>) semaphore(%arg10 : memref<!tpu.dma_semaphore, #tpu.memory_space<semaphore_mem>>)
    %dma_start3A_83 = arith.constant 2 : i32
    %dma_start3A_84 = arith.constant 1 : i32
    %dma_start3A_85 = arith.constant 0 : i32
    %dma_start3A_86 = arith.constant 0 : i32
    %dma_start3A_87 = tpu.memref_slice %arg9[%dma_start3A_84, %dma_start3A_85, %dma_start3A_86] : memref<3x256x64xf32, #tpu.memory_space<vmem>> -> memref<1x256x64xf32, #tpu.memory_space<vmem>>
    %dma_start3A_88 = tpu.memref_squeeze %dma_start3A_87 : memref<1x256x64xf32, #tpu.memory_space<vmem>> -> memref<256x64xf32, #tpu.memory_space<vmem>>
    %dma_start3A_89 = arith.constant 0 : i32
    %dma_start3A_90 = arith.constant 0 : i32
    %dma_start3A_91 = tpu.memref_slice %dma_start3A_88[%dma_start3A_89, %dma_start3A_90] : memref<256x64xf32, #tpu.memory_space<vmem>> -> memref<128x64xf32, #tpu.memory_space<vmem>>
    %dma_start3A_92 = arith.constant 0 : i32
    %dma_start3A_93 = tpu.memref_slice %arg7[%dma_start3A_83, %dma_start3A_92] : memref<8x128xi32, #tpu.memory_space<vmem>> -> memref<1x128xi32, #tpu.memory_space<vmem>>
    %dma_start3A_94 = tpu.memref_squeeze %dma_start3A_93 : memref<1x128xi32, #tpu.memory_space<vmem>> -> memref<128xi32, #tpu.memory_space<vmem>>
    %dma_start3A_95 = arith.constant 0 : i32
    %dma_start3A_96 = arith.constant 0 : i32
    %dma_start3A_97 = tpu.memref_slice %arg2[%dma_start3A_95, %dma_start3A_96] : memref<65536x64xf32, #tpu.memory_space<hbm>> -> memref<65536x64xf32, #tpu.memory_space<hbm>>
    tpu.enqueue_indirect_dma source(%dma_start3A_97 : memref<65536x64xf32, #tpu.memory_space<hbm>>) target(%dma_start3A_91 : memref<128x64xf32, #tpu.memory_space<vmem>>) offsets(%dma_start3A_94 : memref<128xi32, #tpu.memory_space<vmem>>) semaphore(%arg11 : memref<!tpu.dma_semaphore, #tpu.memory_space<semaphore_mem>>)
    %dma_start3A_98 = arith.constant 3 : i32
    %dma_start3A_99 = arith.constant 1 : i32
    %dma_start3A_100 = arith.constant 0 : i32
    %dma_start3A_101 = arith.constant 0 : i32
    %dma_start3A_102 = tpu.memref_slice %arg8[%dma_start3A_99, %dma_start3A_100, %dma_start3A_101] : memref<3x256x64xf32, #tpu.memory_space<vmem>> -> memref<1x256x64xf32, #tpu.memory_space<vmem>>
    %dma_start3A_103 = tpu.memref_squeeze %dma_start3A_102 : memref<1x256x64xf32, #tpu.memory_space<vmem>> -> memref<256x64xf32, #tpu.memory_space<vmem>>
    %dma_start3A_104 = arith.constant 128 : i32
    %dma_start3A_105 = arith.constant 0 : i32
    %dma_start3A_106 = tpu.memref_slice %dma_start3A_103[%dma_start3A_104, %dma_start3A_105] : memref<256x64xf32, #tpu.memory_space<vmem>> -> memref<128x64xf32, #tpu.memory_space<vmem>>
    %dma_start3A_107 = arith.constant 0 : i32
    %dma_start3A_108 = tpu.memref_slice %arg6[%dma_start3A_98, %dma_start3A_107] : memref<8x128xi32, #tpu.memory_space<vmem>> -> memref<1x128xi32, #tpu.memory_space<vmem>>
    %dma_start3A_109 = tpu.memref_squeeze %dma_start3A_108 : memref<1x128xi32, #tpu.memory_space<vmem>> -> memref<128xi32, #tpu.memory_space<vmem>>
    %dma_start3A_110 = arith.constant 0 : i32
    %dma_start3A_111 = arith.constant 0 : i32
    %dma_start3A_112 = tpu.memref_slice %arg2[%dma_start3A_110, %dma_start3A_111] : memref<65536x64xf32, #tpu.memory_space<hbm>> -> memref<65536x64xf32, #tpu.memory_space<hbm>>
    tpu.enqueue_indirect_dma source(%dma_start3A_112 : memref<65536x64xf32, #tpu.memory_space<hbm>>) target(%dma_start3A_106 : memref<128x64xf32, #tpu.memory_space<vmem>>) offsets(%dma_start3A_109 : memref<128xi32, #tpu.memory_space<vmem>>) semaphore(%arg10 : memref<!tpu.dma_semaphore, #tpu.memory_space<semaphore_mem>>)
    %dma_start3A_113 = arith.constant 3 : i32
    %dma_start3A_114 = arith.constant 1 : i32
    %dma_start3A_115 = arith.constant 0 : i32
    %dma_start3A_116 = arith.constant 0 : i32
    %dma_start3A_117 = tpu.memref_slice %arg9[%dma_start3A_114, %dma_start3A_115, %dma_start3A_116] : memref<3x256x64xf32, #tpu.memory_space<vmem>> -> memref<1x256x64xf32, #tpu.memory_space<vmem>>
    %dma_start3A_118 = tpu.memref_squeeze %dma_start3A_117 : memref<1x256x64xf32, #tpu.memory_space<vmem>> -> memref<256x64xf32, #tpu.memory_space<vmem>>
    %dma_start3A_119 = arith.constant 128 : i32
    %dma_start3A_120 = arith.constant 0 : i32
    %dma_start3A_121 = tpu.memref_slice %dma_start3A_118[%dma_start3A_119, %dma_start3A_120] : memref<256x64xf32, #tpu.memory_space<vmem>> -> memref<128x64xf32, #tpu.memory_space<vmem>>
    %dma_start3A_122 = arith.constant 0 : i32
    %dma_start3A_123 = tpu.memref_slice %arg7[%dma_start3A_113, %dma_start3A_122] : memref<8x128xi32, #tpu.memory_space<vmem>> -> memref<1x128xi32, #tpu.memory_space<vmem>>
    %dma_start3A_124 = tpu.memref_squeeze %dma_start3A_123 : memref<1x128xi32, #tpu.memory_space<vmem>> -> memref<128xi32, #tpu.memory_space<vmem>>
    %dma_start3A_125 = arith.constant 0 : i32
    %dma_start3A_126 = arith.constant 0 : i32
    %dma_start3A_127 = tpu.memref_slice %arg2[%dma_start3A_125, %dma_start3A_126] : memref<65536x64xf32, #tpu.memory_space<hbm>> -> memref<65536x64xf32, #tpu.memory_space<hbm>>
    tpu.enqueue_indirect_dma source(%dma_start3A_127 : memref<65536x64xf32, #tpu.memory_space<hbm>>) target(%dma_start3A_121 : memref<128x64xf32, #tpu.memory_space<vmem>>) offsets(%dma_start3A_124 : memref<128xi32, #tpu.memory_space<vmem>>) semaphore(%arg11 : memref<!tpu.dma_semaphore, #tpu.memory_space<semaphore_mem>>)
    %dma_wait3A = arith.constant 0 : i32
    %dma_wait3A_128 = arith.constant 0 : i32
    %dma_wait3A_129 = arith.constant 0 : i32
    %dma_wait3A_130 = arith.constant 0 : i32
    %dma_wait3A_131 = tpu.memref_slice %arg8[%dma_wait3A_128, %dma_wait3A_129, %dma_wait3A_130] : memref<3x256x64xf32, #tpu.memory_space<vmem>> -> memref<1x256x64xf32, #tpu.memory_space<vmem>>
    %dma_wait3A_132 = tpu.memref_squeeze %dma_wait3A_131 : memref<1x256x64xf32, #tpu.memory_space<vmem>> -> memref<256x64xf32, #tpu.memory_space<vmem>>
    %dma_wait3A_133 = arith.constant 0 : i32
    %dma_wait3A_134 = arith.constant 0 : i32
    %dma_wait3A_135 = tpu.memref_slice %dma_wait3A_132[%dma_wait3A_133, %dma_wait3A_134] : memref<256x64xf32, #tpu.memory_space<vmem>> -> memref<128x64xf32, #tpu.memory_space<vmem>>
    %dma_wait3A_136 = arith.constant 0 : i32
    %dma_wait3A_137 = tpu.memref_slice %arg6[%dma_wait3A, %dma_wait3A_136] : memref<8x128xi32, #tpu.memory_space<vmem>> -> memref<1x128xi32, #tpu.memory_space<vmem>>
    %dma_wait3A_138 = tpu.memref_squeeze %dma_wait3A_137 : memref<1x128xi32, #tpu.memory_space<vmem>> -> memref<128xi32, #tpu.memory_space<vmem>>
    %dma_wait3A_139 = arith.constant 0 : i32
    %dma_wait3A_140 = arith.constant 0 : i32
    %dma_wait3A_141 = tpu.memref_slice %arg2[%dma_wait3A_139, %dma_wait3A_140] : memref<65536x64xf32, #tpu.memory_space<hbm>> -> memref<65536x64xf32, #tpu.memory_space<hbm>>
    tpu.wait_indirect_dma semaphore(%arg10 : memref<!tpu.dma_semaphore, #tpu.memory_space<semaphore_mem>>) src(%dma_wait3A_141 : memref<65536x64xf32, #tpu.memory_space<hbm>>) dst(%dma_wait3A_135 : memref<128x64xf32, #tpu.memory_space<vmem>>)
    %dma_wait3A_142 = arith.constant 0 : i32
    %dma_wait3A_143 = arith.constant 0 : i32
    %dma_wait3A_144 = arith.constant 0 : i32
    %dma_wait3A_145 = arith.constant 0 : i32
    %dma_wait3A_146 = tpu.memref_slice %arg9[%dma_wait3A_143, %dma_wait3A_144, %dma_wait3A_145] : memref<3x256x64xf32, #tpu.memory_space<vmem>> -> memref<1x256x64xf32, #tpu.memory_space<vmem>>
    %dma_wait3A_147 = tpu.memref_squeeze %dma_wait3A_146 : memref<1x256x64xf32, #tpu.memory_space<vmem>> -> memref<256x64xf32, #tpu.memory_space<vmem>>
    %dma_wait3A_148 = arith.constant 0 : i32
    %dma_wait3A_149 = arith.constant 0 : i32
    %dma_wait3A_150 = tpu.memref_slice %dma_wait3A_147[%dma_wait3A_148, %dma_wait3A_149] : memref<256x64xf32, #tpu.memory_space<vmem>> -> memref<128x64xf32, #tpu.memory_space<vmem>>
    %dma_wait3A_151 = arith.constant 0 : i32
    %dma_wait3A_152 = tpu.memref_slice %arg7[%dma_wait3A_142, %dma_wait3A_151] : memref<8x128xi32, #tpu.memory_space<vmem>> -> memref<1x128xi32, #tpu.memory_space<vmem>>
    %dma_wait3A_153 = tpu.memref_squeeze %dma_wait3A_152 : memref<1x128xi32, #tpu.memory_space<vmem>> -> memref<128xi32, #tpu.memory_space<vmem>>
    %dma_wait3A_154 = arith.constant 0 : i32
    %dma_wait3A_155 = arith.constant 0 : i32
    %dma_wait3A_156 = tpu.memref_slice %arg2[%dma_wait3A_154, %dma_wait3A_155] : memref<65536x64xf32, #tpu.memory_space<hbm>> -> memref<65536x64xf32, #tpu.memory_space<hbm>>
    tpu.wait_indirect_dma semaphore(%arg11 : memref<!tpu.dma_semaphore, #tpu.memory_space<semaphore_mem>>) src(%dma_wait3A_156 : memref<65536x64xf32, #tpu.memory_space<hbm>>) dst(%dma_wait3A_150 : memref<128x64xf32, #tpu.memory_space<vmem>>)
    %dma_wait3A_157 = arith.constant 1 : i32
    %dma_wait3A_158 = arith.constant 0 : i32
    %dma_wait3A_159 = arith.constant 0 : i32
    %dma_wait3A_160 = arith.constant 0 : i32
    %dma_wait3A_161 = tpu.memref_slice %arg8[%dma_wait3A_158, %dma_wait3A_159, %dma_wait3A_160] : memref<3x256x64xf32, #tpu.memory_space<vmem>> -> memref<1x256x64xf32, #tpu.memory_space<vmem>>
    %dma_wait3A_162 = tpu.memref_squeeze %dma_wait3A_161 : memref<1x256x64xf32, #tpu.memory_space<vmem>> -> memref<256x64xf32, #tpu.memory_space<vmem>>
    %dma_wait3A_163 = arith.constant 128 : i32
    %dma_wait3A_164 = arith.constant 0 : i32
    %dma_wait3A_165 = tpu.memref_slice %dma_wait3A_162[%dma_wait3A_163, %dma_wait3A_164] : memref<256x64xf32, #tpu.memory_space<vmem>> -> memref<128x64xf32, #tpu.memory_space<vmem>>
    %dma_wait3A_166 = arith.constant 0 : i32
    %dma_wait3A_167 = tpu.memref_slice %arg6[%dma_wait3A_157, %dma_wait3A_166] : memref<8x128xi32, #tpu.memory_space<vmem>> -> memref<1x128xi32, #tpu.memory_space<vmem>>
    %dma_wait3A_168 = tpu.memref_squeeze %dma_wait3A_167 : memref<1x128xi32, #tpu.memory_space<vmem>> -> memref<128xi32, #tpu.memory_space<vmem>>
    %dma_wait3A_169 = arith.constant 0 : i32
    %dma_wait3A_170 = arith.constant 0 : i32
    %dma_wait3A_171 = tpu.memref_slice %arg2[%dma_wait3A_169, %dma_wait3A_170] : memref<65536x64xf32, #tpu.memory_space<hbm>> -> memref<65536x64xf32, #tpu.memory_space<hbm>>
    tpu.wait_indirect_dma semaphore(%arg10 : memref<!tpu.dma_semaphore, #tpu.memory_space<semaphore_mem>>) src(%dma_wait3A_171 : memref<65536x64xf32, #tpu.memory_space<hbm>>) dst(%dma_wait3A_165 : memref<128x64xf32, #tpu.memory_space<vmem>>)
    %dma_wait3A_172 = arith.constant 1 : i32
    %dma_wait3A_173 = arith.constant 0 : i32
    %dma_wait3A_174 = arith.constant 0 : i32
    %dma_wait3A_175 = arith.constant 0 : i32
    %dma_wait3A_176 = tpu.memref_slice %arg9[%dma_wait3A_173, %dma_wait3A_174, %dma_wait3A_175] : memref<3x256x64xf32, #tpu.memory_space<vmem>> -> memref<1x256x64xf32, #tpu.memory_space<vmem>>
    %dma_wait3A_177 = tpu.memref_squeeze %dma_wait3A_176 : memref<1x256x64xf32, #tpu.memory_space<vmem>> -> memref<256x64xf32, #tpu.memory_space<vmem>>
    %dma_wait3A_178 = arith.constant 128 : i32
    %dma_wait3A_179 = arith.constant 0 : i32
    %dma_wait3A_180 = tpu.memref_slice %dma_wait3A_177[%dma_wait3A_178, %dma_wait3A_179] : memref<256x64xf32, #tpu.memory_space<vmem>> -> memref<128x64xf32, #tpu.memory_space<vmem>>
    %dma_wait3A_181 = arith.constant 0 : i32
    %dma_wait3A_182 = tpu.memref_slice %arg7[%dma_wait3A_172, %dma_wait3A_181] : memref<8x128xi32, #tpu.memory_space<vmem>> -> memref<1x128xi32, #tpu.memory_space<vmem>>
    %dma_wait3A_183 = tpu.memref_squeeze %dma_wait3A_182 : memref<1x128xi32, #tpu.memory_space<vmem>> -> memref<128xi32, #tpu.memory_space<vmem>>
    %dma_wait3A_184 = arith.constant 0 : i32
    %dma_wait3A_185 = arith.constant 0 : i32
    %dma_wait3A_186 = tpu.memref_slice %arg2[%dma_wait3A_184, %dma_wait3A_185] : memref<65536x64xf32, #tpu.memory_space<hbm>> -> memref<65536x64xf32, #tpu.memory_space<hbm>>
    tpu.wait_indirect_dma semaphore(%arg11 : memref<!tpu.dma_semaphore, #tpu.memory_space<semaphore_mem>>) src(%dma_wait3A_186 : memref<65536x64xf32, #tpu.memory_space<hbm>>) dst(%dma_wait3A_180 : memref<128x64xf32, #tpu.memory_space<vmem>>)
    %dma_start3A_187 = arith.constant 4 : i32
    %dma_start3A_188 = arith.constant 2 : i32
    %dma_start3A_189 = arith.constant 0 : i32
    %dma_start3A_190 = arith.constant 0 : i32
    %dma_start3A_191 = tpu.memref_slice %arg8[%dma_start3A_188, %dma_start3A_189, %dma_start3A_190] : memref<3x256x64xf32, #tpu.memory_space<vmem>> -> memref<1x256x64xf32, #tpu.memory_space<vmem>>
    %dma_start3A_192 = tpu.memref_squeeze %dma_start3A_191 : memref<1x256x64xf32, #tpu.memory_space<vmem>> -> memref<256x64xf32, #tpu.memory_space<vmem>>
    %dma_start3A_193 = arith.constant 0 : i32
    %dma_start3A_194 = arith.constant 0 : i32
    %dma_start3A_195 = tpu.memref_slice %dma_start3A_192[%dma_start3A_193, %dma_start3A_194] : memref<256x64xf32, #tpu.memory_space<vmem>> -> memref<128x64xf32, #tpu.memory_space<vmem>>
    %dma_start3A_196 = arith.constant 0 : i32
    %dma_start3A_197 = tpu.memref_slice %arg6[%dma_start3A_187, %dma_start3A_196] : memref<8x128xi32, #tpu.memory_space<vmem>> -> memref<1x128xi32, #tpu.memory_space<vmem>>
    %dma_start3A_198 = tpu.memref_squeeze %dma_start3A_197 : memref<1x128xi32, #tpu.memory_space<vmem>> -> memref<128xi32, #tpu.memory_space<vmem>>
    %dma_start3A_199 = arith.constant 0 : i32
    %dma_start3A_200 = arith.constant 0 : i32
    %dma_start3A_201 = tpu.memref_slice %arg2[%dma_start3A_199, %dma_start3A_200] : memref<65536x64xf32, #tpu.memory_space<hbm>> -> memref<65536x64xf32, #tpu.memory_space<hbm>>
    tpu.enqueue_indirect_dma source(%dma_start3A_201 : memref<65536x64xf32, #tpu.memory_space<hbm>>) target(%dma_start3A_195 : memref<128x64xf32, #tpu.memory_space<vmem>>) offsets(%dma_start3A_198 : memref<128xi32, #tpu.memory_space<vmem>>) semaphore(%arg10 : memref<!tpu.dma_semaphore, #tpu.memory_space<semaphore_mem>>)
    %dma_start3A_202 = arith.constant 4 : i32
    %dma_start3A_203 = arith.constant 2 : i32
    %dma_start3A_204 = arith.constant 0 : i32
    %dma_start3A_205 = arith.constant 0 : i32
    %dma_start3A_206 = tpu.memref_slice %arg9[%dma_start3A_203, %dma_start3A_204, %dma_start3A_205] : memref<3x256x64xf32, #tpu.memory_space<vmem>> -> memref<1x256x64xf32, #tpu.memory_space<vmem>>
    %dma_start3A_207 = tpu.memref_squeeze %dma_start3A_206 : memref<1x256x64xf32, #tpu.memory_space<vmem>> -> memref<256x64xf32, #tpu.memory_space<vmem>>
    %dma_start3A_208 = arith.constant 0 : i32
    %dma_start3A_209 = arith.constant 0 : i32
    %dma_start3A_210 = tpu.memref_slice %dma_start3A_207[%dma_start3A_208, %dma_start3A_209] : memref<256x64xf32, #tpu.memory_space<vmem>> -> memref<128x64xf32, #tpu.memory_space<vmem>>
    %dma_start3A_211 = arith.constant 0 : i32
    %dma_start3A_212 = tpu.memref_slice %arg7[%dma_start3A_202, %dma_start3A_211] : memref<8x128xi32, #tpu.memory_space<vmem>> -> memref<1x128xi32, #tpu.memory_space<vmem>>
    %dma_start3A_213 = tpu.memref_squeeze %dma_start3A_212 : memref<1x128xi32, #tpu.memory_space<vmem>> -> memref<128xi32, #tpu.memory_space<vmem>>
    %dma_start3A_214 = arith.constant 0 : i32
    %dma_start3A_215 = arith.constant 0 : i32
    %dma_start3A_216 = tpu.memref_slice %arg2[%dma_start3A_214, %dma_start3A_215] : memref<65536x64xf32, #tpu.memory_space<hbm>> -> memref<65536x64xf32, #tpu.memory_space<hbm>>
    tpu.enqueue_indirect_dma source(%dma_start3A_216 : memref<65536x64xf32, #tpu.memory_space<hbm>>) target(%dma_start3A_210 : memref<128x64xf32, #tpu.memory_space<vmem>>) offsets(%dma_start3A_213 : memref<128xi32, #tpu.memory_space<vmem>>) semaphore(%arg11 : memref<!tpu.dma_semaphore, #tpu.memory_space<semaphore_mem>>)
    %dma_start3A_217 = arith.constant 5 : i32
    %dma_start3A_218 = arith.constant 2 : i32
    %dma_start3A_219 = arith.constant 0 : i32
    %dma_start3A_220 = arith.constant 0 : i32
    %dma_start3A_221 = tpu.memref_slice %arg8[%dma_start3A_218, %dma_start3A_219, %dma_start3A_220] : memref<3x256x64xf32, #tpu.memory_space<vmem>> -> memref<1x256x64xf32, #tpu.memory_space<vmem>>
    %dma_start3A_222 = tpu.memref_squeeze %dma_start3A_221 : memref<1x256x64xf32, #tpu.memory_space<vmem>> -> memref<256x64xf32, #tpu.memory_space<vmem>>
    %dma_start3A_223 = arith.constant 128 : i32
    %dma_start3A_224 = arith.constant 0 : i32
    %dma_start3A_225 = tpu.memref_slice %dma_start3A_222[%dma_start3A_223, %dma_start3A_224] : memref<256x64xf32, #tpu.memory_space<vmem>> -> memref<128x64xf32, #tpu.memory_space<vmem>>
    %dma_start3A_226 = arith.constant 0 : i32
    %dma_start3A_227 = tpu.memref_slice %arg6[%dma_start3A_217, %dma_start3A_226] : memref<8x128xi32, #tpu.memory_space<vmem>> -> memref<1x128xi32, #tpu.memory_space<vmem>>
    %dma_start3A_228 = tpu.memref_squeeze %dma_start3A_227 : memref<1x128xi32, #tpu.memory_space<vmem>> -> memref<128xi32, #tpu.memory_space<vmem>>
    %dma_start3A_229 = arith.constant 0 : i32
    %dma_start3A_230 = arith.constant 0 : i32
    %dma_start3A_231 = tpu.memref_slice %arg2[%dma_start3A_229, %dma_start3A_230] : memref<65536x64xf32, #tpu.memory_space<hbm>> -> memref<65536x64xf32, #tpu.memory_space<hbm>>
    tpu.enqueue_indirect_dma source(%dma_start3A_231 : memref<65536x64xf32, #tpu.memory_space<hbm>>) target(%dma_start3A_225 : memref<128x64xf32, #tpu.memory_space<vmem>>) offsets(%dma_start3A_228 : memref<128xi32, #tpu.memory_space<vmem>>) semaphore(%arg10 : memref<!tpu.dma_semaphore, #tpu.memory_space<semaphore_mem>>)
    %dma_start3A_232 = arith.constant 5 : i32
    %dma_start3A_233 = arith.constant 2 : i32
    %dma_start3A_234 = arith.constant 0 : i32
    %dma_start3A_235 = arith.constant 0 : i32
    %dma_start3A_236 = tpu.memref_slice %arg9[%dma_start3A_233, %dma_start3A_234, %dma_start3A_235] : memref<3x256x64xf32, #tpu.memory_space<vmem>> -> memref<1x256x64xf32, #tpu.memory_space<vmem>>
    %dma_start3A_237 = tpu.memref_squeeze %dma_start3A_236 : memref<1x256x64xf32, #tpu.memory_space<vmem>> -> memref<256x64xf32, #tpu.memory_space<vmem>>
    %dma_start3A_238 = arith.constant 128 : i32
    %dma_start3A_239 = arith.constant 0 : i32
    %dma_start3A_240 = tpu.memref_slice %dma_start3A_237[%dma_start3A_238, %dma_start3A_239] : memref<256x64xf32, #tpu.memory_space<vmem>> -> memref<128x64xf32, #tpu.memory_space<vmem>>
    %dma_start3A_241 = arith.constant 0 : i32
    %dma_start3A_242 = tpu.memref_slice %arg7[%dma_start3A_232, %dma_start3A_241] : memref<8x128xi32, #tpu.memory_space<vmem>> -> memref<1x128xi32, #tpu.memory_space<vmem>>
    %dma_start3A_243 = tpu.memref_squeeze %dma_start3A_242 : memref<1x128xi32, #tpu.memory_space<vmem>> -> memref<128xi32, #tpu.memory_space<vmem>>
    %dma_start3A_244 = arith.constant 0 : i32
    %dma_start3A_245 = arith.constant 0 : i32
    %dma_start3A_246 = tpu.memref_slice %arg2[%dma_start3A_244, %dma_start3A_245] : memref<65536x64xf32, #tpu.memory_space<hbm>> -> memref<65536x64xf32, #tpu.memory_space<hbm>>
    tpu.enqueue_indirect_dma source(%dma_start3A_246 : memref<65536x64xf32, #tpu.memory_space<hbm>>) target(%dma_start3A_240 : memref<128x64xf32, #tpu.memory_space<vmem>>) offsets(%dma_start3A_243 : memref<128xi32, #tpu.memory_space<vmem>>) semaphore(%arg11 : memref<!tpu.dma_semaphore, #tpu.memory_space<semaphore_mem>>)
    %mul3A_247 = arith.constant 1024 : i32
    %mul3A_248 = arith.muli %add3A, %mul3A_247 : i32
    %add3A_249 = arith.constant 0 : i32
    %add3A_250 = arith.addi %mul3A_248, %add3A_249 : i32
    %dma_start3A_251 = arith.constant 0 : i32
    %dma_start3A_252 = arith.constant 0 : i32
    %dma_start3A_253 = arith.constant 0 : i32
    %dma_start3A_254 = tpu.memref_slice %arg8[%dma_start3A_251, %dma_start3A_252, %dma_start3A_253] : memref<3x256x64xf32, #tpu.memory_space<vmem>> -> memref<1x256x64xf32, #tpu.memory_space<vmem>>
    %dma_start3A_255 = tpu.memref_squeeze %dma_start3A_254 : memref<1x256x64xf32, #tpu.memory_space<vmem>> -> memref<256x64xf32, #tpu.memory_space<vmem>>
    %dma_start3A_256 = arith.constant 0 : i32
    %dma_start3A_257 = tpu.memref_slice %arg5[%add3A_250, %dma_start3A_256] : memref<32768x128xf32, #tpu.memory_space<hbm>> -> memref<256x64xf32, #tpu.memory_space<hbm>>
    %dma_start3A_258 = arith.constant 0 : i32
    %dma_start3A_259 = tpu.memref_slice %arg5[%add3A_250, %dma_start3A_258] : memref<32768x128xf32, #tpu.memory_space<hbm>> -> memref<256x64xf32, #tpu.memory_space<hbm>>
    %dma_start3A_260 = arith.constant 0 : i32
    %dma_start3A_261 = arith.constant 0 : i32
    %dma_start3A_262 = tpu.memref_slice %arg8[%dma_start3A_251, %dma_start3A_260, %dma_start3A_261] : memref<3x256x64xf32, #tpu.memory_space<vmem>> -> memref<1x256x64xf32, #tpu.memory_space<vmem>>
    %dma_start3A_263 = tpu.memref_squeeze %dma_start3A_262 : memref<1x256x64xf32, #tpu.memory_space<vmem>> -> memref<256x64xf32, #tpu.memory_space<vmem>>
    tpu.enqueue_dma source(%dma_start3A_263 : memref<256x64xf32, #tpu.memory_space<vmem>>) target(%dma_start3A_259 : memref<256x64xf32, #tpu.memory_space<hbm>>) target_semaphore(%arg12 : memref<!tpu.dma_semaphore, #tpu.memory_space<semaphore_mem>>)
    %dma_start3A_264 = arith.constant 0 : i32
    %dma_start3A_265 = arith.constant 0 : i32
    %dma_start3A_266 = arith.constant 0 : i32
    %dma_start3A_267 = tpu.memref_slice %arg9[%dma_start3A_264, %dma_start3A_265, %dma_start3A_266] : memref<3x256x64xf32, #tpu.memory_space<vmem>> -> memref<1x256x64xf32, #tpu.memory_space<vmem>>
    %dma_start3A_268 = tpu.memref_squeeze %dma_start3A_267 : memref<1x256x64xf32, #tpu.memory_space<vmem>> -> memref<256x64xf32, #tpu.memory_space<vmem>>
    %dma_start3A_269 = arith.constant 64 : i32
    %dma_start3A_270 = tpu.memref_slice %arg5[%add3A_250, %dma_start3A_269] : memref<32768x128xf32, #tpu.memory_space<hbm>> -> memref<256x64xf32, #tpu.memory_space<hbm>>
    %dma_start3A_271 = arith.constant 64 : i32
    %dma_start3A_272 = tpu.memref_slice %arg5[%add3A_250, %dma_start3A_271] : memref<32768x128xf32, #tpu.memory_space<hbm>> -> memref<256x64xf32, #tpu.memory_space<hbm>>
    %dma_start3A_273 = arith.constant 0 : i32
    %dma_start3A_274 = arith.constant 0 : i32
    %dma_start3A_275 = tpu.memref_slice %arg9[%dma_start3A_264, %dma_start3A_273, %dma_start3A_274] : memref<3x256x64xf32, #tpu.memory_space<vmem>> -> memref<1x256x64xf32, #tpu.memory_space<vmem>>
    %dma_start3A_276 = tpu.memref_squeeze %dma_start3A_275 : memref<1x256x64xf32, #tpu.memory_space<vmem>> -> memref<256x64xf32, #tpu.memory_space<vmem>>
    tpu.enqueue_dma source(%dma_start3A_276 : memref<256x64xf32, #tpu.memory_space<vmem>>) target(%dma_start3A_272 : memref<256x64xf32, #tpu.memory_space<hbm>>) target_semaphore(%arg12 : memref<!tpu.dma_semaphore, #tpu.memory_space<semaphore_mem>>)
    %dma_wait3A_277 = arith.constant 2 : i32
    %dma_wait3A_278 = arith.constant 1 : i32
    %dma_wait3A_279 = arith.constant 0 : i32
    %dma_wait3A_280 = arith.constant 0 : i32
    %dma_wait3A_281 = tpu.memref_slice %arg8[%dma_wait3A_278, %dma_wait3A_279, %dma_wait3A_280] : memref<3x256x64xf32, #tpu.memory_space<vmem>> -> memref<1x256x64xf32, #tpu.memory_space<vmem>>
    %dma_wait3A_282 = tpu.memref_squeeze %dma_wait3A_281 : memref<1x256x64xf32, #tpu.memory_space<vmem>> -> memref<256x64xf32, #tpu.memory_space<vmem>>
    %dma_wait3A_283 = arith.constant 0 : i32
    %dma_wait3A_284 = arith.constant 0 : i32
    %dma_wait3A_285 = tpu.memref_slice %dma_wait3A_282[%dma_wait3A_283, %dma_wait3A_284] : memref<256x64xf32, #tpu.memory_space<vmem>> -> memref<128x64xf32, #tpu.memory_space<vmem>>
    %dma_wait3A_286 = arith.constant 0 : i32
    %dma_wait3A_287 = tpu.memref_slice %arg6[%dma_wait3A_277, %dma_wait3A_286] : memref<8x128xi32, #tpu.memory_space<vmem>> -> memref<1x128xi32, #tpu.memory_space<vmem>>
    %dma_wait3A_288 = tpu.memref_squeeze %dma_wait3A_287 : memref<1x128xi32, #tpu.memory_space<vmem>> -> memref<128xi32, #tpu.memory_space<vmem>>
    %dma_wait3A_289 = arith.constant 0 : i32
    %dma_wait3A_290 = arith.constant 0 : i32
    %dma_wait3A_291 = tpu.memref_slice %arg2[%dma_wait3A_289, %dma_wait3A_290] : memref<65536x64xf32, #tpu.memory_space<hbm>> -> memref<65536x64xf32, #tpu.memory_space<hbm>>
    tpu.wait_indirect_dma semaphore(%arg10 : memref<!tpu.dma_semaphore, #tpu.memory_space<semaphore_mem>>) src(%dma_wait3A_291 : memref<65536x64xf32, #tpu.memory_space<hbm>>) dst(%dma_wait3A_285 : memref<128x64xf32, #tpu.memory_space<vmem>>)
    %dma_wait3A_292 = arith.constant 2 : i32
    %dma_wait3A_293 = arith.constant 1 : i32
    %dma_wait3A_294 = arith.constant 0 : i32
    %dma_wait3A_295 = arith.constant 0 : i32
    %dma_wait3A_296 = tpu.memref_slice %arg9[%dma_wait3A_293, %dma_wait3A_294, %dma_wait3A_295] : memref<3x256x64xf32, #tpu.memory_space<vmem>> -> memref<1x256x64xf32, #tpu.memory_space<vmem>>
    %dma_wait3A_297 = tpu.memref_squeeze %dma_wait3A_296 : memref<1x256x64xf32, #tpu.memory_space<vmem>> -> memref<256x64xf32, #tpu.memory_space<vmem>>
    %dma_wait3A_298 = arith.constant 0 : i32
    %dma_wait3A_299 = arith.constant 0 : i32
    %dma_wait3A_300 = tpu.memref_slice %dma_wait3A_297[%dma_wait3A_298, %dma_wait3A_299] : memref<256x64xf32, #tpu.memory_space<vmem>> -> memref<128x64xf32, #tpu.memory_space<vmem>>
    %dma_wait3A_301 = arith.constant 0 : i32
    %dma_wait3A_302 = tpu.memref_slice %arg7[%dma_wait3A_292, %dma_wait3A_301] : memref<8x128xi32, #tpu.memory_space<vmem>> -> memref<1x128xi32, #tpu.memory_space<vmem>>
    %dma_wait3A_303 = tpu.memref_squeeze %dma_wait3A_302 : memref<1x128xi32, #tpu.memory_space<vmem>> -> memref<128xi32, #tpu.memory_space<vmem>>
    %dma_wait3A_304 = arith.constant 0 : i32
    %dma_wait3A_305 = arith.constant 0 : i32
    %dma_wait3A_306 = tpu.memref_slice %arg2[%dma_wait3A_304, %dma_wait3A_305] : memref<65536x64xf32, #tpu.memory_space<hbm>> -> memref<65536x64xf32, #tpu.memory_space<hbm>>
    tpu.wait_indirect_dma semaphore(%arg11 : memref<!tpu.dma_semaphore, #tpu.memory_space<semaphore_mem>>) src(%dma_wait3A_306 : memref<65536x64xf32, #tpu.memory_space<hbm>>) dst(%dma_wait3A_300 : memref<128x64xf32, #tpu.memory_space<vmem>>)
    %dma_wait3A_307 = arith.constant 3 : i32
    %dma_wait3A_308 = arith.constant 1 : i32
    %dma_wait3A_309 = arith.constant 0 : i32
    %dma_wait3A_310 = arith.constant 0 : i32
    %dma_wait3A_311 = tpu.memref_slice %arg8[%dma_wait3A_308, %dma_wait3A_309, %dma_wait3A_310] : memref<3x256x64xf32, #tpu.memory_space<vmem>> -> memref<1x256x64xf32, #tpu.memory_space<vmem>>
    %dma_wait3A_312 = tpu.memref_squeeze %dma_wait3A_311 : memref<1x256x64xf32, #tpu.memory_space<vmem>> -> memref<256x64xf32, #tpu.memory_space<vmem>>
    %dma_wait3A_313 = arith.constant 128 : i32
    %dma_wait3A_314 = arith.constant 0 : i32
    %dma_wait3A_315 = tpu.memref_slice %dma_wait3A_312[%dma_wait3A_313, %dma_wait3A_314] : memref<256x64xf32, #tpu.memory_space<vmem>> -> memref<128x64xf32, #tpu.memory_space<vmem>>
    %dma_wait3A_316 = arith.constant 0 : i32
    %dma_wait3A_317 = tpu.memref_slice %arg6[%dma_wait3A_307, %dma_wait3A_316] : memref<8x128xi32, #tpu.memory_space<vmem>> -> memref<1x128xi32, #tpu.memory_space<vmem>>
    %dma_wait3A_318 = tpu.memref_squeeze %dma_wait3A_317 : memref<1x128xi32, #tpu.memory_space<vmem>> -> memref<128xi32, #tpu.memory_space<vmem>>
    %dma_wait3A_319 = arith.constant 0 : i32
    %dma_wait3A_320 = arith.constant 0 : i32
    %dma_wait3A_321 = tpu.memref_slice %arg2[%dma_wait3A_319, %dma_wait3A_320] : memref<65536x64xf32, #tpu.memory_space<hbm>> -> memref<65536x64xf32, #tpu.memory_space<hbm>>
    tpu.wait_indirect_dma semaphore(%arg10 : memref<!tpu.dma_semaphore, #tpu.memory_space<semaphore_mem>>) src(%dma_wait3A_321 : memref<65536x64xf32, #tpu.memory_space<hbm>>) dst(%dma_wait3A_315 : memref<128x64xf32, #tpu.memory_space<vmem>>)
    %dma_wait3A_322 = arith.constant 3 : i32
    %dma_wait3A_323 = arith.constant 1 : i32
    %dma_wait3A_324 = arith.constant 0 : i32
    %dma_wait3A_325 = arith.constant 0 : i32
    %dma_wait3A_326 = tpu.memref_slice %arg9[%dma_wait3A_323, %dma_wait3A_324, %dma_wait3A_325] : memref<3x256x64xf32, #tpu.memory_space<vmem>> -> memref<1x256x64xf32, #tpu.memory_space<vmem>>
    %dma_wait3A_327 = tpu.memref_squeeze %dma_wait3A_326 : memref<1x256x64xf32, #tpu.memory_space<vmem>> -> memref<256x64xf32, #tpu.memory_space<vmem>>
    %dma_wait3A_328 = arith.constant 128 : i32
    %dma_wait3A_329 = arith.constant 0 : i32
    %dma_wait3A_330 = tpu.memref_slice %dma_wait3A_327[%dma_wait3A_328, %dma_wait3A_329] : memref<256x64xf32, #tpu.memory_space<vmem>> -> memref<128x64xf32, #tpu.memory_space<vmem>>
    %dma_wait3A_331 = arith.constant 0 : i32
    %dma_wait3A_332 = tpu.memref_slice %arg7[%dma_wait3A_322, %dma_wait3A_331] : memref<8x128xi32, #tpu.memory_space<vmem>> -> memref<1x128xi32, #tpu.memory_space<vmem>>
    %dma_wait3A_333 = tpu.memref_squeeze %dma_wait3A_332 : memref<1x128xi32, #tpu.memory_space<vmem>> -> memref<128xi32, #tpu.memory_space<vmem>>
    %dma_wait3A_334 = arith.constant 0 : i32
    %dma_wait3A_335 = arith.constant 0 : i32
    %dma_wait3A_336 = tpu.memref_slice %arg2[%dma_wait3A_334, %dma_wait3A_335] : memref<65536x64xf32, #tpu.memory_space<hbm>> -> memref<65536x64xf32, #tpu.memory_space<hbm>>
    tpu.wait_indirect_dma semaphore(%arg11 : memref<!tpu.dma_semaphore, #tpu.memory_space<semaphore_mem>>) src(%dma_wait3A_336 : memref<65536x64xf32, #tpu.memory_space<hbm>>) dst(%dma_wait3A_330 : memref<128x64xf32, #tpu.memory_space<vmem>>)
    %dma_wait3A_337 = arith.constant 0 : i32
    %dma_wait3A_338 = arith.constant 0 : i32
    %dma_wait3A_339 = arith.constant 0 : i32
    %dma_wait3A_340 = tpu.memref_slice %arg8[%dma_wait3A_337, %dma_wait3A_338, %dma_wait3A_339] : memref<3x256x64xf32, #tpu.memory_space<vmem>> -> memref<1x256x64xf32, #tpu.memory_space<vmem>>
    %dma_wait3A_341 = tpu.memref_squeeze %dma_wait3A_340 : memref<1x256x64xf32, #tpu.memory_space<vmem>> -> memref<256x64xf32, #tpu.memory_space<vmem>>
    %dma_wait3A_342 = arith.constant 0 : i32
    %dma_wait3A_343 = tpu.memref_slice %arg5[%add3A_250, %dma_wait3A_342] : memref<32768x128xf32, #tpu.memory_space<hbm>> -> memref<256x64xf32, #tpu.memory_space<hbm>>
    %dma_wait3A_344 = arith.constant 0 : i32
    %dma_wait3A_345 = tpu.memref_slice %arg5[%add3A_250, %dma_wait3A_344] : memref<32768x128xf32, #tpu.memory_space<hbm>> -> memref<256x64xf32, #tpu.memory_space<hbm>>
    %dma_wait3A_346 = arith.constant 0 : i32
    %dma_wait3A_347 = arith.constant 0 : i32
    %dma_wait3A_348 = tpu.memref_slice %arg8[%dma_wait3A_337, %dma_wait3A_346, %dma_wait3A_347] : memref<3x256x64xf32, #tpu.memory_space<vmem>> -> memref<1x256x64xf32, #tpu.memory_space<vmem>>
    %dma_wait3A_349 = tpu.memref_squeeze %dma_wait3A_348 : memref<1x256x64xf32, #tpu.memory_space<vmem>> -> memref<256x64xf32, #tpu.memory_space<vmem>>
    tpu.wait_dma2 semaphore(%arg12 : memref<!tpu.dma_semaphore, #tpu.memory_space<semaphore_mem>>) src(%dma_wait3A_349 : memref<256x64xf32, #tpu.memory_space<vmem>>) dst(%dma_wait3A_345 : memref<256x64xf32, #tpu.memory_space<hbm>>)
    %dma_wait3A_350 = arith.constant 0 : i32
    %dma_wait3A_351 = arith.constant 0 : i32
    %dma_wait3A_352 = arith.constant 0 : i32
    %dma_wait3A_353 = tpu.memref_slice %arg9[%dma_wait3A_350, %dma_wait3A_351, %dma_wait3A_352] : memref<3x256x64xf32, #tpu.memory_space<vmem>> -> memref<1x256x64xf32, #tpu.memory_space<vmem>>
    %dma_wait3A_354 = tpu.memref_squeeze %dma_wait3A_353 : memref<1x256x64xf32, #tpu.memory_space<vmem>> -> memref<256x64xf32, #tpu.memory_space<vmem>>
    %dma_wait3A_355 = arith.constant 64 : i32
    %dma_wait3A_356 = tpu.memref_slice %arg5[%add3A_250, %dma_wait3A_355] : memref<32768x128xf32, #tpu.memory_space<hbm>> -> memref<256x64xf32, #tpu.memory_space<hbm>>
    %dma_wait3A_357 = arith.constant 64 : i32
    %dma_wait3A_358 = tpu.memref_slice %arg5[%add3A_250, %dma_wait3A_357] : memref<32768x128xf32, #tpu.memory_space<hbm>> -> memref<256x64xf32, #tpu.memory_space<hbm>>
    %dma_wait3A_359 = arith.constant 0 : i32
    %dma_wait3A_360 = arith.constant 0 : i32
    %dma_wait3A_361 = tpu.memref_slice %arg9[%dma_wait3A_350, %dma_wait3A_359, %dma_wait3A_360] : memref<3x256x64xf32, #tpu.memory_space<vmem>> -> memref<1x256x64xf32, #tpu.memory_space<vmem>>
    %dma_wait3A_362 = tpu.memref_squeeze %dma_wait3A_361 : memref<1x256x64xf32, #tpu.memory_space<vmem>> -> memref<256x64xf32, #tpu.memory_space<vmem>>
    tpu.wait_dma2 semaphore(%arg12 : memref<!tpu.dma_semaphore, #tpu.memory_space<semaphore_mem>>) src(%dma_wait3A_362 : memref<256x64xf32, #tpu.memory_space<vmem>>) dst(%dma_wait3A_358 : memref<256x64xf32, #tpu.memory_space<hbm>>)
    %dma_start3A_363 = arith.constant 6 : i32
    %dma_start3A_364 = arith.constant 0 : i32
    %dma_start3A_365 = arith.constant 0 : i32
    %dma_start3A_366 = arith.constant 0 : i32
    %dma_start3A_367 = tpu.memref_slice %arg8[%dma_start3A_364, %dma_start3A_365, %dma_start3A_366] : memref<3x256x64xf32, #tpu.memory_space<vmem>> -> memref<1x256x64xf32, #tpu.memory_space<vmem>>
    %dma_start3A_368 = tpu.memref_squeeze %dma_start3A_367 : memref<1x256x64xf32, #tpu.memory_space<vmem>> -> memref<256x64xf32, #tpu.memory_space<vmem>>
    %dma_start3A_369 = arith.constant 0 : i32
    %dma_start3A_370 = arith.constant 0 : i32
    %dma_start3A_371 = tpu.memref_slice %dma_start3A_368[%dma_start3A_369, %dma_start3A_370] : memref<256x64xf32, #tpu.memory_space<vmem>> -> memref<128x64xf32, #tpu.memory_space<vmem>>
    %dma_start3A_372 = arith.constant 0 : i32
    %dma_start3A_373 = tpu.memref_slice %arg6[%dma_start3A_363, %dma_start3A_372] : memref<8x128xi32, #tpu.memory_space<vmem>> -> memref<1x128xi32, #tpu.memory_space<vmem>>
    %dma_start3A_374 = tpu.memref_squeeze %dma_start3A_373 : memref<1x128xi32, #tpu.memory_space<vmem>> -> memref<128xi32, #tpu.memory_space<vmem>>
    %dma_start3A_375 = arith.constant 0 : i32
    %dma_start3A_376 = arith.constant 0 : i32
    %dma_start3A_377 = tpu.memref_slice %arg2[%dma_start3A_375, %dma_start3A_376] : memref<65536x64xf32, #tpu.memory_space<hbm>> -> memref<65536x64xf32, #tpu.memory_space<hbm>>
    tpu.enqueue_indirect_dma source(%dma_start3A_377 : memref<65536x64xf32, #tpu.memory_space<hbm>>) target(%dma_start3A_371 : memref<128x64xf32, #tpu.memory_space<vmem>>) offsets(%dma_start3A_374 : memref<128xi32, #tpu.memory_space<vmem>>) semaphore(%arg10 : memref<!tpu.dma_semaphore, #tpu.memory_space<semaphore_mem>>)
    %dma_start3A_378 = arith.constant 6 : i32
    %dma_start3A_379 = arith.constant 0 : i32
    %dma_start3A_380 = arith.constant 0 : i32
    %dma_start3A_381 = arith.constant 0 : i32
    %dma_start3A_382 = tpu.memref_slice %arg9[%dma_start3A_379, %dma_start3A_380, %dma_start3A_381] : memref<3x256x64xf32, #tpu.memory_space<vmem>> -> memref<1x256x64xf32, #tpu.memory_space<vmem>>
    %dma_start3A_383 = tpu.memref_squeeze %dma_start3A_382 : memref<1x256x64xf32, #tpu.memory_space<vmem>> -> memref<256x64xf32, #tpu.memory_space<vmem>>
    %dma_start3A_384 = arith.constant 0 : i32
    %dma_start3A_385 = arith.constant 0 : i32
    %dma_start3A_386 = tpu.memref_slice %dma_start3A_383[%dma_start3A_384, %dma_start3A_385] : memref<256x64xf32, #tpu.memory_space<vmem>> -> memref<128x64xf32, #tpu.memory_space<vmem>>
    %dma_start3A_387 = arith.constant 0 : i32
    %dma_start3A_388 = tpu.memref_slice %arg7[%dma_start3A_378, %dma_start3A_387] : memref<8x128xi32, #tpu.memory_space<vmem>> -> memref<1x128xi32, #tpu.memory_space<vmem>>
    %dma_start3A_389 = tpu.memref_squeeze %dma_start3A_388 : memref<1x128xi32, #tpu.memory_space<vmem>> -> memref<128xi32, #tpu.memory_space<vmem>>
    %dma_start3A_390 = arith.constant 0 : i32
    %dma_start3A_391 = arith.constant 0 : i32
    %dma_start3A_392 = tpu.memref_slice %arg2[%dma_start3A_390, %dma_start3A_391] : memref<65536x64xf32, #tpu.memory_space<hbm>> -> memref<65536x64xf32, #tpu.memory_space<hbm>>
    tpu.enqueue_indirect_dma source(%dma_start3A_392 : memref<65536x64xf32, #tpu.memory_space<hbm>>) target(%dma_start3A_386 : memref<128x64xf32, #tpu.memory_space<vmem>>) offsets(%dma_start3A_389 : memref<128xi32, #tpu.memory_space<vmem>>) semaphore(%arg11 : memref<!tpu.dma_semaphore, #tpu.memory_space<semaphore_mem>>)
    %dma_start3A_393 = arith.constant 7 : i32
    %dma_start3A_394 = arith.constant 0 : i32
    %dma_start3A_395 = arith.constant 0 : i32
    %dma_start3A_396 = arith.constant 0 : i32
    %dma_start3A_397 = tpu.memref_slice %arg8[%dma_start3A_394, %dma_start3A_395, %dma_start3A_396] : memref<3x256x64xf32, #tpu.memory_space<vmem>> -> memref<1x256x64xf32, #tpu.memory_space<vmem>>
    %dma_start3A_398 = tpu.memref_squeeze %dma_start3A_397 : memref<1x256x64xf32, #tpu.memory_space<vmem>> -> memref<256x64xf32, #tpu.memory_space<vmem>>
    %dma_start3A_399 = arith.constant 128 : i32
    %dma_start3A_400 = arith.constant 0 : i32
    %dma_start3A_401 = tpu.memref_slice %dma_start3A_398[%dma_start3A_399, %dma_start3A_400] : memref<256x64xf32, #tpu.memory_space<vmem>> -> memref<128x64xf32, #tpu.memory_space<vmem>>
    %dma_start3A_402 = arith.constant 0 : i32
    %dma_start3A_403 = tpu.memref_slice %arg6[%dma_start3A_393, %dma_start3A_402] : memref<8x128xi32, #tpu.memory_space<vmem>> -> memref<1x128xi32, #tpu.memory_space<vmem>>
    %dma_start3A_404 = tpu.memref_squeeze %dma_start3A_403 : memref<1x128xi32, #tpu.memory_space<vmem>> -> memref<128xi32, #tpu.memory_space<vmem>>
    %dma_start3A_405 = arith.constant 0 : i32
    %dma_start3A_406 = arith.constant 0 : i32
    %dma_start3A_407 = tpu.memref_slice %arg2[%dma_start3A_405, %dma_start3A_406] : memref<65536x64xf32, #tpu.memory_space<hbm>> -> memref<65536x64xf32, #tpu.memory_space<hbm>>
    tpu.enqueue_indirect_dma source(%dma_start3A_407 : memref<65536x64xf32, #tpu.memory_space<hbm>>) target(%dma_start3A_401 : memref<128x64xf32, #tpu.memory_space<vmem>>) offsets(%dma_start3A_404 : memref<128xi32, #tpu.memory_space<vmem>>) semaphore(%arg10 : memref<!tpu.dma_semaphore, #tpu.memory_space<semaphore_mem>>)
    %dma_start3A_408 = arith.constant 7 : i32
    %dma_start3A_409 = arith.constant 0 : i32
    %dma_start3A_410 = arith.constant 0 : i32
    %dma_start3A_411 = arith.constant 0 : i32
    %dma_start3A_412 = tpu.memref_slice %arg9[%dma_start3A_409, %dma_start3A_410, %dma_start3A_411] : memref<3x256x64xf32, #tpu.memory_space<vmem>> -> memref<1x256x64xf32, #tpu.memory_space<vmem>>
    %dma_start3A_413 = tpu.memref_squeeze %dma_start3A_412 : memref<1x256x64xf32, #tpu.memory_space<vmem>> -> memref<256x64xf32, #tpu.memory_space<vmem>>
    %dma_start3A_414 = arith.constant 128 : i32
    %dma_start3A_415 = arith.constant 0 : i32
    %dma_start3A_416 = tpu.memref_slice %dma_start3A_413[%dma_start3A_414, %dma_start3A_415] : memref<256x64xf32, #tpu.memory_space<vmem>> -> memref<128x64xf32, #tpu.memory_space<vmem>>
    %dma_start3A_417 = arith.constant 0 : i32
    %dma_start3A_418 = tpu.memref_slice %arg7[%dma_start3A_408, %dma_start3A_417] : memref<8x128xi32, #tpu.memory_space<vmem>> -> memref<1x128xi32, #tpu.memory_space<vmem>>
    %dma_start3A_419 = tpu.memref_squeeze %dma_start3A_418 : memref<1x128xi32, #tpu.memory_space<vmem>> -> memref<128xi32, #tpu.memory_space<vmem>>
    %dma_start3A_420 = arith.constant 0 : i32
    %dma_start3A_421 = arith.constant 0 : i32
    %dma_start3A_422 = tpu.memref_slice %arg2[%dma_start3A_420, %dma_start3A_421] : memref<65536x64xf32, #tpu.memory_space<hbm>> -> memref<65536x64xf32, #tpu.memory_space<hbm>>
    tpu.enqueue_indirect_dma source(%dma_start3A_422 : memref<65536x64xf32, #tpu.memory_space<hbm>>) target(%dma_start3A_416 : memref<128x64xf32, #tpu.memory_space<vmem>>) offsets(%dma_start3A_419 : memref<128xi32, #tpu.memory_space<vmem>>) semaphore(%arg11 : memref<!tpu.dma_semaphore, #tpu.memory_space<semaphore_mem>>)
    %mul3A_423 = arith.constant 1024 : i32
    %mul3A_424 = arith.muli %add3A, %mul3A_423 : i32
    %add3A_425 = arith.constant 256 : i32
    %add3A_426 = arith.addi %mul3A_424, %add3A_425 : i32
    %dma_start3A_427 = arith.constant 1 : i32
    %dma_start3A_428 = arith.constant 0 : i32
    %dma_start3A_429 = arith.constant 0 : i32
    %dma_start3A_430 = tpu.memref_slice %arg8[%dma_start3A_427, %dma_start3A_428, %dma_start3A_429] : memref<3x256x64xf32, #tpu.memory_space<vmem>> -> memref<1x256x64xf32, #tpu.memory_space<vmem>>
    %dma_start3A_431 = tpu.memref_squeeze %dma_start3A_430 : memref<1x256x64xf32, #tpu.memory_space<vmem>> -> memref<256x64xf32, #tpu.memory_space<vmem>>
    %dma_start3A_432 = arith.constant 0 : i32
    %dma_start3A_433 = tpu.memref_slice %arg5[%add3A_426, %dma_start3A_432] : memref<32768x128xf32, #tpu.memory_space<hbm>> -> memref<256x64xf32, #tpu.memory_space<hbm>>
    %dma_start3A_434 = arith.constant 0 : i32
    %dma_start3A_435 = tpu.memref_slice %arg5[%add3A_426, %dma_start3A_434] : memref<32768x128xf32, #tpu.memory_space<hbm>> -> memref<256x64xf32, #tpu.memory_space<hbm>>
    %dma_start3A_436 = arith.constant 0 : i32
    %dma_start3A_437 = arith.constant 0 : i32
    %dma_start3A_438 = tpu.memref_slice %arg8[%dma_start3A_427, %dma_start3A_436, %dma_start3A_437] : memref<3x256x64xf32, #tpu.memory_space<vmem>> -> memref<1x256x64xf32, #tpu.memory_space<vmem>>
    %dma_start3A_439 = tpu.memref_squeeze %dma_start3A_438 : memref<1x256x64xf32, #tpu.memory_space<vmem>> -> memref<256x64xf32, #tpu.memory_space<vmem>>
    tpu.enqueue_dma source(%dma_start3A_439 : memref<256x64xf32, #tpu.memory_space<vmem>>) target(%dma_start3A_435 : memref<256x64xf32, #tpu.memory_space<hbm>>) target_semaphore(%arg13 : memref<!tpu.dma_semaphore, #tpu.memory_space<semaphore_mem>>)
    %dma_start3A_440 = arith.constant 1 : i32
    %dma_start3A_441 = arith.constant 0 : i32
    %dma_start3A_442 = arith.constant 0 : i32
    %dma_start3A_443 = tpu.memref_slice %arg9[%dma_start3A_440, %dma_start3A_441, %dma_start3A_442] : memref<3x256x64xf32, #tpu.memory_space<vmem>> -> memref<1x256x64xf32, #tpu.memory_space<vmem>>
    %dma_start3A_444 = tpu.memref_squeeze %dma_start3A_443 : memref<1x256x64xf32, #tpu.memory_space<vmem>> -> memref<256x64xf32, #tpu.memory_space<vmem>>
    %dma_start3A_445 = arith.constant 64 : i32
    %dma_start3A_446 = tpu.memref_slice %arg5[%add3A_426, %dma_start3A_445] : memref<32768x128xf32, #tpu.memory_space<hbm>> -> memref<256x64xf32, #tpu.memory_space<hbm>>
    %dma_start3A_447 = arith.constant 64 : i32
    %dma_start3A_448 = tpu.memref_slice %arg5[%add3A_426, %dma_start3A_447] : memref<32768x128xf32, #tpu.memory_space<hbm>> -> memref<256x64xf32, #tpu.memory_space<hbm>>
    %dma_start3A_449 = arith.constant 0 : i32
    %dma_start3A_450 = arith.constant 0 : i32
    %dma_start3A_451 = tpu.memref_slice %arg9[%dma_start3A_440, %dma_start3A_449, %dma_start3A_450] : memref<3x256x64xf32, #tpu.memory_space<vmem>> -> memref<1x256x64xf32, #tpu.memory_space<vmem>>
    %dma_start3A_452 = tpu.memref_squeeze %dma_start3A_451 : memref<1x256x64xf32, #tpu.memory_space<vmem>> -> memref<256x64xf32, #tpu.memory_space<vmem>>
    tpu.enqueue_dma source(%dma_start3A_452 : memref<256x64xf32, #tpu.memory_space<vmem>>) target(%dma_start3A_448 : memref<256x64xf32, #tpu.memory_space<hbm>>) target_semaphore(%arg13 : memref<!tpu.dma_semaphore, #tpu.memory_space<semaphore_mem>>)
    %dma_wait3A_453 = arith.constant 4 : i32
    %dma_wait3A_454 = arith.constant 2 : i32
    %dma_wait3A_455 = arith.constant 0 : i32
    %dma_wait3A_456 = arith.constant 0 : i32
    %dma_wait3A_457 = tpu.memref_slice %arg8[%dma_wait3A_454, %dma_wait3A_455, %dma_wait3A_456] : memref<3x256x64xf32, #tpu.memory_space<vmem>> -> memref<1x256x64xf32, #tpu.memory_space<vmem>>
    %dma_wait3A_458 = tpu.memref_squeeze %dma_wait3A_457 : memref<1x256x64xf32, #tpu.memory_space<vmem>> -> memref<256x64xf32, #tpu.memory_space<vmem>>
    %dma_wait3A_459 = arith.constant 0 : i32
    %dma_wait3A_460 = arith.constant 0 : i32
    %dma_wait3A_461 = tpu.memref_slice %dma_wait3A_458[%dma_wait3A_459, %dma_wait3A_460] : memref<256x64xf32, #tpu.memory_space<vmem>> -> memref<128x64xf32, #tpu.memory_space<vmem>>
    %dma_wait3A_462 = arith.constant 0 : i32
    %dma_wait3A_463 = tpu.memref_slice %arg6[%dma_wait3A_453, %dma_wait3A_462] : memref<8x128xi32, #tpu.memory_space<vmem>> -> memref<1x128xi32, #tpu.memory_space<vmem>>
    %dma_wait3A_464 = tpu.memref_squeeze %dma_wait3A_463 : memref<1x128xi32, #tpu.memory_space<vmem>> -> memref<128xi32, #tpu.memory_space<vmem>>
    %dma_wait3A_465 = arith.constant 0 : i32
    %dma_wait3A_466 = arith.constant 0 : i32
    %dma_wait3A_467 = tpu.memref_slice %arg2[%dma_wait3A_465, %dma_wait3A_466] : memref<65536x64xf32, #tpu.memory_space<hbm>> -> memref<65536x64xf32, #tpu.memory_space<hbm>>
    tpu.wait_indirect_dma semaphore(%arg10 : memref<!tpu.dma_semaphore, #tpu.memory_space<semaphore_mem>>) src(%dma_wait3A_467 : memref<65536x64xf32, #tpu.memory_space<hbm>>) dst(%dma_wait3A_461 : memref<128x64xf32, #tpu.memory_space<vmem>>)
    %dma_wait3A_468 = arith.constant 4 : i32
    %dma_wait3A_469 = arith.constant 2 : i32
    %dma_wait3A_470 = arith.constant 0 : i32
    %dma_wait3A_471 = arith.constant 0 : i32
    %dma_wait3A_472 = tpu.memref_slice %arg9[%dma_wait3A_469, %dma_wait3A_470, %dma_wait3A_471] : memref<3x256x64xf32, #tpu.memory_space<vmem>> -> memref<1x256x64xf32, #tpu.memory_space<vmem>>
    %dma_wait3A_473 = tpu.memref_squeeze %dma_wait3A_472 : memref<1x256x64xf32, #tpu.memory_space<vmem>> -> memref<256x64xf32, #tpu.memory_space<vmem>>
    %dma_wait3A_474 = arith.constant 0 : i32
    %dma_wait3A_475 = arith.constant 0 : i32
    %dma_wait3A_476 = tpu.memref_slice %dma_wait3A_473[%dma_wait3A_474, %dma_wait3A_475] : memref<256x64xf32, #tpu.memory_space<vmem>> -> memref<128x64xf32, #tpu.memory_space<vmem>>
    %dma_wait3A_477 = arith.constant 0 : i32
    %dma_wait3A_478 = tpu.memref_slice %arg7[%dma_wait3A_468, %dma_wait3A_477] : memref<8x128xi32, #tpu.memory_space<vmem>> -> memref<1x128xi32, #tpu.memory_space<vmem>>
    %dma_wait3A_479 = tpu.memref_squeeze %dma_wait3A_478 : memref<1x128xi32, #tpu.memory_space<vmem>> -> memref<128xi32, #tpu.memory_space<vmem>>
    %dma_wait3A_480 = arith.constant 0 : i32
    %dma_wait3A_481 = arith.constant 0 : i32
    %dma_wait3A_482 = tpu.memref_slice %arg2[%dma_wait3A_480, %dma_wait3A_481] : memref<65536x64xf32, #tpu.memory_space<hbm>> -> memref<65536x64xf32, #tpu.memory_space<hbm>>
    tpu.wait_indirect_dma semaphore(%arg11 : memref<!tpu.dma_semaphore, #tpu.memory_space<semaphore_mem>>) src(%dma_wait3A_482 : memref<65536x64xf32, #tpu.memory_space<hbm>>) dst(%dma_wait3A_476 : memref<128x64xf32, #tpu.memory_space<vmem>>)
    %dma_wait3A_483 = arith.constant 5 : i32
    %dma_wait3A_484 = arith.constant 2 : i32
    %dma_wait3A_485 = arith.constant 0 : i32
    %dma_wait3A_486 = arith.constant 0 : i32
    %dma_wait3A_487 = tpu.memref_slice %arg8[%dma_wait3A_484, %dma_wait3A_485, %dma_wait3A_486] : memref<3x256x64xf32, #tpu.memory_space<vmem>> -> memref<1x256x64xf32, #tpu.memory_space<vmem>>
    %dma_wait3A_488 = tpu.memref_squeeze %dma_wait3A_487 : memref<1x256x64xf32, #tpu.memory_space<vmem>> -> memref<256x64xf32, #tpu.memory_space<vmem>>
    %dma_wait3A_489 = arith.constant 128 : i32
    %dma_wait3A_490 = arith.constant 0 : i32
    %dma_wait3A_491 = tpu.memref_slice %dma_wait3A_488[%dma_wait3A_489, %dma_wait3A_490] : memref<256x64xf32, #tpu.memory_space<vmem>> -> memref<128x64xf32, #tpu.memory_space<vmem>>
    %dma_wait3A_492 = arith.constant 0 : i32
    %dma_wait3A_493 = tpu.memref_slice %arg6[%dma_wait3A_483, %dma_wait3A_492] : memref<8x128xi32, #tpu.memory_space<vmem>> -> memref<1x128xi32, #tpu.memory_space<vmem>>
    %dma_wait3A_494 = tpu.memref_squeeze %dma_wait3A_493 : memref<1x128xi32, #tpu.memory_space<vmem>> -> memref<128xi32, #tpu.memory_space<vmem>>
    %dma_wait3A_495 = arith.constant 0 : i32
    %dma_wait3A_496 = arith.constant 0 : i32
    %dma_wait3A_497 = tpu.memref_slice %arg2[%dma_wait3A_495, %dma_wait3A_496] : memref<65536x64xf32, #tpu.memory_space<hbm>> -> memref<65536x64xf32, #tpu.memory_space<hbm>>
    tpu.wait_indirect_dma semaphore(%arg10 : memref<!tpu.dma_semaphore, #tpu.memory_space<semaphore_mem>>) src(%dma_wait3A_497 : memref<65536x64xf32, #tpu.memory_space<hbm>>) dst(%dma_wait3A_491 : memref<128x64xf32, #tpu.memory_space<vmem>>)
    %dma_wait3A_498 = arith.constant 5 : i32
    %dma_wait3A_499 = arith.constant 2 : i32
    %dma_wait3A_500 = arith.constant 0 : i32
    %dma_wait3A_501 = arith.constant 0 : i32
    %dma_wait3A_502 = tpu.memref_slice %arg9[%dma_wait3A_499, %dma_wait3A_500, %dma_wait3A_501] : memref<3x256x64xf32, #tpu.memory_space<vmem>> -> memref<1x256x64xf32, #tpu.memory_space<vmem>>
    %dma_wait3A_503 = tpu.memref_squeeze %dma_wait3A_502 : memref<1x256x64xf32, #tpu.memory_space<vmem>> -> memref<256x64xf32, #tpu.memory_space<vmem>>
    %dma_wait3A_504 = arith.constant 128 : i32
    %dma_wait3A_505 = arith.constant 0 : i32
    %dma_wait3A_506 = tpu.memref_slice %dma_wait3A_503[%dma_wait3A_504, %dma_wait3A_505] : memref<256x64xf32, #tpu.memory_space<vmem>> -> memref<128x64xf32, #tpu.memory_space<vmem>>
    %dma_wait3A_507 = arith.constant 0 : i32
    %dma_wait3A_508 = tpu.memref_slice %arg7[%dma_wait3A_498, %dma_wait3A_507] : memref<8x128xi32, #tpu.memory_space<vmem>> -> memref<1x128xi32, #tpu.memory_space<vmem>>
    %dma_wait3A_509 = tpu.memref_squeeze %dma_wait3A_508 : memref<1x128xi32, #tpu.memory_space<vmem>> -> memref<128xi32, #tpu.memory_space<vmem>>
    %dma_wait3A_510 = arith.constant 0 : i32
    %dma_wait3A_511 = arith.constant 0 : i32
    %dma_wait3A_512 = tpu.memref_slice %arg2[%dma_wait3A_510, %dma_wait3A_511] : memref<65536x64xf32, #tpu.memory_space<hbm>> -> memref<65536x64xf32, #tpu.memory_space<hbm>>
    tpu.wait_indirect_dma semaphore(%arg11 : memref<!tpu.dma_semaphore, #tpu.memory_space<semaphore_mem>>) src(%dma_wait3A_512 : memref<65536x64xf32, #tpu.memory_space<hbm>>) dst(%dma_wait3A_506 : memref<128x64xf32, #tpu.memory_space<vmem>>)
    %mul3A_513 = arith.constant 1024 : i32
    %mul3A_514 = arith.muli %add3A, %mul3A_513 : i32
    %add3A_515 = arith.constant 512 : i32
    %add3A_516 = arith.addi %mul3A_514, %add3A_515 : i32
    %dma_start3A_517 = arith.constant 2 : i32
    %dma_start3A_518 = arith.constant 0 : i32
    %dma_start3A_519 = arith.constant 0 : i32
    %dma_start3A_520 = tpu.memref_slice %arg8[%dma_start3A_517, %dma_start3A_518, %dma_start3A_519] : memref<3x256x64xf32, #tpu.memory_space<vmem>> -> memref<1x256x64xf32, #tpu.memory_space<vmem>>
    %dma_start3A_521 = tpu.memref_squeeze %dma_start3A_520 : memref<1x256x64xf32, #tpu.memory_space<vmem>> -> memref<256x64xf32, #tpu.memory_space<vmem>>
    %dma_start3A_522 = arith.constant 0 : i32
    %dma_start3A_523 = tpu.memref_slice %arg5[%add3A_516, %dma_start3A_522] : memref<32768x128xf32, #tpu.memory_space<hbm>> -> memref<256x64xf32, #tpu.memory_space<hbm>>
    %dma_start3A_524 = arith.constant 0 : i32
    %dma_start3A_525 = tpu.memref_slice %arg5[%add3A_516, %dma_start3A_524] : memref<32768x128xf32, #tpu.memory_space<hbm>> -> memref<256x64xf32, #tpu.memory_space<hbm>>
    %dma_start3A_526 = arith.constant 0 : i32
    %dma_start3A_527 = arith.constant 0 : i32
    %dma_start3A_528 = tpu.memref_slice %arg8[%dma_start3A_517, %dma_start3A_526, %dma_start3A_527] : memref<3x256x64xf32, #tpu.memory_space<vmem>> -> memref<1x256x64xf32, #tpu.memory_space<vmem>>
    %dma_start3A_529 = tpu.memref_squeeze %dma_start3A_528 : memref<1x256x64xf32, #tpu.memory_space<vmem>> -> memref<256x64xf32, #tpu.memory_space<vmem>>
    tpu.enqueue_dma source(%dma_start3A_529 : memref<256x64xf32, #tpu.memory_space<vmem>>) target(%dma_start3A_525 : memref<256x64xf32, #tpu.memory_space<hbm>>) target_semaphore(%arg14 : memref<!tpu.dma_semaphore, #tpu.memory_space<semaphore_mem>>)
    %dma_start3A_530 = arith.constant 2 : i32
    %dma_start3A_531 = arith.constant 0 : i32
    %dma_start3A_532 = arith.constant 0 : i32
    %dma_start3A_533 = tpu.memref_slice %arg9[%dma_start3A_530, %dma_start3A_531, %dma_start3A_532] : memref<3x256x64xf32, #tpu.memory_space<vmem>> -> memref<1x256x64xf32, #tpu.memory_space<vmem>>
    %dma_start3A_534 = tpu.memref_squeeze %dma_start3A_533 : memref<1x256x64xf32, #tpu.memory_space<vmem>> -> memref<256x64xf32, #tpu.memory_space<vmem>>
    %dma_start3A_535 = arith.constant 64 : i32
    %dma_start3A_536 = tpu.memref_slice %arg5[%add3A_516, %dma_start3A_535] : memref<32768x128xf32, #tpu.memory_space<hbm>> -> memref<256x64xf32, #tpu.memory_space<hbm>>
    %dma_start3A_537 = arith.constant 64 : i32
    %dma_start3A_538 = tpu.memref_slice %arg5[%add3A_516, %dma_start3A_537] : memref<32768x128xf32, #tpu.memory_space<hbm>> -> memref<256x64xf32, #tpu.memory_space<hbm>>
    %dma_start3A_539 = arith.constant 0 : i32
    %dma_start3A_540 = arith.constant 0 : i32
    %dma_start3A_541 = tpu.memref_slice %arg9[%dma_start3A_530, %dma_start3A_539, %dma_start3A_540] : memref<3x256x64xf32, #tpu.memory_space<vmem>> -> memref<1x256x64xf32, #tpu.memory_space<vmem>>
    %dma_start3A_542 = tpu.memref_squeeze %dma_start3A_541 : memref<1x256x64xf32, #tpu.memory_space<vmem>> -> memref<256x64xf32, #tpu.memory_space<vmem>>
    tpu.enqueue_dma source(%dma_start3A_542 : memref<256x64xf32, #tpu.memory_space<vmem>>) target(%dma_start3A_538 : memref<256x64xf32, #tpu.memory_space<hbm>>) target_semaphore(%arg14 : memref<!tpu.dma_semaphore, #tpu.memory_space<semaphore_mem>>)
    %dma_wait3A_543 = arith.constant 6 : i32
    %dma_wait3A_544 = arith.constant 0 : i32
    %dma_wait3A_545 = arith.constant 0 : i32
    %dma_wait3A_546 = arith.constant 0 : i32
    %dma_wait3A_547 = tpu.memref_slice %arg8[%dma_wait3A_544, %dma_wait3A_545, %dma_wait3A_546] : memref<3x256x64xf32, #tpu.memory_space<vmem>> -> memref<1x256x64xf32, #tpu.memory_space<vmem>>
    %dma_wait3A_548 = tpu.memref_squeeze %dma_wait3A_547 : memref<1x256x64xf32, #tpu.memory_space<vmem>> -> memref<256x64xf32, #tpu.memory_space<vmem>>
    %dma_wait3A_549 = arith.constant 0 : i32
    %dma_wait3A_550 = arith.constant 0 : i32
    %dma_wait3A_551 = tpu.memref_slice %dma_wait3A_548[%dma_wait3A_549, %dma_wait3A_550] : memref<256x64xf32, #tpu.memory_space<vmem>> -> memref<128x64xf32, #tpu.memory_space<vmem>>
    %dma_wait3A_552 = arith.constant 0 : i32
    %dma_wait3A_553 = tpu.memref_slice %arg6[%dma_wait3A_543, %dma_wait3A_552] : memref<8x128xi32, #tpu.memory_space<vmem>> -> memref<1x128xi32, #tpu.memory_space<vmem>>
    %dma_wait3A_554 = tpu.memref_squeeze %dma_wait3A_553 : memref<1x128xi32, #tpu.memory_space<vmem>> -> memref<128xi32, #tpu.memory_space<vmem>>
    %dma_wait3A_555 = arith.constant 0 : i32
    %dma_wait3A_556 = arith.constant 0 : i32
    %dma_wait3A_557 = tpu.memref_slice %arg2[%dma_wait3A_555, %dma_wait3A_556] : memref<65536x64xf32, #tpu.memory_space<hbm>> -> memref<65536x64xf32, #tpu.memory_space<hbm>>
    tpu.wait_indirect_dma semaphore(%arg10 : memref<!tpu.dma_semaphore, #tpu.memory_space<semaphore_mem>>) src(%dma_wait3A_557 : memref<65536x64xf32, #tpu.memory_space<hbm>>) dst(%dma_wait3A_551 : memref<128x64xf32, #tpu.memory_space<vmem>>)
    %dma_wait3A_558 = arith.constant 6 : i32
    %dma_wait3A_559 = arith.constant 0 : i32
    %dma_wait3A_560 = arith.constant 0 : i32
    %dma_wait3A_561 = arith.constant 0 : i32
    %dma_wait3A_562 = tpu.memref_slice %arg9[%dma_wait3A_559, %dma_wait3A_560, %dma_wait3A_561] : memref<3x256x64xf32, #tpu.memory_space<vmem>> -> memref<1x256x64xf32, #tpu.memory_space<vmem>>
    %dma_wait3A_563 = tpu.memref_squeeze %dma_wait3A_562 : memref<1x256x64xf32, #tpu.memory_space<vmem>> -> memref<256x64xf32, #tpu.memory_space<vmem>>
    %dma_wait3A_564 = arith.constant 0 : i32
    %dma_wait3A_565 = arith.constant 0 : i32
    %dma_wait3A_566 = tpu.memref_slice %dma_wait3A_563[%dma_wait3A_564, %dma_wait3A_565] : memref<256x64xf32, #tpu.memory_space<vmem>> -> memref<128x64xf32, #tpu.memory_space<vmem>>
    %dma_wait3A_567 = arith.constant 0 : i32
    %dma_wait3A_568 = tpu.memref_slice %arg7[%dma_wait3A_558, %dma_wait3A_567] : memref<8x128xi32, #tpu.memory_space<vmem>> -> memref<1x128xi32, #tpu.memory_space<vmem>>
    %dma_wait3A_569 = tpu.memref_squeeze %dma_wait3A_568 : memref<1x128xi32, #tpu.memory_space<vmem>> -> memref<128xi32, #tpu.memory_space<vmem>>
    %dma_wait3A_570 = arith.constant 0 : i32
    %dma_wait3A_571 = arith.constant 0 : i32
    %dma_wait3A_572 = tpu.memref_slice %arg2[%dma_wait3A_570, %dma_wait3A_571] : memref<65536x64xf32, #tpu.memory_space<hbm>> -> memref<65536x64xf32, #tpu.memory_space<hbm>>
    tpu.wait_indirect_dma semaphore(%arg11 : memref<!tpu.dma_semaphore, #tpu.memory_space<semaphore_mem>>) src(%dma_wait3A_572 : memref<65536x64xf32, #tpu.memory_space<hbm>>) dst(%dma_wait3A_566 : memref<128x64xf32, #tpu.memory_space<vmem>>)
    %dma_wait3A_573 = arith.constant 7 : i32
    %dma_wait3A_574 = arith.constant 0 : i32
    %dma_wait3A_575 = arith.constant 0 : i32
    %dma_wait3A_576 = arith.constant 0 : i32
    %dma_wait3A_577 = tpu.memref_slice %arg8[%dma_wait3A_574, %dma_wait3A_575, %dma_wait3A_576] : memref<3x256x64xf32, #tpu.memory_space<vmem>> -> memref<1x256x64xf32, #tpu.memory_space<vmem>>
    %dma_wait3A_578 = tpu.memref_squeeze %dma_wait3A_577 : memref<1x256x64xf32, #tpu.memory_space<vmem>> -> memref<256x64xf32, #tpu.memory_space<vmem>>
    %dma_wait3A_579 = arith.constant 128 : i32
    %dma_wait3A_580 = arith.constant 0 : i32
    %dma_wait3A_581 = tpu.memref_slice %dma_wait3A_578[%dma_wait3A_579, %dma_wait3A_580] : memref<256x64xf32, #tpu.memory_space<vmem>> -> memref<128x64xf32, #tpu.memory_space<vmem>>
    %dma_wait3A_582 = arith.constant 0 : i32
    %dma_wait3A_583 = tpu.memref_slice %arg6[%dma_wait3A_573, %dma_wait3A_582] : memref<8x128xi32, #tpu.memory_space<vmem>> -> memref<1x128xi32, #tpu.memory_space<vmem>>
    %dma_wait3A_584 = tpu.memref_squeeze %dma_wait3A_583 : memref<1x128xi32, #tpu.memory_space<vmem>> -> memref<128xi32, #tpu.memory_space<vmem>>
    %dma_wait3A_585 = arith.constant 0 : i32
    %dma_wait3A_586 = arith.constant 0 : i32
    %dma_wait3A_587 = tpu.memref_slice %arg2[%dma_wait3A_585, %dma_wait3A_586] : memref<65536x64xf32, #tpu.memory_space<hbm>> -> memref<65536x64xf32, #tpu.memory_space<hbm>>
    tpu.wait_indirect_dma semaphore(%arg10 : memref<!tpu.dma_semaphore, #tpu.memory_space<semaphore_mem>>) src(%dma_wait3A_587 : memref<65536x64xf32, #tpu.memory_space<hbm>>) dst(%dma_wait3A_581 : memref<128x64xf32, #tpu.memory_space<vmem>>)
    %dma_wait3A_588 = arith.constant 7 : i32
    %dma_wait3A_589 = arith.constant 0 : i32
    %dma_wait3A_590 = arith.constant 0 : i32
    %dma_wait3A_591 = arith.constant 0 : i32
    %dma_wait3A_592 = tpu.memref_slice %arg9[%dma_wait3A_589, %dma_wait3A_590, %dma_wait3A_591] : memref<3x256x64xf32, #tpu.memory_space<vmem>> -> memref<1x256x64xf32, #tpu.memory_space<vmem>>
    %dma_wait3A_593 = tpu.memref_squeeze %dma_wait3A_592 : memref<1x256x64xf32, #tpu.memory_space<vmem>> -> memref<256x64xf32, #tpu.memory_space<vmem>>
    %dma_wait3A_594 = arith.constant 128 : i32
    %dma_wait3A_595 = arith.constant 0 : i32
    %dma_wait3A_596 = tpu.memref_slice %dma_wait3A_593[%dma_wait3A_594, %dma_wait3A_595] : memref<256x64xf32, #tpu.memory_space<vmem>> -> memref<128x64xf32, #tpu.memory_space<vmem>>
    %dma_wait3A_597 = arith.constant 0 : i32
    %dma_wait3A_598 = tpu.memref_slice %arg7[%dma_wait3A_588, %dma_wait3A_597] : memref<8x128xi32, #tpu.memory_space<vmem>> -> memref<1x128xi32, #tpu.memory_space<vmem>>
    %dma_wait3A_599 = tpu.memref_squeeze %dma_wait3A_598 : memref<1x128xi32, #tpu.memory_space<vmem>> -> memref<128xi32, #tpu.memory_space<vmem>>
    %dma_wait3A_600 = arith.constant 0 : i32
    %dma_wait3A_601 = arith.constant 0 : i32
    %dma_wait3A_602 = tpu.memref_slice %arg2[%dma_wait3A_600, %dma_wait3A_601] : memref<65536x64xf32, #tpu.memory_space<hbm>> -> memref<65536x64xf32, #tpu.memory_space<hbm>>
    tpu.wait_indirect_dma semaphore(%arg11 : memref<!tpu.dma_semaphore, #tpu.memory_space<semaphore_mem>>) src(%dma_wait3A_602 : memref<65536x64xf32, #tpu.memory_space<hbm>>) dst(%dma_wait3A_596 : memref<128x64xf32, #tpu.memory_space<vmem>>)
    %mul3A_603 = arith.constant 1024 : i32
    %mul3A_604 = arith.muli %add3A, %mul3A_603 : i32
    %add3A_605 = arith.constant 768 : i32
    %add3A_606 = arith.addi %mul3A_604, %add3A_605 : i32
    %dma_start3A_607 = arith.constant 0 : i32
    %dma_start3A_608 = arith.constant 0 : i32
    %dma_start3A_609 = arith.constant 0 : i32
    %dma_start3A_610 = tpu.memref_slice %arg8[%dma_start3A_607, %dma_start3A_608, %dma_start3A_609] : memref<3x256x64xf32, #tpu.memory_space<vmem>> -> memref<1x256x64xf32, #tpu.memory_space<vmem>>
    %dma_start3A_611 = tpu.memref_squeeze %dma_start3A_610 : memref<1x256x64xf32, #tpu.memory_space<vmem>> -> memref<256x64xf32, #tpu.memory_space<vmem>>
    %dma_start3A_612 = arith.constant 0 : i32
    %dma_start3A_613 = tpu.memref_slice %arg5[%add3A_606, %dma_start3A_612] : memref<32768x128xf32, #tpu.memory_space<hbm>> -> memref<256x64xf32, #tpu.memory_space<hbm>>
    %dma_start3A_614 = arith.constant 0 : i32
    %dma_start3A_615 = tpu.memref_slice %arg5[%add3A_606, %dma_start3A_614] : memref<32768x128xf32, #tpu.memory_space<hbm>> -> memref<256x64xf32, #tpu.memory_space<hbm>>
    %dma_start3A_616 = arith.constant 0 : i32
    %dma_start3A_617 = arith.constant 0 : i32
    %dma_start3A_618 = tpu.memref_slice %arg8[%dma_start3A_607, %dma_start3A_616, %dma_start3A_617] : memref<3x256x64xf32, #tpu.memory_space<vmem>> -> memref<1x256x64xf32, #tpu.memory_space<vmem>>
    %dma_start3A_619 = tpu.memref_squeeze %dma_start3A_618 : memref<1x256x64xf32, #tpu.memory_space<vmem>> -> memref<256x64xf32, #tpu.memory_space<vmem>>
    tpu.enqueue_dma source(%dma_start3A_619 : memref<256x64xf32, #tpu.memory_space<vmem>>) target(%dma_start3A_615 : memref<256x64xf32, #tpu.memory_space<hbm>>) target_semaphore(%arg12 : memref<!tpu.dma_semaphore, #tpu.memory_space<semaphore_mem>>)
    %dma_start3A_620 = arith.constant 0 : i32
    %dma_start3A_621 = arith.constant 0 : i32
    %dma_start3A_622 = arith.constant 0 : i32
    %dma_start3A_623 = tpu.memref_slice %arg9[%dma_start3A_620, %dma_start3A_621, %dma_start3A_622] : memref<3x256x64xf32, #tpu.memory_space<vmem>> -> memref<1x256x64xf32, #tpu.memory_space<vmem>>
    %dma_start3A_624 = tpu.memref_squeeze %dma_start3A_623 : memref<1x256x64xf32, #tpu.memory_space<vmem>> -> memref<256x64xf32, #tpu.memory_space<vmem>>
    %dma_start3A_625 = arith.constant 64 : i32
    %dma_start3A_626 = tpu.memref_slice %arg5[%add3A_606, %dma_start3A_625] : memref<32768x128xf32, #tpu.memory_space<hbm>> -> memref<256x64xf32, #tpu.memory_space<hbm>>
    %dma_start3A_627 = arith.constant 64 : i32
    %dma_start3A_628 = tpu.memref_slice %arg5[%add3A_606, %dma_start3A_627] : memref<32768x128xf32, #tpu.memory_space<hbm>> -> memref<256x64xf32, #tpu.memory_space<hbm>>
    %dma_start3A_629 = arith.constant 0 : i32
    %dma_start3A_630 = arith.constant 0 : i32
    %dma_start3A_631 = tpu.memref_slice %arg9[%dma_start3A_620, %dma_start3A_629, %dma_start3A_630] : memref<3x256x64xf32, #tpu.memory_space<vmem>> -> memref<1x256x64xf32, #tpu.memory_space<vmem>>
    %dma_start3A_632 = tpu.memref_squeeze %dma_start3A_631 : memref<1x256x64xf32, #tpu.memory_space<vmem>> -> memref<256x64xf32, #tpu.memory_space<vmem>>
    tpu.enqueue_dma source(%dma_start3A_632 : memref<256x64xf32, #tpu.memory_space<vmem>>) target(%dma_start3A_628 : memref<256x64xf32, #tpu.memory_space<hbm>>) target_semaphore(%arg12 : memref<!tpu.dma_semaphore, #tpu.memory_space<semaphore_mem>>)
    %dma_wait3A_633 = arith.constant 0 : i32
    %dma_wait3A_634 = arith.constant 0 : i32
    %dma_wait3A_635 = arith.constant 0 : i32
    %dma_wait3A_636 = tpu.memref_slice %arg8[%dma_wait3A_633, %dma_wait3A_634, %dma_wait3A_635] : memref<3x256x64xf32, #tpu.memory_space<vmem>> -> memref<1x256x64xf32, #tpu.memory_space<vmem>>
    %dma_wait3A_637 = tpu.memref_squeeze %dma_wait3A_636 : memref<1x256x64xf32, #tpu.memory_space<vmem>> -> memref<256x64xf32, #tpu.memory_space<vmem>>
    %dma_wait3A_638 = arith.constant 0 : i32
    %dma_wait3A_639 = tpu.memref_slice %arg5[%add3A_606, %dma_wait3A_638] : memref<32768x128xf32, #tpu.memory_space<hbm>> -> memref<256x64xf32, #tpu.memory_space<hbm>>
    %dma_wait3A_640 = arith.constant 0 : i32
    %dma_wait3A_641 = tpu.memref_slice %arg5[%add3A_606, %dma_wait3A_640] : memref<32768x128xf32, #tpu.memory_space<hbm>> -> memref<256x64xf32, #tpu.memory_space<hbm>>
    %dma_wait3A_642 = arith.constant 0 : i32
    %dma_wait3A_643 = arith.constant 0 : i32
    %dma_wait3A_644 = tpu.memref_slice %arg8[%dma_wait3A_633, %dma_wait3A_642, %dma_wait3A_643] : memref<3x256x64xf32, #tpu.memory_space<vmem>> -> memref<1x256x64xf32, #tpu.memory_space<vmem>>
    %dma_wait3A_645 = tpu.memref_squeeze %dma_wait3A_644 : memref<1x256x64xf32, #tpu.memory_space<vmem>> -> memref<256x64xf32, #tpu.memory_space<vmem>>
    tpu.wait_dma2 semaphore(%arg12 : memref<!tpu.dma_semaphore, #tpu.memory_space<semaphore_mem>>) src(%dma_wait3A_645 : memref<256x64xf32, #tpu.memory_space<vmem>>) dst(%dma_wait3A_641 : memref<256x64xf32, #tpu.memory_space<hbm>>)
    %dma_wait3A_646 = arith.constant 0 : i32
    %dma_wait3A_647 = arith.constant 0 : i32
    %dma_wait3A_648 = arith.constant 0 : i32
    %dma_wait3A_649 = tpu.memref_slice %arg9[%dma_wait3A_646, %dma_wait3A_647, %dma_wait3A_648] : memref<3x256x64xf32, #tpu.memory_space<vmem>> -> memref<1x256x64xf32, #tpu.memory_space<vmem>>
    %dma_wait3A_650 = tpu.memref_squeeze %dma_wait3A_649 : memref<1x256x64xf32, #tpu.memory_space<vmem>> -> memref<256x64xf32, #tpu.memory_space<vmem>>
    %dma_wait3A_651 = arith.constant 64 : i32
    %dma_wait3A_652 = tpu.memref_slice %arg5[%add3A_606, %dma_wait3A_651] : memref<32768x128xf32, #tpu.memory_space<hbm>> -> memref<256x64xf32, #tpu.memory_space<hbm>>
    %dma_wait3A_653 = arith.constant 64 : i32
    %dma_wait3A_654 = tpu.memref_slice %arg5[%add3A_606, %dma_wait3A_653] : memref<32768x128xf32, #tpu.memory_space<hbm>> -> memref<256x64xf32, #tpu.memory_space<hbm>>
    %dma_wait3A_655 = arith.constant 0 : i32
    %dma_wait3A_656 = arith.constant 0 : i32
    %dma_wait3A_657 = tpu.memref_slice %arg9[%dma_wait3A_646, %dma_wait3A_655, %dma_wait3A_656] : memref<3x256x64xf32, #tpu.memory_space<vmem>> -> memref<1x256x64xf32, #tpu.memory_space<vmem>>
    %dma_wait3A_658 = tpu.memref_squeeze %dma_wait3A_657 : memref<1x256x64xf32, #tpu.memory_space<vmem>> -> memref<256x64xf32, #tpu.memory_space<vmem>>
    tpu.wait_dma2 semaphore(%arg12 : memref<!tpu.dma_semaphore, #tpu.memory_space<semaphore_mem>>) src(%dma_wait3A_658 : memref<256x64xf32, #tpu.memory_space<vmem>>) dst(%dma_wait3A_654 : memref<256x64xf32, #tpu.memory_space<hbm>>)
    %dma_wait3A_659 = arith.constant 1 : i32
    %dma_wait3A_660 = arith.constant 0 : i32
    %dma_wait3A_661 = arith.constant 0 : i32
    %dma_wait3A_662 = tpu.memref_slice %arg8[%dma_wait3A_659, %dma_wait3A_660, %dma_wait3A_661] : memref<3x256x64xf32, #tpu.memory_space<vmem>> -> memref<1x256x64xf32, #tpu.memory_space<vmem>>
    %dma_wait3A_663 = tpu.memref_squeeze %dma_wait3A_662 : memref<1x256x64xf32, #tpu.memory_space<vmem>> -> memref<256x64xf32, #tpu.memory_space<vmem>>
    %dma_wait3A_664 = arith.constant 0 : i32
    %dma_wait3A_665 = tpu.memref_slice %arg5[%add3A_426, %dma_wait3A_664] : memref<32768x128xf32, #tpu.memory_space<hbm>> -> memref<256x64xf32, #tpu.memory_space<hbm>>
    %dma_wait3A_666 = arith.constant 0 : i32
    %dma_wait3A_667 = tpu.memref_slice %arg5[%add3A_426, %dma_wait3A_666] : memref<32768x128xf32, #tpu.memory_space<hbm>> -> memref<256x64xf32, #tpu.memory_space<hbm>>
    %dma_wait3A_668 = arith.constant 0 : i32
    %dma_wait3A_669 = arith.constant 0 : i32
    %dma_wait3A_670 = tpu.memref_slice %arg8[%dma_wait3A_659, %dma_wait3A_668, %dma_wait3A_669] : memref<3x256x64xf32, #tpu.memory_space<vmem>> -> memref<1x256x64xf32, #tpu.memory_space<vmem>>
    %dma_wait3A_671 = tpu.memref_squeeze %dma_wait3A_670 : memref<1x256x64xf32, #tpu.memory_space<vmem>> -> memref<256x64xf32, #tpu.memory_space<vmem>>
    tpu.wait_dma2 semaphore(%arg13 : memref<!tpu.dma_semaphore, #tpu.memory_space<semaphore_mem>>) src(%dma_wait3A_671 : memref<256x64xf32, #tpu.memory_space<vmem>>) dst(%dma_wait3A_667 : memref<256x64xf32, #tpu.memory_space<hbm>>)
    %dma_wait3A_672 = arith.constant 1 : i32
    %dma_wait3A_673 = arith.constant 0 : i32
    %dma_wait3A_674 = arith.constant 0 : i32
    %dma_wait3A_675 = tpu.memref_slice %arg9[%dma_wait3A_672, %dma_wait3A_673, %dma_wait3A_674] : memref<3x256x64xf32, #tpu.memory_space<vmem>> -> memref<1x256x64xf32, #tpu.memory_space<vmem>>
    %dma_wait3A_676 = tpu.memref_squeeze %dma_wait3A_675 : memref<1x256x64xf32, #tpu.memory_space<vmem>> -> memref<256x64xf32, #tpu.memory_space<vmem>>
    %dma_wait3A_677 = arith.constant 64 : i32
    %dma_wait3A_678 = tpu.memref_slice %arg5[%add3A_426, %dma_wait3A_677] : memref<32768x128xf32, #tpu.memory_space<hbm>> -> memref<256x64xf32, #tpu.memory_space<hbm>>
    %dma_wait3A_679 = arith.constant 64 : i32
    %dma_wait3A_680 = tpu.memref_slice %arg5[%add3A_426, %dma_wait3A_679] : memref<32768x128xf32, #tpu.memory_space<hbm>> -> memref<256x64xf32, #tpu.memory_space<hbm>>
    %dma_wait3A_681 = arith.constant 0 : i32
    %dma_wait3A_682 = arith.constant 0 : i32
    %dma_wait3A_683 = tpu.memref_slice %arg9[%dma_wait3A_672, %dma_wait3A_681, %dma_wait3A_682] : memref<3x256x64xf32, #tpu.memory_space<vmem>> -> memref<1x256x64xf32, #tpu.memory_space<vmem>>
    %dma_wait3A_684 = tpu.memref_squeeze %dma_wait3A_683 : memref<1x256x64xf32, #tpu.memory_space<vmem>> -> memref<256x64xf32, #tpu.memory_space<vmem>>
    tpu.wait_dma2 semaphore(%arg13 : memref<!tpu.dma_semaphore, #tpu.memory_space<semaphore_mem>>) src(%dma_wait3A_684 : memref<256x64xf32, #tpu.memory_space<vmem>>) dst(%dma_wait3A_680 : memref<256x64xf32, #tpu.memory_space<hbm>>)
    %dma_wait3A_685 = arith.constant 2 : i32
    %dma_wait3A_686 = arith.constant 0 : i32
    %dma_wait3A_687 = arith.constant 0 : i32
    %dma_wait3A_688 = tpu.memref_slice %arg8[%dma_wait3A_685, %dma_wait3A_686, %dma_wait3A_687] : memref<3x256x64xf32, #tpu.memory_space<vmem>> -> memref<1x256x64xf32, #tpu.memory_space<vmem>>
    %dma_wait3A_689 = tpu.memref_squeeze %dma_wait3A_688 : memref<1x256x64xf32, #tpu.memory_space<vmem>> -> memref<256x64xf32, #tpu.memory_space<vmem>>
    %dma_wait3A_690 = arith.constant 0 : i32
    %dma_wait3A_691 = tpu.memref_slice %arg5[%add3A_516, %dma_wait3A_690] : memref<32768x128xf32, #tpu.memory_space<hbm>> -> memref<256x64xf32, #tpu.memory_space<hbm>>
    %dma_wait3A_692 = arith.constant 0 : i32
    %dma_wait3A_693 = tpu.memref_slice %arg5[%add3A_516, %dma_wait3A_692] : memref<32768x128xf32, #tpu.memory_space<hbm>> -> memref<256x64xf32, #tpu.memory_space<hbm>>
    %dma_wait3A_694 = arith.constant 0 : i32
    %dma_wait3A_695 = arith.constant 0 : i32
    %dma_wait3A_696 = tpu.memref_slice %arg8[%dma_wait3A_685, %dma_wait3A_694, %dma_wait3A_695] : memref<3x256x64xf32, #tpu.memory_space<vmem>> -> memref<1x256x64xf32, #tpu.memory_space<vmem>>
    %dma_wait3A_697 = tpu.memref_squeeze %dma_wait3A_696 : memref<1x256x64xf32, #tpu.memory_space<vmem>> -> memref<256x64xf32, #tpu.memory_space<vmem>>
    tpu.wait_dma2 semaphore(%arg14 : memref<!tpu.dma_semaphore, #tpu.memory_space<semaphore_mem>>) src(%dma_wait3A_697 : memref<256x64xf32, #tpu.memory_space<vmem>>) dst(%dma_wait3A_693 : memref<256x64xf32, #tpu.memory_space<hbm>>)
    %dma_wait3A_698 = arith.constant 2 : i32
    %dma_wait3A_699 = arith.constant 0 : i32
    %dma_wait3A_700 = arith.constant 0 : i32
    %dma_wait3A_701 = tpu.memref_slice %arg9[%dma_wait3A_698, %dma_wait3A_699, %dma_wait3A_700] : memref<3x256x64xf32, #tpu.memory_space<vmem>> -> memref<1x256x64xf32, #tpu.memory_space<vmem>>
    %dma_wait3A_702 = tpu.memref_squeeze %dma_wait3A_701 : memref<1x256x64xf32, #tpu.memory_space<vmem>> -> memref<256x64xf32, #tpu.memory_space<vmem>>
    %dma_wait3A_703 = arith.constant 64 : i32
    %dma_wait3A_704 = tpu.memref_slice %arg5[%add3A_516, %dma_wait3A_703] : memref<32768x128xf32, #tpu.memory_space<hbm>> -> memref<256x64xf32, #tpu.memory_space<hbm>>
    %dma_wait3A_705 = arith.constant 64 : i32
    %dma_wait3A_706 = tpu.memref_slice %arg5[%add3A_516, %dma_wait3A_705] : memref<32768x128xf32, #tpu.memory_space<hbm>> -> memref<256x64xf32, #tpu.memory_space<hbm>>
    %dma_wait3A_707 = arith.constant 0 : i32
    %dma_wait3A_708 = arith.constant 0 : i32
    %dma_wait3A_709 = tpu.memref_slice %arg9[%dma_wait3A_698, %dma_wait3A_707, %dma_wait3A_708] : memref<3x256x64xf32, #tpu.memory_space<vmem>> -> memref<1x256x64xf32, #tpu.memory_space<vmem>>
    %dma_wait3A_710 = tpu.memref_squeeze %dma_wait3A_709 : memref<1x256x64xf32, #tpu.memory_space<vmem>> -> memref<256x64xf32, #tpu.memory_space<vmem>>
    tpu.wait_dma2 semaphore(%arg14 : memref<!tpu.dma_semaphore, #tpu.memory_space<semaphore_mem>>) src(%dma_wait3A_710 : memref<256x64xf32, #tpu.memory_space<vmem>>) dst(%dma_wait3A_706 : memref<256x64xf32, #tpu.memory_space<hbm>>)
    return
  }
}

module attributes {stable_mosaic.version = 14 : i64} {
  func.func @body(%arg0: i32, %arg1: memref<16384x128xf32, #tpu.memory_space<vmem>>, %arg2: memref<128x128xf32, #tpu.memory_space<vmem>>, %arg3: memref<1x128xf32, #tpu.memory_space<vmem>>, %arg4: memref<2x128xf32, #tpu.memory_space<vmem>>, %arg5: memref<2x1xf32, #tpu.memory_space<vmem>>, %arg6: memref<2x16384xf32, #tpu.memory_space<vmem>>) attributes {dimension_semantics = [#tpu.dimension_semantics<arbitrary>], iteration_bounds = array<i64: 2>, scalar_prefetch = 0 : i64, scratch_operands = 0 : i64, tpu.core_type = #tpu.core_type<tc>, window_params = [{transform_indices = @transform_0, window_bounds = array<i64: 16384, 128>}, {pipeline_mode = #tpu.pipeline_mode<synchronous>, transform_indices = @transform_1, window_bounds = array<i64: 128, 128>}, {pipeline_mode = #tpu.pipeline_mode<synchronous>, transform_indices = @transform_2, window_bounds = array<i64: 1, 128>}, {pipeline_mode = #tpu.pipeline_mode<synchronous>, transform_indices = @transform_3, window_bounds = array<i64: 2, 128>}, {pipeline_mode = #tpu.pipeline_mode<synchronous>, transform_indices = @transform_4, window_bounds = array<i64: 2, 1>}, {transform_indices = @transform_5, window_bounds = array<i64: 2, 16384>}]} {
    %get3A = arith.constant 0 : index
    %get3A_0 = arith.constant 0 : index
    %get3A_1 = vector.load %arg1[%get3A, %get3A_0] : memref<16384x128xf32, #tpu.memory_space<vmem>>, vector<16384x128xf32>
    %get3A_2 = arith.constant 0 : index
    %get3A_3 = arith.constant 0 : index
    %get3A_4 = vector.load %arg2[%get3A_2, %get3A_3] : memref<128x128xf32, #tpu.memory_space<vmem>>, vector<128x128xf32>
    %dot_general3A = arith.constant dense<0.000000e+00> : vector<16384x128xf32>
    %dot_general3A_5 = tpu.matmul %get3A_1, %get3A_4, %dot_general3A {dimension_numbers = #tpu.dot_dimension_numbers<[1], [0], [0], [1], [0, 0, 1, 1], [], []>, transpose_lhs_hint = false} : vector<16384x128xf32>, vector<128x128xf32>, vector<16384x128xf32> -> vector<16384x128xf32>
    %get3A_6 = arith.constant 0 : index
    %get3A_7 = arith.constant 0 : index
    %get3A_8 = vector.load %arg3[%get3A_6, %get3A_7] : memref<1x128xf32, #tpu.memory_space<vmem>>, vector<1x128xf32>
    %add3A = vector.broadcast %get3A_8 : vector<1x128xf32> to vector<16384x128xf32>
    %add3A_9 = arith.addf %dot_general3A_5, %add3A : vector<16384x128xf32>
    %max3A = arith.constant 0.000000e+00 : f32
    %max3A_10 = vector.broadcast %max3A : f32 to vector<16384x128xf32>
    %max3A_11 = arith.maximumf %add3A_9, %max3A_10 : vector<16384x128xf32>
    %get3A_12 = arith.constant 0 : index
    %get3A_13 = arith.constant 0 : index
    %get3A_14 = vector.load %arg4[%get3A_12, %get3A_13] : memref<2x128xf32, #tpu.memory_space<vmem>>, vector<2x128xf32>
    %dot_general3A_15 = arith.constant dense<0.000000e+00> : vector<2x16384xf32>
    %dot_general3A_16 = tpu.matmul %get3A_14, %max3A_11, %dot_general3A_15 {dimension_numbers = #tpu.dot_dimension_numbers<[1], [1], [0], [0], [0, 0, 1, 0], [], []>, transpose_lhs_hint = false} : vector<2x128xf32>, vector<16384x128xf32>, vector<2x16384xf32> -> vector<2x16384xf32>
    %get3A_17 = arith.constant 0 : index
    %get3A_18 = arith.constant 0 : index
    %get3A_19 = vector.load %arg5[%get3A_17, %get3A_18] : memref<2x1xf32, #tpu.memory_space<vmem>>, vector<2x1xf32>
    %add3A_20 = vector.broadcast %get3A_19 : vector<2x1xf32> to vector<2x16384xf32>
    %add3A_21 = arith.addf %dot_general3A_16, %add3A_20 : vector<2x16384xf32>
    %swap3A = arith.constant 0 : index
    %swap3A_22 = arith.constant 0 : index
    %swap3A_23 = vector.load %arg6[%swap3A, %swap3A_22] : memref<2x16384xf32, #tpu.memory_space<vmem>>, vector<2x16384xf32>
    tpu.vector_store %arg6[%swap3A, %swap3A_22], %add3A_21 {strides = array<i32>} : memref<2x16384xf32, #tpu.memory_space<vmem>>, vector<2x16384xf32>,
    return
  }
  func.func @transform_0(%arg0: i32) -> (i32, i32) {
    %c0_i32 = arith.constant 0 : i32
    %c0_i32_0 = arith.constant 0 : i32
    return %arg0, %c0_i32 : i32, i32
  }
  func.func @transform_1(%arg0: i32) -> (i32, i32) {
    %c0_i32 = arith.constant 0 : i32
    %c0_i32_0 = arith.constant 0 : i32
    %c0_i32_1 = arith.constant 0 : i32
    return %c0_i32, %c0_i32_0 : i32, i32
  }
  func.func @transform_2(%arg0: i32) -> (i32, i32) {
    %c0_i32 = arith.constant 0 : i32
    %c0_i32_0 = arith.constant 0 : i32
    %c0_i32_1 = arith.constant 0 : i32
    return %c0_i32, %c0_i32_0 : i32, i32
  }
  func.func @transform_3(%arg0: i32) -> (i32, i32) {
    %c0_i32 = arith.constant 0 : i32
    %c0_i32_0 = arith.constant 0 : i32
    %c0_i32_1 = arith.constant 0 : i32
    return %c0_i32, %c0_i32_0 : i32, i32
  }
  func.func @transform_4(%arg0: i32) -> (i32, i32) {
    %c0_i32 = arith.constant 0 : i32
    %c0_i32_0 = arith.constant 0 : i32
    %c0_i32_1 = arith.constant 0 : i32
    return %c0_i32, %c0_i32_0 : i32, i32
  }
  func.func @transform_5(%arg0: i32) -> (i32, i32) {
    %c0_i32 = arith.constant 0 : i32
    %c0_i32_0 = arith.constant 0 : i32
    return %c0_i32, %arg0 : i32, i32
  }
}

</mosaic_0001>

<sc_bundles>
// kernel: kernel.6.cloned.1.call-start
scs
__scs_entry_jumppad:
0x0: {  	(pc) =	sbr.rel $0x88, $3  }
0x1: {  	(tag) =	ssettag $0x0;
	lr =	simm.s32 $0x1  }
0x2: {  	[smem:$0x3F97] =	sst lr;
	_ =	strace $0xD0000000  }
0x3: {  	_ = 	snop  }
0x4: {  	_ = 	snop  }
0x5: {  	_ = 	snop  }
0x6: {  	_ = 	snop  }
0x7: {  	_ = 	snop  }
__scs_overlays_trampoline_lowered:
0x8: {  	[smem:$0x3FA6] =	sst s0  }
0x9: {  	[smem:$0x3FA7] =	sst s1  }
0xa: {  	[smem:$0x3FA8] =	sst s2  }
0xb: {  	[smem:$0x3FA9] =	sst s3  }
0xc: {  	[smem:$0x3FAA] =	sst s4  }
0xd: {  	[smem:$0x3FAB] =	sst s5  }
0xe: {  	[smem:$0x3FAC] =	sst s6  }
0xf: {  	[smem:$0x3FAD] =	sst s7  }
0x10: {  	[smem:$0x3FAE] =	sst s8  }
0x11: {  	[smem:$0x3FAF] =	sst s9;
	s0 =	simm.s32 @!p0 $0x0  }
0x12: {  	s1 =	sld [smem:$0x3F95];
	s0 =	simm.s32 @p0 $0x1  }
0x13: {  	[smem:$0x3FB0] =	sst s0;
	s0 =	simm.s32 @!p1 $0x0  }
0x14: {  	s2 =	sld [smem:$0x3F94];
	s0 =	simm.s32 @p1 $0x1  }
0x15: {  	[smem:$0x3FB1] =	sst s0;
	s0 =	simm.s32 @!p2 $0x0  }
0x16: {  	s3 =	sld [smem:$0x3FDB];
	s0 =	simm.s32 @p2 $0x1  }
0x17: {  	s4 =	simm.s32 $0x1BF5;
	[smem:$0x3FB3] =	sst s0  }
0x18: {  	s0 =	sld [smem:$0x3F96];
	_ =	swait.ge [sflag:s4], $0x0  }
0x19: {  	s7 =	sld [smem:$0x3F97]  }
0x1a: {  	s8 =	sadd.s32 $0xFFFFE003, lr  }
0x1b: {  	s9 =	sadd.s32 $0xFFFFFEF7, lr;
	s5 =	simm.s32 $0xFFFFFFFF;
	p2 =	slt.u32 s8, $0xFFFFF086  }
0x1c: {  	p1 =	slt.u32 s9, $0xF7A;
	s5 =	simm.s32 @!p2 $0x0  }
0x1d: {  	s5 =	simm.s32 @p1 $0x1;
	p0 =	seq.s32 s7, s2  }
0x1e: {  	s7 =	smul.u32 @!p0 $0xF7A, s2;
	p2 =	seq.s32 @!p0 s5, $0x0  }
0x1f: {  	s9 =	smul.u32 $0xF7A, s1;
	s8 =	simm.s32 @!p0 $0x1BF5;
	p2 =	por !p2, p0  }
0x20: {  	[sflag:s8] =	ssyncset.s32 @!p0 $0xFFFFF086;
	s6 =	sadd.s32 @!p0 s3, s7;
	s7 =	simm.s32 @!p0 $0x108  }
0x21: {  	s3 =	sadd.s32 s3, s9;
	s6 =	sadd.s32 @!p0 $0x88, s6;
	s7 =	simm.s32 @p2 $0x1082  }
0x22: {  	[simem:s7], [sflag:s8] =	dma.local @!p0 [hbm:s6], $0xF7A  }
0x23: {  	s9 =	sor.u32 $0xD0000000, s2;
	s6 =	simm.s32 $0x108;
	_ =	swait.ge @!p0 [sflag:s8], $0x0  }
0x24: {  	s3 =	sadd.s32 $0x88, s3;
	s6 =	simm.s32 @!p1 $0x1082;
	[sflag:s4] =	ssyncset.s32 $0xFFFFF086  }
0x25: {  	[simem:s6], [sflag:s4] =	dma.local [hbm:s3], $0xF7A  }
0x26: {  	[smem:$0x3F97] =	sst s1;
	(tag) =	ssettag s2;
	_ =	strace s9  }
0x27: {  	s1 =	sld [smem:$0x3FA7]  }
0x28: {  	s2 =	sld [smem:$0x3FA8]  }
0x29: {  	s4 =	sld [smem:$0x3FAA]  }
0x2a: {  	p0 =	seq.s32 s5, $0x0;
	s5 =	sld [smem:$0x3FAB]  }
0x2b: {  	s6 =	sld [smem:$0x3FAC]  }
0x2c: {  	s7 =	sld [smem:$0x3FAD]  }
0x2d: {  	s3 =	simm.s32 $0x108;
	s8 =	sld [smem:$0x3FAE]  }
0x2e: {  	s3 =	simm.s32 @!p0 $0x1082;
	s9 =	sld [smem:$0x3FAF]  }
0x2f: {  	lr =	sadd.s32 s0, s3;
	s0 =	sld [smem:$0x3FA6]  }
0x30: {  	s3 =	sld [smem:$0x3FA9]  }
0x31: {  	[smem:$0x3FB2] =	sst s10  }
0x32: {  	s10 =	sld [smem:$0x3FB0];
	_ =	sdelay $0x3  }
0x33: {  	p0 =	seq.s32 s10, $0x1;
	s10 =	sld [smem:$0x3FB2];
	_ =	sdelay $0x3  }
0x34: {  	[smem:$0x3FB2] =	sst s10  }
0x35: {  	s10 =	sld [smem:$0x3FB1];
	_ =	sdelay $0x3  }
0x36: {  	p1 =	seq.s32 s10, $0x1;
	s10 =	sld [smem:$0x3FB2];
	_ =	sdelay $0x3  }
0x37: {  	[smem:$0x3FB2] =	sst s10  }
0x38: {  	s10 =	sld [smem:$0x3FB3]  }
0x39: {  	_ = 	snop;
	(pc) =	sbr.ind lr, $3  }
0x3a: {  	_ = 	snop  }
0x3b: {  	_ = 	snop  }
0x3c: {  	p2 =	seq.s32 s10, $0x1;
	s10 =	sld [smem:$0x3FB2]  }
0x3d: {  	_ =	shalt  }
0x3e: {  	_ =	shalt  }
0x3f: {  	_ =	shalt  }
0x40: {  	_ =	shalt  }
0x41: {  	_ =	shalt  }
0x42: {  	_ =	shalt  }
0x43: {  	_ =	shalt  }
0x44: {  	_ =	shalt  }
0x45: {  	_ =	shalt  }
0x46: {  	_ =	shalt  }
0x47: {  	_ =	shalt  }
0x48: {  	_ =	shalt  }
0x49: {  	_ =	shalt  }
0x4a: {  	_ =	shalt  }
0x4b: {  	_ =	shalt  }
0x4c: {  	_ =	shalt  }
0x4d: {  	_ =	shalt  }
0x4e: {  	_ =	shalt  }
0x4f: {  	_ =	shalt  }
0x50: {  	_ =	shalt  }
0x51: {  	_ =	shalt  }
0x52: {  	_ =	shalt  }
0x53: {  	_ =	shalt  }
0x54: {  	_ =	shalt  }
0x55: {  	_ =	shalt  }
0x56: {  	_ =	shalt  }
0x57: {  	_ =	shalt  }
0x58: {  	_ =	shalt  }
0x59: {  	_ =	shalt  }
0x5a: {  	_ =	shalt  }
0x5b: {  	_ =	shalt  }
0x5c: {  	_ =	shalt  }
0x5d: {  	_ =	shalt  }
0x5e: {  	_ =	shalt  }
0x5f: {  	_ =	shalt  }
0x60: {  	_ =	shalt  }
0x61: {  	_ =	shalt  }
0x62: {  	_ =	shalt  }
0x63: {  	_ =	shalt  }
0x64: {  	_ =	shalt  }
0x65: {  	_ =	shalt  }
0x66: {  	_ =	shalt  }
0x67: {  	_ =	shalt  }
0x68: {  	_ =	shalt  }
0x69: {  	_ =	shalt  }
0x6a: {  	_ =	shalt  }
0x6b: {  	_ =	shalt  }
0x6c: {  	_ =	shalt  }
0x6d: {  	_ =	shalt  }
0x6e: {  	_ =	shalt  }
0x6f: {  	_ =	shalt  }
0x70: {  	_ =	shalt  }
0x71: {  	_ =	shalt  }
0x72: {  	_ =	shalt  }
0x73: {  	_ =	shalt  }
0x74: {  	_ =	shalt  }
0x75: {  	_ =	shalt  }
0x76: {  	_ =	shalt  }
0x77: {  	_ =	shalt  }
0x78: {  	_ =	shalt  }
0x79: {  	_ =	shalt  }
0x7a: {  	_ =	shalt  }
0x7b: {  	_ =	shalt  }
0x7c: {  	_ =	shalt  }
0x7d: {  	_ =	shalt  }
0x7e: {  	_ =	shalt  }
0x7f: {  	_ =	shalt  }
0x80: {  	_ =	shalt  }
0x81: {  	_ =	shalt  }
0x82: {  	_ =	shalt  }
0x83: {  	_ =	shalt  }
0x84: {  	_ =	shalt  }
0x85: {  	_ =	shalt  }
0x86: {  	_ =	shalt  }
0x87: {  	_ =	shalt  }
.Lfunc_end0:
.L_simem_size_0:
called_computation_lowered:
.L_overlay_start_0:
0x88: {  	s2 =	sld [smem:$0x3FD9]  }
0x89: {  	s3 =	sld [smem:$0x3FFE];
	_ =	sdelay $0x1  }
0x8a: {  	s1 =	srdreg.scid  }
0x8b: {  	s0 =	sand.u32 $0x1, s1  }
0x8c: {  	s14 =	sshll.u32 s0, $0xA;
	s2 =	sadd.s32 s3, s2  }
0x8d: {  	s2 =	sadd.s32 s2, s14  }
0x8e: {  	[smem:$0x3FBE] =	sst s2  }
0x8f: {  	_ = 	snop  }
0x90: {  	s2 =	sld [smem:$0x3FD0];
	_ =	sdelay $0x2  }
0x91: {  	s15 =	simm.s32 $0xB;
	s4 =	simm.s32 $0x10  }
0x92: {  	[smem:s4], [sflag:s15] =	dma.local [hbm:s2], $0x1  }
0x93: {  	_ =	swait.eq [sflag:s15], $0x1  }
0x94: {  	[sflag:s15] =	ssyncset.done $0x0  }
0x95: {  	s16 =	sld [smem:$0x10];
	[sflag:s15] =	ssyncadd.s32 $0xFFFFFFFF  }
0x96: {  	s17 =	sld [smem:$0x11];
	(tm) =	ssettm $0x1  }
0x97: {  	s18 =	sld [smem:$0x3FFB];
	_ =	sdelay $0x3  }
0x98: {  	_ =	strace s18  }
0x99: {  	s4 =	sld [smem:$0x3FFC];
	_ =	sdelay $0x3  }
0x9a: {  	_ =	strace s4  }
0x9b: {  	s4 =	sld [smem:$0x3FFD];
	_ =	sdelay $0x3  }
0x9c: {  	_ =	strace s4  }
0x9d: {  	_ =	strace $0x8FFFFFFF  }
0x9e: {  	s19 =	sld [smem:$0x3FDB];
	_ =	sdelay $0x1  }
0x9f: {  	s5 =	simm.s32 $_scs_section_size  }
0xa0: {  	s6 =	simm.s32 $_size__tile_overlayer_lowered;
	s7 =	simm.s32 $_tile_overlayer_lowered  }
0xa1: {  	s22 =	simm.s32 $0x1BFF;
	s21 =	sshll.u32 s7, $0x1;
	s4 =	sadd.s32 s5, s19  }
0xa2: {  	s8 =	simm.s32 $0x0;
	s20 =	sshll.u32 s6, $0x1;
	s6 =	sadd.s32 s21, s4  }
0xa3: {  	[timem:s8], [sflag:s22] =	dma.local [hbm:s6], s20  }
0xa4: {  	_ =	swait.ge [sflag:s22], s20  }
0xa5: {  	s5 =	ssub.s32 $0x0, s20;
	[sflag:s22] =	ssyncset.done $0x0  }
0xa6: {  	[sflag:s22] =	ssyncadd.s32 s5;
	_ =	sdelay $0x1  }
0xa7: {  	s23 =	simm.s32 $0x1B8B  }
0xa8: {  	_ =	swait.ge [sflag:s23], $0x1  }
0xa9: {  	[sflag:s23] =	ssyncset.done $0x0  }
0xaa: {  	s25 =	simm.s32 $0x1B8E;
	s24 =	sld [smem:$0x3FFE];
	[sflag:s23] =	ssyncadd.s32 $0xFFFFFFFF  }
0xab: {  	s26 =	simm.s32 $execute0_lowered;
	[smem:$0x3FD2] =	sst s25  }
0xac: {  	s6 =	sshll.u32 s26, $0x1;
	_ =	strace $0x80000046;
	[dreg:$0x1] =	wrdreg $0xFFFFFFFF  }
0xad: {  	s28 =	simm.s32 $_size_execute0_lowered;
	s4 =	sadd.s32 s4, s6;
	[dreg:$0x0] =	wrdreg $0x0  }
0xae: {  	s6 =	sshll.u32 s28, $0x1;
	[dreg:$0x2] =	wrdreg s4  }
0xaf: {  	[dreg:$0x3] =	wrdreg s6  }
0xb0: {  	[dreg:$0x4] =	wrdreg $0xC0  }
0xb1: {  	_ =	task [dreg:s8], $0x5FFFF  }
0xb2: {  	[dreg:$0x1] =	wrdreg $0xFFFFFFFF  }
0xb3: {  	[dreg:$0x0] =	wrdreg $0x60  }
0xb4: {  	[dreg:$0x2] =	wrdreg s24  }
0xb5: {  	[dreg:$0x3] =	wrdreg s17  }
0xb6: {  	[dreg:$0x4] =	wrdreg s16  }
0xb7: {  	[dreg:$0x5] =	wrdreg $0x9  }
0xb8: {  	_ =	task.clear_ibuf [dreg:s8], $0x6FFFF;
	_ =	strace $0x90000046  }
0xb9: {  	s29 =	simm.s32 $0x9;
	_ =	strace $0x80000048  }
0xba: {  	_ =	swait.ge [sflag:s29], $0x1  }
0xbb: {  	[sflag:s29] =	ssyncadd.s32 $0xFFFFFFFF  }
0xbc: {  	_ =	strace $0x90000048  }
0xbd: {  	_ =	sfence  }
0xbe: {  	s30 =	sld [smem:$0x0];
	_ =	sdelay $0x2  }
0xbf: {  	s31 =	sshll.u32 s1, $0xD;
	s1 =	sshrl.u32 s1, $0x2  }
0xc0: {  	s3 =	sand.u32 $0x4000, s31;
	s1 =	sadd.s32 s1, s30  }
0xc1: {  	s0 =	sor.u32 s3, s0;
	s1 =	sshll.u32 s1, $0x11  }
0xc2: {  	s0 =	sor.u32 s1, s0  }
0xc3: {  	s0 =	sadd.s32 $0x8F2B, s0  }
0xc4: {  	[sflag:s0] =	ssyncadd.remote.s32 $0x1  }
0xc5: {  	_ =	sfence.sel $0xFFFF  }
0xc6: {  	[dreg:$0x0] =	wrdreg $0xFFFFFFFF;
	(pc) =	sbr.abs _section_cstart, $3  }
0xc7: {  	[dreg:$0x1] =	wrdreg $0xFFFFFFFF  }
0xc8: {  	_ =	task.clear_ibuf [dreg:s8], $0x2FFFF;
	_ =	strace $0x9FFFFFFF  }
0xc9: {  	(tm) =	ssettm $0x7FFFFFFF  }
tec
execute0_lowered:
.L_overlay_start_1:
0x0: {  	(tag) =	ssettag $0x1  }
0x1: {  	s0 =	rddreg [dreg:$0x0]  }
0x2: {  	s1 =	rddreg [dreg:$0x1]  }
0x3: {  	s2 =	srdreg.scid;
	s3 =	rddreg [dreg:$0x2]  }
0x4: {  	s4 =	stileid.u32;
	s21 =	rddreg [dreg:$0x3];
	s18 =	simm.s32 $0x0  }
0x5: {  	s29 =	simm.s32 $0x6;
	s25 =	simm.s32 $0x400;
	s22 =	simm.s32 $0x480  }
0x6: {  	s23 =	simm.s32 $0x100;
	s24 =	simm.s32 $0x500;
	[smem:$0x7FF] =	sst s18  }
0x7: {  	s26 =	simm.s32 $0x180;
	_ =	strace $0x80000047;
	[dreg:$0xe] =	wrdreg s22  }
0x8: {  	s28 =	simm.s32 $0x6800;
	s30 =	simm.s32 $0x580;
	[dreg:$0xf] =	wrdreg s23  }
0x9: {  	s31 =	simm.s32 $0x12800;
	s8 =	simm.s32 $0x1;
	[dreg:$0x10] =	wrdreg s24  }
0xa: {  	s6 =	simm.s32 $0x2;
	s7 =	simm.s32 $0x3;
	[dreg:$0x11] =	wrdreg s26  }
0xb: {  	s2 =	sand.u32 $0x1, s2;
	s4 =	sshll.u32 s4, $0x1;
	[dreg:$0x12] =	wrdreg s28  }
0xc: {  	p0 =	por $0x0, $0x0;
	s4 =	sor.u32 s2, s4;
	[dreg:$0x13] =	wrdreg s30  }
0xd: {  	s2 =	ssub.s32 $0x2, s2;
	[dreg:$0x14] =	wrdreg s31;
	s5 =	sshll.u32 s4, $0x7  }
0xe: {  	s4 =	sshll.u32 s4, $0xE;
	s16 =	sshrl.u32 s2, $0x1;
	s1 =	sadd.s32 s1, s5  }
0xf: {  	s4 =	sadd.s32 s4, s0;
	s9 =	sadd.s32 s3, s5;
	s2 =	ssub.s32 s2, s16  }
0x10: {  	s3 =	simm.s32 $0x800;
	s16 =	simm.s32 $0x4800;
	[dreg:$0x4] =	wrdreg s1  }
0x11: {  	s5 =	simm.s32 $0x5;
	[dreg:$0x5] =	wrdreg s9;
	s10 =	sadd.s32 $0x81E00, s4  }
0x12: {  	s11 =	sadd.s32 $0x81E08, s4;
	s12 =	sadd.s32 $0x82E00, s4;
	[dreg:$0x6] =	wrdreg s10  }
0x13: {  	s13 =	sadd.s32 $0x82E08, s4;
	s14 =	sadd.s32 $0x83E00, s4;
	[dreg:$0x7] =	wrdreg s11  }
0x14: {  	s15 =	sadd.s32 $0x83E08, s4;
	s17 =	sadd.s32 $0x84E00, s4;
	[dreg:$0x8] =	wrdreg s12  }
0x15: {  	s19 =	sadd.s32 $0x84E08, s4;
	s20 =	smax.u32 s2, $0x1;
	[dreg:$0x9] =	wrdreg s13  }
0x16: {  	s2 =	simm.s32 $0x80;
	[dreg:$0xa] =	wrdreg s14;
	p1 =	sne.s32 s20, $0x1  }
.Ltmp0:
0x17: {  	s4 =	simm.s32 $0xC800;
	[dreg:$0xb] =	wrdreg s15;
	(pc) =	sbr.rel @!p1 .LBB2_1-.Ltmp0, $4  }
0x18: {  	s9 =	simm.s32 $0x4;
	[dreg:$0xc] =	wrdreg s17;
	s10 =	sadd.s32 $0x1E00, s0  }
0x19: {  	[dreg:$0xd] =	wrdreg s19;
	s14 =	simm.s32 $0x2800;
	s15 =	simm.s32 $0xE800  }
0x1a: {  	s17 =	simm.s32 $0x10800;
	s12 =	simm.s32 $0x8800;
	s13 =	simm.s32 $0x14800  }
0x1b: {  	s11 =	simm.s32 $0x40;
	s22 =	sadd.s32 $0xFFFFFFFF, s20;
	s0 =	rddreg [dreg:$0x4]  }
0x1c: {  	[tilespmem:s18], [sflag:$0x6] =	stream.linear.gather [hbm4b:s0+s18], $0x400, $0x38;
	[tilespmem:$0x18800] =	vst v63  }
0x1d: {  	_ =	swait.ge [sflag:s29], $0x400  }
0x1e: {  	[sflag:s29] =	ssyncset.done $0x0  }
0x1f: {  	s20 =	rddreg [dreg:$0x5];
	[sflag:s29] =	ssyncadd.s32 $0xFFFFFC00  }
0x20: {  	[tilespmem:s25], [sflag:$0x6] =	stream.linear.gather [hbm4b:s20+s18], $0x400, $0x38;
	[tilespmem:$0x18800] =	vst v63  }
0x21: {  	_ =	swait.ge [sflag:s29], $0x400  }
0x22: {  	s21 =	rddreg [dreg:$0x14]  }
0x23: {  	s23 =	rddreg [dreg:$0x12]  }
0x24: {  	[sflag:s29] =	ssyncset.done $0x0;
	s24 =	rddreg [dreg:$0xe]  }
0x25: {  	s1 =	rddreg [dreg:$0xf];
	[sflag:s29] =	ssyncadd.s32 $0xFFFFFC00  }
0x26: {  	[tilespmem:s3], [sflag:$0x1] =	stream.indirect.gather [hbm4b:s10+s2], $0x40, s18, s2, $0xb8;
	[tilespmem:$0x18800] =	vst v63  }
0x27: {  	s26 =	rddreg [dreg:$0x10]  }
0x28: {  	[tilespmem:s4], [sflag:$0x2] =	stream.indirect.gather [hbm4b:s10+s2], $0x40, s25, s2, $0xb8;
	[tilespmem:$0x18800] =	vst v63  }
0x29: {  	s0 =	rddreg [dreg:$0x13]  }
0x2a: {  	[tilespmem:s14], [sflag:$0x1] =	stream.indirect.gather [hbm4b:s10+s2], $0x40, s2, s2, $0xb8;
	[tilespmem:$0x18800] =	vst v63  }
0x2b: {  	[dreg:$0x15] =	wrdreg s21  }
0x2c: {  	[tilespmem:s15], [sflag:$0x2] =	stream.indirect.gather [hbm4b:s10+s2], $0x40, s24, s2, $0xb8;
	[tilespmem:$0x18800] =	vst v63  }
0x2d: {  	[dreg:$0x16] =	wrdreg s23  }
0x2e: {  	[tilespmem:s16], [sflag:$0x1] =	stream.indirect.gather [hbm4b:s10+s2], $0x40, s1, s2, $0xb8;
	[tilespmem:$0x18800] =	vst v63  }
0x2f: {  	s19 =	rddreg [dreg:$0x16]  }
0x30: {  	[tilespmem:s17], [sflag:$0x2] =	stream.indirect.gather [hbm4b:s10+s2], $0x40, s26, s2, $0xb8;
	[tilespmem:$0x18800] =	vst v63  }
0x31: {  	s1 =	rddreg [dreg:$0x11]  }
0x32: {  	[tilespmem:s19], [sflag:$0x1] =	stream.indirect.gather [hbm4b:s10+s2], $0x40, s1, s2, $0xb8;
	[tilespmem:$0x18800] =	vst v63  }
0x33: {  	s19 =	rddreg [dreg:$0x15]  }
0x34: {  	[tilespmem:s19], [sflag:$0x2] =	stream.indirect.gather [hbm4b:s10+s2], $0x40, s0, s2, $0xb8;
	[tilespmem:$0x18800] =	vst v63  }
0x35: {  	_ =	swait.ge [sflag:s8], $0x2000  }
0x36: {  	[sflag:s8] =	ssyncset.done $0x0  }
0x37: {  	[sflag:s8] =	ssyncadd.s32 $0xFFFFE000  }
0x38: {  	_ =	swait.ge [sflag:s6], $0x2000  }
0x39: {  	[sflag:s6] =	ssyncset.done $0x0  }
0x3a: {  	[sflag:s6] =	ssyncadd.s32 $0xFFFFE000  }
0x3b: {  	_ =	swait.ge [sflag:s8], $0x2000  }
0x3c: {  	[sflag:s8] =	ssyncset.done $0x0  }
0x3d: {  	[sflag:s8] =	ssyncadd.s32 $0xFFFFE000  }
0x3e: {  	_ =	swait.ge [sflag:s6], $0x2000  }
0x3f: {  	[sflag:s6] =	ssyncset.done $0x0  }
0x40: {  	s28 =	simm.s32 $0x200;
	[sflag:s6] =	ssyncadd.s32 $0xFFFFE000  }
0x41: {  	[tilespmem:s12], [sflag:$0x1] =	stream.indirect.gather [hbm4b:s10+s2], $0x40, s28, s2, $0xb8;
	[tilespmem:$0x18800] =	vst v63  }
0x42: {  	s30 =	simm.s32 $0x600  }
0x43: {  	[tilespmem:s13], [sflag:$0x2] =	stream.indirect.gather [hbm4b:s10+s2], $0x40, s30, s2, $0xb8;
	[tilespmem:$0x18800] =	vst v63  }
0x44: {  	s31 =	simm.s32 $0x280;
	s20 =	simm.s32 $0xA800  }
0x45: {  	[tilespmem:s20], [sflag:$0x1] =	stream.indirect.gather [hbm4b:s10+s2], $0x40, s31, s2, $0xb8;
	[tilespmem:$0x18800] =	vst v63  }
0x46: {  	s21 =	simm.s32 $0x680;
	s20 =	simm.s32 $0x16800  }
0x47: {  	[tilespmem:s20], [sflag:$0x2] =	stream.indirect.gather [hbm4b:s10+s2], $0x40, s21, s2, $0xb8;
	[tilespmem:$0x18800] =	vst v63  }
0x48: {  	s19 =	rddreg [dreg:$0x6]  }
0x49: {  	[hbm4b:s19+s11] =	stream.strided.scatter [tilespmem:s3], [sflag:$0x3], $0x4000, s2, s11, $0x38;
	[tilespmem:$0x18800] =	vst v63  }
0x4a: {  	s21 =	rddreg [dreg:$0x7]  }
0x4b: {  	[hbm4b:s21+s11] =	stream.strided.scatter [tilespmem:s4], [sflag:$0x3], $0x4000, s2, s11, $0x38;
	[tilespmem:$0x18800] =	vst v63  }
0x4c: {  	_ =	swait.ge [sflag:s8], $0x2000  }
0x4d: {  	[sflag:s8] =	ssyncset.done $0x0  }
0x4e: {  	[sflag:s8] =	ssyncadd.s32 $0xFFFFE000  }
0x4f: {  	_ =	swait.ge [sflag:s6], $0x2000  }
0x50: {  	[sflag:s6] =	ssyncset.done $0x0  }
0x51: {  	[sflag:s6] =	ssyncadd.s32 $0xFFFFE000  }
0x52: {  	_ =	swait.ge [sflag:s8], $0x2000  }
0x53: {  	[sflag:s8] =	ssyncset.done $0x0  }
0x54: {  	[sflag:s8] =	ssyncadd.s32 $0xFFFFE000  }
0x55: {  	_ =	swait.ge [sflag:s6], $0x2000  }
0x56: {  	[sflag:s6] =	ssyncset.done $0x0  }
0x57: {  	[sflag:s6] =	ssyncadd.s32 $0xFFFFE000  }
0x58: {  	_ =	swait.ge [sflag:s7], $0x4000  }
0x59: {  	[sflag:s7] =	ssyncset.done $0x0  }
0x5a: {  	[sflag:s7] =	ssyncadd.s32 $0xFFFFC000  }
0x5b: {  	_ =	swait.ge [sflag:s7], $0x4000  }
0x5c: {  	[sflag:s7] =	ssyncset.done $0x0  }
0x5d: {  	s23 =	simm.s32 $0x300;
	[sflag:s7] =	ssyncadd.s32 $0xFFFFC000  }
0x5e: {  	[tilespmem:s3], [sflag:$0x1] =	stream.indirect.gather [hbm4b:s10+s2], $0x40, s23, s2, $0xb8;
	[tilespmem:$0x18800] =	vst v63  }
0x5f: {  	s24 =	simm.s32 $0x700  }
0x60: {  	[tilespmem:s4], [sflag:$0x2] =	stream.indirect.gather [hbm4b:s10+s2], $0x40, s24, s2, $0xb8;
	[tilespmem:$0x18800] =	vst v63  }
0x61: {  	s26 =	simm.s32 $0x380  }
0x62: {  	[tilespmem:s14], [sflag:$0x1] =	stream.indirect.gather [hbm4b:s10+s2], $0x40, s26, s2, $0xb8;
	[tilespmem:$0x18800] =	vst v63  }
0x63: {  	s19 =	simm.s32 $0x780  }
0x64: {  	[tilespmem:s15], [sflag:$0x2] =	stream.indirect.gather [hbm4b:s10+s2], $0x40, s19, s2, $0xb8;
	[tilespmem:$0x18800] =	vst v63  }
0x65: {  	s26 =	rddreg [dreg:$0x8]  }
0x66: {  	[hbm4b:s26+s11] =	stream.strided.scatter [tilespmem:s16], [sflag:$0x4], $0x4000, s2, s11, $0x38;
	[tilespmem:$0x18800] =	vst v63  }
0x67: {  	s20 =	rddreg [dreg:$0x9]  }
0x68: {  	[hbm4b:s20+s11] =	stream.strided.scatter [tilespmem:s17], [sflag:$0x4], $0x4000, s2, s11, $0x38;
	[tilespmem:$0x18800] =	vst v63  }
0x69: {  	_ =	swait.ge [sflag:s8], $0x2000  }
0x6a: {  	[sflag:s8] =	ssyncset.done $0x0  }
0x6b: {  	[sflag:s8] =	ssyncadd.s32 $0xFFFFE000  }
0x6c: {  	_ =	swait.ge [sflag:s6], $0x2000  }
0x6d: {  	[sflag:s6] =	ssyncset.done $0x0  }
0x6e: {  	[sflag:s6] =	ssyncadd.s32 $0xFFFFE000  }
0x6f: {  	_ =	swait.ge [sflag:s8], $0x2000  }
0x70: {  	[sflag:s8] =	ssyncset.done $0x0  }
0x71: {  	[sflag:s8] =	ssyncadd.s32 $0xFFFFE000  }
0x72: {  	_ =	swait.ge [sflag:s6], $0x2000  }
0x73: {  	[sflag:s6] =	ssyncset.done $0x0  }
0x74: {  	s21 =	rddreg [dreg:$0xa];
	[sflag:s6] =	ssyncadd.s32 $0xFFFFE000  }
0x75: {  	[hbm4b:s21+s11] =	stream.strided.scatter [tilespmem:s12], [sflag:$0x5], $0x4000, s2, s11, $0x38;
	[tilespmem:$0x18800] =	vst v63  }
0x76: {  	s23 =	rddreg [dreg:$0xb]  }
0x77: {  	[hbm4b:s23+s11] =	stream.strided.scatter [tilespmem:s13], [sflag:$0x5], $0x4000, s2, s11, $0x38;
	[tilespmem:$0x18800] =	vst v63  }
0x78: {  	_ =	swait.ge [sflag:s8], $0x2000  }
0x79: {  	[sflag:s8] =	ssyncset.done $0x0  }
0x7a: {  	[sflag:s8] =	ssyncadd.s32 $0xFFFFE000  }
0x7b: {  	_ =	swait.ge [sflag:s6], $0x2000  }
0x7c: {  	[sflag:s6] =	ssyncset.done $0x0  }
0x7d: {  	[sflag:s6] =	ssyncadd.s32 $0xFFFFE000  }
0x7e: {  	_ =	swait.ge [sflag:s8], $0x2000  }
0x7f: {  	[sflag:s8] =	ssyncset.done $0x0  }
0x80: {  	[sflag:s8] =	ssyncadd.s32 $0xFFFFE000  }
0x81: {  	_ =	swait.ge [sflag:s6], $0x2000  }
0x82: {  	[sflag:s6] =	ssyncset.done $0x0  }
0x83: {  	s24 =	rddreg [dreg:$0xc];
	[sflag:s6] =	ssyncadd.s32 $0xFFFFE000  }
0x84: {  	[hbm4b:s24+s11] =	stream.strided.scatter [tilespmem:s3], [sflag:$0x3], $0x4000, s2, s11, $0x38;
	[tilespmem:$0x18800] =	vst v63  }
0x85: {  	s26 =	rddreg [dreg:$0xd]  }
0x86: {  	[hbm4b:s26+s11] =	stream.strided.scatter [tilespmem:s4], [sflag:$0x3], $0x4000, s2, s11, $0x38;
	[tilespmem:$0x18800] =	vst v63  }
0x87: {  	_ =	swait.ge [sflag:s7], $0x4000  }
0x88: {  	[sflag:s7] =	ssyncset.done $0x0  }
0x89: {  	[sflag:s7] =	ssyncadd.s32 $0xFFFFC000  }
0x8a: {  	_ =	swait.ge [sflag:s7], $0x4000  }
0x8b: {  	[sflag:s7] =	ssyncset.done $0x0  }
0x8c: {  	[sflag:s7] =	ssyncadd.s32 $0xFFFFC000  }
0x8d: {  	_ =	swait.ge [sflag:s9], $0x4000  }
0x8e: {  	[sflag:s9] =	ssyncset.done $0x0  }
0x8f: {  	[sflag:s9] =	ssyncadd.s32 $0xFFFFC000  }
0x90: {  	_ =	swait.ge [sflag:s9], $0x4000  }
0x91: {  	[sflag:s9] =	ssyncset.done $0x0  }
0x92: {  	p1 =	sne.s32 s22, $0x1;
	p0 =	por $0x1, $0x1;
	[sflag:s9] =	ssyncadd.s32 $0xFFFFC000  }
.Ltmp1:
0x93: {  	s1 =	sadd.s32 $0xFFFFFFFF, s22;
	_ =	swait.ge [sflag:s5], $0x4000;
	(pc) =	sbr.rel @!p1 .LBB2_3-.Ltmp1, $4  }
0x94: {  	s22 =	simm.s32 $0x680;
	s28 =	simm.s32 $0x200;
	[sflag:s5] =	ssyncset.done $0x0  }
0x95: {  	s30 =	simm.s32 $0x600;
	s31 =	simm.s32 $0x280;
	[sflag:s5] =	ssyncadd.s32 $0xFFFFC000  }
0x96: {  	s23 =	simm.s32 $0xA800;
	s24 =	simm.s32 $0x700;
	_ =	swait.ge [sflag:s5], $0x4000  }
0x97: {  	s26 =	simm.s32 $0x380;
	s0 =	rddreg [dreg:$0x4];
	[sflag:s5] =	ssyncset.done $0x0  }
.LBB2_4:
0x98: {  	[sflag:s5] =	ssyncadd.s32 $0xFFFFC000  }
0x99: {  	[tilespmem:s18], [sflag:$0x6] =	stream.linear.gather [hbm4b:s0+s18], $0x400, $0x38;
	[tilespmem:$0x18800] =	vst v63  }
0x9a: {  	_ =	swait.ge [sflag:s29], $0x400  }
0x9b: {  	[sflag:s29] =	ssyncset.done $0x0  }
0x9c: {  	s19 =	rddreg [dreg:$0x5];
	[sflag:s29] =	ssyncadd.s32 $0xFFFFFC00  }
0x9d: {  	[tilespmem:s25], [sflag:$0x6] =	stream.linear.gather [hbm4b:s19+s18], $0x400, $0x38;
	[tilespmem:$0x18800] =	vst v63  }
0x9e: {  	_ =	swait.ge [sflag:s29], $0x400  }
0x9f: {  	[sflag:s29] =	ssyncset.done $0x0  }
0xa0: {  	[sflag:s29] =	ssyncadd.s32 $0xFFFFFC00  }
0xa1: {  	[tilespmem:s3], [sflag:$0x1] =	stream.indirect.gather [hbm4b:s10+s2], $0x40, s18, s2, $0xb8;
	[tilespmem:$0x18800] =	vst v63  }
0xa2: {  	s0 =	rddreg [dreg:$0x14]  }
0xa3: {  	[tilespmem:s4], [sflag:$0x2] =	stream.indirect.gather [hbm4b:s10+s2], $0x40, s25, s2, $0xb8;
	[tilespmem:$0x18800] =	vst v63  }
0xa4: {  	s19 =	rddreg [dreg:$0x12]  }
0xa5: {  	[tilespmem:s14], [sflag:$0x1] =	stream.indirect.gather [hbm4b:s10+s2], $0x40, s2, s2, $0xb8;
	[tilespmem:$0x18800] =	vst v63  }
0xa6: {  	s20 =	rddreg [dreg:$0xe]  }
0xa7: {  	[tilespmem:s15], [sflag:$0x2] =	stream.indirect.gather [hbm4b:s10+s2], $0x40, s20, s2, $0xb8;
	[tilespmem:$0x18800] =	vst v63  }
0xa8: {  	s21 =	rddreg [dreg:$0xf]  }
0xa9: {  	[tilespmem:s16], [sflag:$0x1] =	stream.indirect.gather [hbm4b:s10+s2], $0x40, s21, s2, $0xb8;
	[tilespmem:$0x18800] =	vst v63  }
0xaa: {  	s20 =	rddreg [dreg:$0x10]  }
0xab: {  	[tilespmem:s17], [sflag:$0x2] =	stream.indirect.gather [hbm4b:s10+s2], $0x40, s20, s2, $0xb8;
	[tilespmem:$0x18800] =	vst v63  }
0xac: {  	s21 =	rddreg [dreg:$0x11]  }
0xad: {  	[tilespmem:s19], [sflag:$0x1] =	stream.indirect.gather [hbm4b:s10+s2], $0x40, s21, s2, $0xb8;
	[tilespmem:$0x18800] =	vst v63  }
0xae: {  	s20 =	rddreg [dreg:$0x13]  }
0xaf: {  	[tilespmem:s0], [sflag:$0x2] =	stream.indirect.gather [hbm4b:s10+s2], $0x40, s20, s2, $0xb8;
	[tilespmem:$0x18800] =	vst v63  }
0xb0: {  	_ =	swait.ge [sflag:s8], $0x2000  }
0xb1: {  	[sflag:s8] =	ssyncset.done $0x0  }
0xb2: {  	[sflag:s8] =	ssyncadd.s32 $0xFFFFE000  }
0xb3: {  	_ =	swait.ge [sflag:s6], $0x2000  }
0xb4: {  	[sflag:s6] =	ssyncset.done $0x0  }
0xb5: {  	[sflag:s6] =	ssyncadd.s32 $0xFFFFE000  }
0xb6: {  	_ =	swait.ge [sflag:s8], $0x2000  }
0xb7: {  	[sflag:s8] =	ssyncset.done $0x0  }
0xb8: {  	[sflag:s8] =	ssyncadd.s32 $0xFFFFE000  }
0xb9: {  	_ =	swait.ge [sflag:s6], $0x2000  }
0xba: {  	[sflag:s6] =	ssyncset.done $0x0  }
0xbb: {  	[sflag:s6] =	ssyncadd.s32 $0xFFFFE000  }
0xbc: {  	[tilespmem:s12], [sflag:$0x1] =	stream.indirect.gather [hbm4b:s10+s2], $0x40, s28, s2, $0xb8;
	[tilespmem:$0x18800] =	vst v63  }
0xbd: {  	_ = 	snop  }
0xbe: {  	[tilespmem:s13], [sflag:$0x2] =	stream.indirect.gather [hbm4b:s10+s2], $0x40, s30, s2, $0xb8;
	[tilespmem:$0x18800] =	vst v63  }
0xbf: {  	_ = 	snop  }
0xc0: {  	[tilespmem:s23], [sflag:$0x1] =	stream.indirect.gather [hbm4b:s10+s2], $0x40, s31, s2, $0xb8;
	[tilespmem:$0x18800] =	vst v63  }
0xc1: {  	s20 =	simm.s32 $0x16800  }
0xc2: {  	[tilespmem:s20], [sflag:$0x2] =	stream.indirect.gather [hbm4b:s10+s2], $0x40, s22, s2, $0xb8;
	[tilespmem:$0x18800] =	vst v63  }
0xc3: {  	s0 =	rddreg [dreg:$0x6]  }
0xc4: {  	[hbm4b:s0+s11] =	stream.strided.scatter [tilespmem:s3], [sflag:$0x3], $0x4000, s2, s11, $0x38;
	[tilespmem:$0x18800] =	vst v63  }
0xc5: {  	s21 =	rddreg [dreg:$0x7]  }
0xc6: {  	[hbm4b:s21+s11] =	stream.strided.scatter [tilespmem:s4], [sflag:$0x3], $0x4000, s2, s11, $0x38;
	[tilespmem:$0x18800] =	vst v63  }
0xc7: {  	_ =	swait.ge [sflag:s8], $0x2000  }
0xc8: {  	[sflag:s8] =	ssyncset.done $0x0  }
0xc9: {  	[sflag:s8] =	ssyncadd.s32 $0xFFFFE000  }
0xca: {  	_ =	swait.ge [sflag:s6], $0x2000  }
0xcb: {  	[sflag:s6] =	ssyncset.done $0x0  }
0xcc: {  	[sflag:s6] =	ssyncadd.s32 $0xFFFFE000  }
0xcd: {  	_ =	swait.ge [sflag:s8], $0x2000  }
0xce: {  	[sflag:s8] =	ssyncset.done $0x0  }
0xcf: {  	[sflag:s8] =	ssyncadd.s32 $0xFFFFE000  }
0xd0: {  	_ =	swait.ge [sflag:s6], $0x2000  }
0xd1: {  	[sflag:s6] =	ssyncset.done $0x0  }
0xd2: {  	[sflag:s6] =	ssyncadd.s32 $0xFFFFE000  }
0xd3: {  	_ =	swait.ge [sflag:s7], $0x4000  }
0xd4: {  	[sflag:s7] =	ssyncset.done $0x0  }
0xd5: {  	[sflag:s7] =	ssyncadd.s32 $0xFFFFC000  }
0xd6: {  	_ =	swait.ge [sflag:s7], $0x4000  }
0xd7: {  	[sflag:s7] =	ssyncset.done $0x0  }
0xd8: {  	s19 =	simm.s32 $0x300;
	[sflag:s7] =	ssyncadd.s32 $0xFFFFC000  }
0xd9: {  	[tilespmem:s3], [sflag:$0x1] =	stream.indirect.gather [hbm4b:s10+s2], $0x40, s19, s2, $0xb8;
	[tilespmem:$0x18800] =	vst v63  }
0xda: {  	_ = 	snop  }
0xdb: {  	[tilespmem:s4], [sflag:$0x2] =	stream.indirect.gather [hbm4b:s10+s2], $0x40, s24, s2, $0xb8;
	[tilespmem:$0x18800] =	vst v63  }
0xdc: {  	_ = 	snop  }
0xdd: {  	[tilespmem:s14], [sflag:$0x1] =	stream.indirect.gather [hbm4b:s10+s2], $0x40, s26, s2, $0xb8;
	[tilespmem:$0x18800] =	vst v63  }
0xde: {  	s20 =	simm.s32 $0x780  }
0xdf: {  	[tilespmem:s15], [sflag:$0x2] =	stream.indirect.gather [hbm4b:s10+s2], $0x40, s20, s2, $0xb8;
	[tilespmem:$0x18800] =	vst v63  }
0xe0: {  	s0 =	rddreg [dreg:$0x8]  }
0xe1: {  	[hbm4b:s0+s11] =	stream.strided.scatter [tilespmem:s16], [sflag:$0x4], $0x4000, s2, s11, $0x38;
	[tilespmem:$0x18800] =	vst v63  }
0xe2: {  	s21 =	rddreg [dreg:$0x9]  }
0xe3: {  	[hbm4b:s21+s11] =	stream.strided.scatter [tilespmem:s17], [sflag:$0x4], $0x4000, s2, s11, $0x38;
	[tilespmem:$0x18800] =	vst v63  }
0xe4: {  	_ =	swait.ge [sflag:s8], $0x2000  }
0xe5: {  	[sflag:s8] =	ssyncset.done $0x0  }
0xe6: {  	[sflag:s8] =	ssyncadd.s32 $0xFFFFE000  }
0xe7: {  	_ =	swait.ge [sflag:s6], $0x2000  }
0xe8: {  	[sflag:s6] =	ssyncset.done $0x0  }
0xe9: {  	[sflag:s6] =	ssyncadd.s32 $0xFFFFE000  }
0xea: {  	_ =	swait.ge [sflag:s8], $0x2000  }
0xeb: {  	[sflag:s8] =	ssyncset.done $0x0  }
0xec: {  	[sflag:s8] =	ssyncadd.s32 $0xFFFFE000  }
0xed: {  	_ =	swait.ge [sflag:s6], $0x2000  }
0xee: {  	[sflag:s6] =	ssyncset.done $0x0  }
0xef: {  	s20 =	rddreg [dreg:$0xa];
	[sflag:s6] =	ssyncadd.s32 $0xFFFFE000  }
0xf0: {  	[hbm4b:s20+s11] =	stream.strided.scatter [tilespmem:s12], [sflag:$0x5], $0x4000, s2, s11, $0x38;
	[tilespmem:$0x18800] =	vst v63  }
0xf1: {  	s21 =	rddreg [dreg:$0xb]  }
0xf2: {  	[hbm4b:s21+s11] =	stream.strided.scatter [tilespmem:s13], [sflag:$0x5], $0x4000, s2, s11, $0x38;
	[tilespmem:$0x18800] =	vst v63  }
0xf3: {  	_ =	swait.ge [sflag:s8], $0x2000  }
0xf4: {  	[sflag:s8] =	ssyncset.done $0x0  }
0xf5: {  	[sflag:s8] =	ssyncadd.s32 $0xFFFFE000  }
0xf6: {  	_ =	swait.ge [sflag:s6], $0x2000  }
0xf7: {  	[sflag:s6] =	ssyncset.done $0x0  }
0xf8: {  	[sflag:s6] =	ssyncadd.s32 $0xFFFFE000  }
0xf9: {  	_ =	swait.ge [sflag:s8], $0x2000  }
0xfa: {  	[sflag:s8] =	ssyncset.done $0x0  }
0xfb: {  	[sflag:s8] =	ssyncadd.s32 $0xFFFFE000  }
0xfc: {  	_ =	swait.ge [sflag:s6], $0x2000  }
0xfd: {  	[sflag:s6] =	ssyncset.done $0x0  }
0xfe: {  	s20 =	rddreg [dreg:$0xc];
	[sflag:s6] =	ssyncadd.s32 $0xFFFFE000  }
0xff: {  	[hbm4b:s20+s11] =	stream.strided.scatter [tilespmem:s3], [sflag:$0x3], $0x4000, s2, s11, $0x38;
	[tilespmem:$0x18800] =	vst v63  }
0x100: {  	s21 =	rddreg [dreg:$0xd]  }
0x101: {  	[hbm4b:s21+s11] =	stream.strided.scatter [tilespmem:s4], [sflag:$0x3], $0x4000, s2, s11, $0x38;
	[tilespmem:$0x18800] =	vst v63  }
0x102: {  	_ =	swait.ge [sflag:s7], $0x4000  }
0x103: {  	[sflag:s7] =	ssyncset.done $0x0  }
0x104: {  	[sflag:s7] =	ssyncadd.s32 $0xFFFFC000  }
0x105: {  	_ =	swait.ge [sflag:s7], $0x4000  }
0x106: {  	[sflag:s7] =	ssyncset.done $0x0  }
0x107: {  	[sflag:s7] =	ssyncadd.s32 $0xFFFFC000  }
0x108: {  	_ =	swait.ge [sflag:s9], $0x4000  }
0x109: {  	[sflag:s9] =	ssyncset.done $0x0  }
0x10a: {  	[sflag:s9] =	ssyncadd.s32 $0xFFFFC000  }
0x10b: {  	_ =	swait.ge [sflag:s9], $0x4000  }
0x10c: {  	[sflag:s9] =	ssyncset.done $0x0  }
0x10d: {  	p1 =	sne.s32 s1, $0x1;
	[sflag:s9] =	ssyncadd.s32 $0xFFFFC000  }
.Ltmp2:
0x10e: {  	_ =	swait.ge [sflag:s5], $0x4000;
	(pc) =	sbr.rel @p1 .LBB2_4-.Ltmp2, $4  }
0x10f: {  	[sflag:s5] =	ssyncset.done $0x0  }
0x110: {  	[sflag:s5] =	ssyncadd.s32 $0xFFFFC000  }
0x111: {  	_ =	swait.ge [sflag:s5], $0x4000  }
0x112: {  	s1 =	sadd.s32 $0xFFFFFFFF, s1;
	s0 =	rddreg [dreg:$0x4];
	[sflag:s5] =	ssyncset.done $0x0  }
0x113: {  	s22 =	simm.s32 $0x16800;
	s26 =	simm.s32 $0xA800;
	s20 =	simm.s32 $0x680  }
0x114: {  	s31 =	simm.s32 $0x280;
	s30 =	simm.s32 $0x600;
	s28 =	simm.s32 $0x200  }
0x115: {  	s24 =	simm.s32 $0x700;
	s23 =	simm.s32 $0x300;
	s21 =	rddreg [dreg:$0x3]  }
.LBB2_6:
0x116: {  	[sflag:s5] =	ssyncadd.s32 @p0 $0xFFFFC000  }
0x117: {  	[tilespmem:s18], [sflag:$0x6] =	stream.linear.gather [hbm4b:s0+s18], $0x400, $0x38;
	[tilespmem:$0x18800] =	vst v63  }
0x118: {  	_ =	swait.ge [sflag:s29], $0x400  }
0x119: {  	[sflag:s29] =	ssyncset.done $0x0  }
0x11a: {  	s19 =	rddreg [dreg:$0x5];
	[sflag:s29] =	ssyncadd.s32 $0xFFFFFC00  }
0x11b: {  	[tilespmem:s25], [sflag:$0x6] =	stream.linear.gather [hbm4b:s19+s18], $0x400, $0x38;
	[tilespmem:$0x18800] =	vst v63  }
0x11c: {  	_ =	swait.ge [sflag:s29], $0x400  }
0x11d: {  	[sflag:s29] =	ssyncset.done $0x0  }
0x11e: {  	[sflag:s29] =	ssyncadd.s32 $0xFFFFFC00  }
0x11f: {  	[tilespmem:s3], [sflag:$0x1] =	stream.indirect.gather [hbm4b:s10+s2], $0x40, s18, s2, $0xb8;
	[tilespmem:$0x18800] =	vst v63  }
0x120: {  	s1 =	rddreg [dreg:$0xf]  }
0x121: {  	[tilespmem:s4], [sflag:$0x2] =	stream.indirect.gather [hbm4b:s10+s2], $0x40, s25, s2, $0xb8;
	[tilespmem:$0x18800] =	vst v63  }
0x122: {  	s19 =	rddreg [dreg:$0x13]  }
0x123: {  	[tilespmem:s14], [sflag:$0x1] =	stream.indirect.gather [hbm4b:s10+s2], $0x40, s2, s2, $0xb8;
	[tilespmem:$0x18800] =	vst v63  }
0x124: {  	s25 =	rddreg [dreg:$0xe]  }
0x125: {  	[tilespmem:s15], [sflag:$0x2] =	stream.indirect.gather [hbm4b:s10+s2], $0x40, s25, s2, $0xb8;
	[tilespmem:$0x18800] =	vst v63  }
0x126: {  	s29 =	rddreg [dreg:$0x10]  }
0x127: {  	[tilespmem:s16], [sflag:$0x1] =	stream.indirect.gather [hbm4b:s10+s2], $0x40, s1, s2, $0xb8;
	[tilespmem:$0x18800] =	vst v63  }
0x128: {  	s18 =	rddreg [dreg:$0x12]  }
0x129: {  	[tilespmem:s17], [sflag:$0x2] =	stream.indirect.gather [hbm4b:s10+s2], $0x40, s29, s2, $0xb8;
	[tilespmem:$0x18800] =	vst v63  }
0x12a: {  	s25 =	rddreg [dreg:$0x11]  }
0x12b: {  	[tilespmem:s18], [sflag:$0x1] =	stream.indirect.gather [hbm4b:s10+s2], $0x40, s25, s2, $0xb8;
	[tilespmem:$0x18800] =	vst v63  }
0x12c: {  	s29 =	rddreg [dreg:$0x14]  }
0x12d: {  	[tilespmem:s29], [sflag:$0x2] =	stream.indirect.gather [hbm4b:s10+s2], $0x40, s19, s2, $0xb8;
	[tilespmem:$0x18800] =	vst v63  }
0x12e: {  	_ =	swait.ge [sflag:s8], $0x2000  }
0x12f: {  	[sflag:s8] =	ssyncset.done $0x0  }
0x130: {  	[sflag:s8] =	ssyncadd.s32 $0xFFFFE000  }
0x131: {  	_ =	swait.ge [sflag:s6], $0x2000  }
0x132: {  	[sflag:s6] =	ssyncset.done $0x0  }
0x133: {  	[sflag:s6] =	ssyncadd.s32 $0xFFFFE000  }
0x134: {  	_ =	swait.ge [sflag:s8], $0x2000  }
0x135: {  	[sflag:s8] =	ssyncset.done $0x0  }
0x136: {  	[sflag:s8] =	ssyncadd.s32 $0xFFFFE000  }
0x137: {  	_ =	swait.ge [sflag:s6], $0x2000  }
0x138: {  	[sflag:s6] =	ssyncset.done $0x0  }
0x139: {  	[sflag:s6] =	ssyncadd.s32 $0xFFFFE000  }
0x13a: {  	[tilespmem:s12], [sflag:$0x1] =	stream.indirect.gather [hbm4b:s10+s2], $0x40, s28, s2, $0xb8;
	[tilespmem:$0x18800] =	vst v63  }
0x13b: {  	_ = 	snop  }
0x13c: {  	[tilespmem:s13], [sflag:$0x2] =	stream.indirect.gather [hbm4b:s10+s2], $0x40, s30, s2, $0xb8;
	[tilespmem:$0x18800] =	vst v63  }
0x13d: {  	_ = 	snop  }
0x13e: {  	[tilespmem:s26], [sflag:$0x1] =	stream.indirect.gather [hbm4b:s10+s2], $0x40, s31, s2, $0xb8;
	[tilespmem:$0x18800] =	vst v63  }
0x13f: {  	_ = 	snop  }
0x140: {  	[tilespmem:s22], [sflag:$0x2] =	stream.indirect.gather [hbm4b:s10+s2], $0x40, s20, s2, $0xb8;
	[tilespmem:$0x18800] =	vst v63  }
0x141: {  	s19 =	rddreg [dreg:$0x6]  }
0x142: {  	[hbm4b:s19+s11] =	stream.strided.scatter [tilespmem:s3], [sflag:$0x3], $0x4000, s2, s11, $0x38;
	[tilespmem:$0x18800] =	vst v63  }
0x143: {  	s20 =	rddreg [dreg:$0x7]  }
0x144: {  	[hbm4b:s20+s11] =	stream.strided.scatter [tilespmem:s4], [sflag:$0x3], $0x4000, s2, s11, $0x38;
	[tilespmem:$0x18800] =	vst v63  }
0x145: {  	_ =	swait.ge [sflag:s8], $0x2000  }
0x146: {  	[sflag:s8] =	ssyncset.done $0x0  }
0x147: {  	[sflag:s8] =	ssyncadd.s32 $0xFFFFE000  }
0x148: {  	_ =	swait.ge [sflag:s6], $0x2000  }
0x149: {  	[sflag:s6] =	ssyncset.done $0x0  }
0x14a: {  	[sflag:s6] =	ssyncadd.s32 $0xFFFFE000  }
0x14b: {  	_ =	swait.ge [sflag:s8], $0x2000  }
0x14c: {  	[sflag:s8] =	ssyncset.done $0x0  }
0x14d: {  	[sflag:s8] =	ssyncadd.s32 $0xFFFFE000  }
0x14e: {  	_ =	swait.ge [sflag:s6], $0x2000  }
0x14f: {  	[sflag:s6] =	ssyncset.done $0x0  }
0x150: {  	[sflag:s6] =	ssyncadd.s32 $0xFFFFE000  }
0x151: {  	_ =	swait.ge [sflag:s7], $0x4000  }
0x152: {  	[sflag:s7] =	ssyncset.done $0x0  }
0x153: {  	[sflag:s7] =	ssyncadd.s32 $0xFFFFC000  }
0x154: {  	_ =	swait.ge [sflag:s7], $0x4000  }
0x155: {  	[sflag:s7] =	ssyncset.done $0x0  }
0x156: {  	[sflag:s7] =	ssyncadd.s32 $0xFFFFC000  }
0x157: {  	[tilespmem:s3], [sflag:$0x1] =	stream.indirect.gather [hbm4b:s10+s2], $0x40, s23, s2, $0xb8;
	[tilespmem:$0x18800] =	vst v63  }
0x158: {  	_ = 	snop  }
0x159: {  	[tilespmem:s4], [sflag:$0x2] =	stream.indirect.gather [hbm4b:s10+s2], $0x40, s24, s2, $0xb8;
	[tilespmem:$0x18800] =	vst v63  }
0x15a: {  	s22 =	simm.s32 $0x380  }
0x15b: {  	[tilespmem:s14], [sflag:$0x1] =	stream.indirect.gather [hbm4b:s10+s2], $0x40, s22, s2, $0xb8;
	[tilespmem:$0x18800] =	vst v63  }
0x15c: {  	s24 =	simm.s32 $0x780  }
0x15d: {  	[tilespmem:s15], [sflag:$0x2] =	stream.indirect.gather [hbm4b:s10+s2], $0x40, s24, s2, $0xb8;
	[tilespmem:$0x18800] =	vst v63  }
0x15e: {  	s23 =	rddreg [dreg:$0x8]  }
0x15f: {  	[hbm4b:s23+s11] =	stream.strided.scatter [tilespmem:s16], [sflag:$0x4], $0x4000, s2, s11, $0x38;
	[tilespmem:$0x18800] =	vst v63  }
0x160: {  	s25 =	rddreg [dreg:$0x9]  }
0x161: {  	[hbm4b:s25+s11] =	stream.strided.scatter [tilespmem:s17], [sflag:$0x4], $0x4000, s2, s11, $0x38;
	[tilespmem:$0x18800] =	vst v63  }
0x162: {  	_ =	swait.ge [sflag:s8], $0x2000  }
0x163: {  	[sflag:s8] =	ssyncset.done $0x0  }
0x164: {  	[sflag:s8] =	ssyncadd.s32 $0xFFFFE000  }
0x165: {  	_ =	swait.ge [sflag:s6], $0x2000  }
0x166: {  	[sflag:s6] =	ssyncset.done $0x0  }
0x167: {  	[sflag:s6] =	ssyncadd.s32 $0xFFFFE000  }
0x168: {  	_ =	swait.ge [sflag:s8], $0x2000  }
0x169: {  	[sflag:s8] =	ssyncset.done $0x0  }
0x16a: {  	[sflag:s8] =	ssyncadd.s32 $0xFFFFE000  }
0x16b: {  	_ =	swait.ge [sflag:s6], $0x2000  }
0x16c: {  	[sflag:s6] =	ssyncset.done $0x0  }
0x16d: {  	s26 =	rddreg [dreg:$0xa];
	[sflag:s6] =	ssyncadd.s32 $0xFFFFE000  }
0x16e: {  	[hbm4b:s26+s11] =	stream.strided.scatter [tilespmem:s12], [sflag:$0x5], $0x4000, s2, s11, $0x38;
	[tilespmem:$0x18800] =	vst v63  }
0x16f: {  	s28 =	rddreg [dreg:$0xb]  }
0x170: {  	[hbm4b:s28+s11] =	stream.strided.scatter [tilespmem:s13], [sflag:$0x5], $0x4000, s2, s11, $0x38;
	[tilespmem:$0x18800] =	vst v63  }
0x171: {  	_ =	swait.ge [sflag:s8], $0x2000  }
0x172: {  	[sflag:s8] =	ssyncset.done $0x0  }
0x173: {  	[sflag:s8] =	ssyncadd.s32 $0xFFFFE000  }
0x174: {  	_ =	swait.ge [sflag:s6], $0x2000  }
0x175: {  	[sflag:s6] =	ssyncset.done $0x0  }
0x176: {  	[sflag:s6] =	ssyncadd.s32 $0xFFFFE000  }
0x177: {  	_ =	swait.ge [sflag:s8], $0x2000  }
0x178: {  	[sflag:s8] =	ssyncset.done $0x0  }
0x179: {  	[sflag:s8] =	ssyncadd.s32 $0xFFFFE000  }
0x17a: {  	_ =	swait.ge [sflag:s6], $0x2000  }
0x17b: {  	[sflag:s6] =	ssyncset.done $0x0  }
0x17c: {  	s29 =	rddreg [dreg:$0xc];
	[sflag:s6] =	ssyncadd.s32 $0xFFFFE000  }
0x17d: {  	[hbm4b:s29+s11] =	stream.strided.scatter [tilespmem:s3], [sflag:$0x3], $0x4000, s2, s11, $0x38;
	[tilespmem:$0x18800] =	vst v63  }
0x17e: {  	s30 =	rddreg [dreg:$0xd]  }
0x17f: {  	[hbm4b:s30+s11] =	stream.strided.scatter [tilespmem:s4], [sflag:$0x3], $0x4000, s2, s11, $0x38;
	[tilespmem:$0x18800] =	vst v63  }
0x180: {  	_ =	swait.ge [sflag:s7], $0x4000  }
0x181: {  	[sflag:s7] =	ssyncset.done $0x0  }
0x182: {  	[sflag:s7] =	ssyncadd.s32 $0xFFFFC000  }
0x183: {  	_ =	swait.ge [sflag:s7], $0x4000  }
0x184: {  	[sflag:s7] =	ssyncset.done $0x0  }
0x185: {  	[sflag:s7] =	ssyncadd.s32 $0xFFFFC000  }
0x186: {  	_ =	swait.ge [sflag:s9], $0x4000  }
0x187: {  	[sflag:s9] =	ssyncset.done $0x0  }
0x188: {  	[sflag:s9] =	ssyncadd.s32 $0xFFFFC000  }
0x189: {  	_ =	swait.ge [sflag:s9], $0x4000  }
0x18a: {  	[sflag:s9] =	ssyncset.done $0x0  }
0x18b: {  	[sflag:s9] =	ssyncadd.s32 $0xFFFFC000  }
0x18c: {  	_ =	swait.ge [sflag:s5], $0x4000  }
0x18d: {  	[sflag:s5] =	ssyncset.done $0x0  }
0x18e: {  	[sflag:s5] =	ssyncadd.s32 $0xFFFFC000  }
0x18f: {  	_ =	swait.ge [sflag:s5], $0x4000  }
0x190: {  	[sflag:s5] =	ssyncset.done $0x0  }
0x191: {  	[sflag:s5] =	ssyncadd.s32 $0xFFFFC000  }
0x192: {  	_ =	sfence.sel $0x180000  }
0x193: {  	s31 =	stileid.u32;
	[bflag:$0x0] =	sbarrier.arrive $0xFFFF  }
0x194: {  	p0 =	sne.s32 s31, $0x0;
	_ =	strace $0x90000047  }
0x195: {  	s0 =	sadd.s32 @!p0 $0x100000, s21;
	[bflag:$0x2] =	sbarrier.arrive $0xFFFF  }
0x196: {  	[sflag:s0] =	ssyncadd.tile.s32 @!p0 $0x1;
	_ =	shalt  }
.LBB2_1:
.Ltmp3:
0x197: {  	(pc) =	sbr.rel .LBB2_6-.Ltmp3, $4  }
0x198: {  	_ = 	snop  }
0x199: {  	s22 =	simm.s32 $0x16800;
	s26 =	simm.s32 $0xA800  }
0x19a: {  	s20 =	simm.s32 $0x680;
	s31 =	simm.s32 $0x280;
	s30 =	simm.s32 $0x600  }
0x19b: {  	s28 =	simm.s32 $0x200;
	s24 =	simm.s32 $0x700;
	s23 =	simm.s32 $0x300  }
.LBB2_3:
.Ltmp4:
0x19c: {  	(pc) =	sbr.rel .LBB2_6-.Ltmp4, $4  }
0x19d: {  	_ = 	snop  }
0x19e: {  	s22 =	simm.s32 $0x16800;
	s26 =	simm.s32 $0xA800;
	s20 =	simm.s32 $0x680  }
0x19f: {  	s31 =	simm.s32 $0x280;
	s30 =	simm.s32 $0x600;
	s28 =	simm.s32 $0x200  }
0x1a0: {  	s24 =	simm.s32 $0x700;
	s23 =	simm.s32 $0x300;
	s21 =	rddreg [dreg:$0x3]  }
.Lfunc_end2:
_tile_overlayer_lowered:
.L_overlay_start_2:
0x1a1: {  	(tag) =	ssettag $0x2  }
0x1a2: {  	s0 =	rddreg [dreg:$0x0];
	s2 =	stileid.u32  }
0x1a3: {  	s1 =	rddreg [dreg:$0x1];
	p0 =	sne.s32 s2, $0x0  }
0x1a4: {  	s3 =	rddreg [dreg:$0x2];
	[bflag:$0x3] =	sbarrier.arrive $0xFFFF;
	s2 =	simm.s32 @!p0 $0x1C06  }
0x1a5: {  	[timem:s3], [sflag:s2] =	dma.local @!p0 [hbm:s0], s1  }
0x1a6: {  	s0 =	simm.s32 @!p0 $0x6  }
0x1a7: {  	_ =	swait.ge @!p0 [sflag:s0], s1  }
0x1a8: {  	s1 =	ssub.s32 @!p0 $0x0, s1;
	[sflag:s0] =	ssyncset.done @!p0 $0x0  }
0x1a9: {  	[sflag:s0] =	ssyncadd.s32 @!p0 s1  }
0x1aa: {  	[bflag:$0x3] =	sbarrier.arrive $0xFFFF  }
0x1ab: {  	_ =	shalt  }

// kernel: kernel.9.cloned.1.call-start
scs
__scs_entry_jumppad:
0x0: {  	(pc) =	sbr.rel $0x88, $3  }
0x1: {  	(tag) =	ssettag $0x0;
	lr =	simm.s32 $0x1  }
0x2: {  	[smem:$0x3F97] =	sst lr;
	_ =	strace $0xD0000000  }
0x3: {  	_ = 	snop  }
0x4: {  	_ = 	snop  }
0x5: {  	_ = 	snop  }
0x6: {  	_ = 	snop  }
0x7: {  	_ = 	snop  }
__scs_overlays_trampoline_lowered:
0x8: {  	[smem:$0x3FA6] =	sst s0  }
0x9: {  	[smem:$0x3FA7] =	sst s1  }
0xa: {  	[smem:$0x3FA8] =	sst s2  }
0xb: {  	[smem:$0x3FA9] =	sst s3  }
0xc: {  	[smem:$0x3FAA] =	sst s4  }
0xd: {  	[smem:$0x3FAB] =	sst s5  }
0xe: {  	[smem:$0x3FAC] =	sst s6  }
0xf: {  	[smem:$0x3FAD] =	sst s7  }
0x10: {  	[smem:$0x3FAE] =	sst s8  }
0x11: {  	[smem:$0x3FAF] =	sst s9;
	s0 =	simm.s32 @!p0 $0x0  }
0x12: {  	s1 =	sld [smem:$0x3F95];
	s0 =	simm.s32 @p0 $0x1  }
0x13: {  	[smem:$0x3FB0] =	sst s0;
	s0 =	simm.s32 @!p1 $0x0  }
0x14: {  	s2 =	sld [smem:$0x3F94];
	s0 =	simm.s32 @p1 $0x1  }
0x15: {  	[smem:$0x3FB1] =	sst s0;
	s0 =	simm.s32 @!p2 $0x0  }
0x16: {  	s3 =	sld [smem:$0x3FDB];
	s0 =	simm.s32 @p2 $0x1  }
0x17: {  	s4 =	simm.s32 $0x1BF5;
	[smem:$0x3FB3] =	sst s0  }
0x18: {  	s0 =	sld [smem:$0x3F96];
	_ =	swait.ge [sflag:s4], $0x0  }
0x19: {  	s7 =	sld [smem:$0x3F97]  }
0x1a: {  	s8 =	sadd.s32 $0xFFFFE003, lr  }
0x1b: {  	s9 =	sadd.s32 $0xFFFFFEF7, lr;
	s5 =	simm.s32 $0xFFFFFFFF;
	p2 =	slt.u32 s8, $0xFFFFF086  }
0x1c: {  	p1 =	slt.u32 s9, $0xF7A;
	s5 =	simm.s32 @!p2 $0x0  }
0x1d: {  	s5 =	simm.s32 @p1 $0x1;
	p0 =	seq.s32 s7, s2  }
0x1e: {  	s7 =	smul.u32 @!p0 $0xF7A, s2;
	p2 =	seq.s32 @!p0 s5, $0x0  }
0x1f: {  	s9 =	smul.u32 $0xF7A, s1;
	s8 =	simm.s32 @!p0 $0x1BF5;
	p2 =	por !p2, p0  }
0x20: {  	[sflag:s8] =	ssyncset.s32 @!p0 $0xFFFFF086;
	s6 =	sadd.s32 @!p0 s3, s7;
	s7 =	simm.s32 @!p0 $0x108  }
0x21: {  	s3 =	sadd.s32 s3, s9;
	s6 =	sadd.s32 @!p0 $0x88, s6;
	s7 =	simm.s32 @p2 $0x1082  }
0x22: {  	[simem:s7], [sflag:s8] =	dma.local @!p0 [hbm:s6], $0xF7A  }
0x23: {  	s9 =	sor.u32 $0xD0000000, s2;
	s6 =	simm.s32 $0x108;
	_ =	swait.ge @!p0 [sflag:s8], $0x0  }
0x24: {  	s3 =	sadd.s32 $0x88, s3;
	s6 =	simm.s32 @!p1 $0x1082;
	[sflag:s4] =	ssyncset.s32 $0xFFFFF086  }
0x25: {  	[simem:s6], [sflag:s4] =	dma.local [hbm:s3], $0xF7A  }
0x26: {  	[smem:$0x3F97] =	sst s1;
	(tag) =	ssettag s2;
	_ =	strace s9  }
0x27: {  	s1 =	sld [smem:$0x3FA7]  }
0x28: {  	s2 =	sld [smem:$0x3FA8]  }
0x29: {  	s4 =	sld [smem:$0x3FAA]  }
0x2a: {  	p0 =	seq.s32 s5, $0x0;
	s5 =	sld [smem:$0x3FAB]  }
0x2b: {  	s6 =	sld [smem:$0x3FAC]  }
0x2c: {  	s7 =	sld [smem:$0x3FAD]  }
0x2d: {  	s3 =	simm.s32 $0x108;
	s8 =	sld [smem:$0x3FAE]  }
0x2e: {  	s3 =	simm.s32 @!p0 $0x1082;
	s9 =	sld [smem:$0x3FAF]  }
0x2f: {  	lr =	sadd.s32 s0, s3;
	s0 =	sld [smem:$0x3FA6]  }
0x30: {  	s3 =	sld [smem:$0x3FA9]  }
0x31: {  	[smem:$0x3FB2] =	sst s10  }
0x32: {  	s10 =	sld [smem:$0x3FB0];
	_ =	sdelay $0x3  }
0x33: {  	p0 =	seq.s32 s10, $0x1;
	s10 =	sld [smem:$0x3FB2];
	_ =	sdelay $0x3  }
0x34: {  	[smem:$0x3FB2] =	sst s10  }
0x35: {  	s10 =	sld [smem:$0x3FB1];
	_ =	sdelay $0x3  }
0x36: {  	p1 =	seq.s32 s10, $0x1;
	s10 =	sld [smem:$0x3FB2];
	_ =	sdelay $0x3  }
0x37: {  	[smem:$0x3FB2] =	sst s10  }
0x38: {  	s10 =	sld [smem:$0x3FB3]  }
0x39: {  	_ = 	snop;
	(pc) =	sbr.ind lr, $3  }
0x3a: {  	_ = 	snop  }
0x3b: {  	_ = 	snop  }
0x3c: {  	p2 =	seq.s32 s10, $0x1;
	s10 =	sld [smem:$0x3FB2]  }
0x3d: {  	_ =	shalt  }
0x3e: {  	_ =	shalt  }
0x3f: {  	_ =	shalt  }
0x40: {  	_ =	shalt  }
0x41: {  	_ =	shalt  }
0x42: {  	_ =	shalt  }
0x43: {  	_ =	shalt  }
0x44: {  	_ =	shalt  }
0x45: {  	_ =	shalt  }
0x46: {  	_ =	shalt  }
0x47: {  	_ =	shalt  }
0x48: {  	_ =	shalt  }
0x49: {  	_ =	shalt  }
0x4a: {  	_ =	shalt  }
0x4b: {  	_ =	shalt  }
0x4c: {  	_ =	shalt  }
0x4d: {  	_ =	shalt  }
0x4e: {  	_ =	shalt  }
0x4f: {  	_ =	shalt  }
0x50: {  	_ =	shalt  }
0x51: {  	_ =	shalt  }
0x52: {  	_ =	shalt  }
0x53: {  	_ =	shalt  }
0x54: {  	_ =	shalt  }
0x55: {  	_ =	shalt  }
0x56: {  	_ =	shalt  }
0x57: {  	_ =	shalt  }
0x58: {  	_ =	shalt  }
0x59: {  	_ =	shalt  }
0x5a: {  	_ =	shalt  }
0x5b: {  	_ =	shalt  }
0x5c: {  	_ =	shalt  }
0x5d: {  	_ =	shalt  }
0x5e: {  	_ =	shalt  }
0x5f: {  	_ =	shalt  }
0x60: {  	_ =	shalt  }
0x61: {  	_ =	shalt  }
0x62: {  	_ =	shalt  }
0x63: {  	_ =	shalt  }
0x64: {  	_ =	shalt  }
0x65: {  	_ =	shalt  }
0x66: {  	_ =	shalt  }
0x67: {  	_ =	shalt  }
0x68: {  	_ =	shalt  }
0x69: {  	_ =	shalt  }
0x6a: {  	_ =	shalt  }
0x6b: {  	_ =	shalt  }
0x6c: {  	_ =	shalt  }
0x6d: {  	_ =	shalt  }
0x6e: {  	_ =	shalt  }
0x6f: {  	_ =	shalt  }
0x70: {  	_ =	shalt  }
0x71: {  	_ =	shalt  }
0x72: {  	_ =	shalt  }
0x73: {  	_ =	shalt  }
0x74: {  	_ =	shalt  }
0x75: {  	_ =	shalt  }
0x76: {  	_ =	shalt  }
0x77: {  	_ =	shalt  }
0x78: {  	_ =	shalt  }
0x79: {  	_ =	shalt  }
0x7a: {  	_ =	shalt  }
0x7b: {  	_ =	shalt  }
0x7c: {  	_ =	shalt  }
0x7d: {  	_ =	shalt  }
0x7e: {  	_ =	shalt  }
0x7f: {  	_ =	shalt  }
0x80: {  	_ =	shalt  }
0x81: {  	_ =	shalt  }
0x82: {  	_ =	shalt  }
0x83: {  	_ =	shalt  }
0x84: {  	_ =	shalt  }
0x85: {  	_ =	shalt  }
0x86: {  	_ =	shalt  }
0x87: {  	_ =	shalt  }
.Lfunc_end0:
.L_simem_size_0:
called_computation.1_lowered:
.L_overlay_start_0:
0x88: {  	s2 =	sld [smem:$0x3FD9]  }
0x89: {  	s3 =	sld [smem:$0x3FFE];
	_ =	sdelay $0x1  }
0x8a: {  	s1 =	srdreg.scid  }
0x8b: {  	s0 =	sand.u32 $0x1, s1  }
0x8c: {  	s15 =	sshll.u32 s0, $0xA;
	s2 =	sadd.s32 s3, s2  }
0x8d: {  	s2 =	sadd.s32 s2, s15  }
0x8e: {  	[smem:$0x3FBE] =	sst s2  }
0x8f: {  	_ = 	snop  }
0x90: {  	s2 =	sld [smem:$0x3FD0];
	_ =	sdelay $0x2  }
0x91: {  	s4 =	simm.s32 $0xB;
	s16 =	simm.s32 $0x10  }
0x92: {  	[smem:s16], [sflag:s4] =	dma.local [hbm:s2], $0x1  }
0x93: {  	_ =	swait.eq [sflag:s4], $0x1  }
0x94: {  	[sflag:s4] =	ssyncset.done $0x0  }
0x95: {  	s17 =	sld [smem:$0x10];
	[sflag:s4] =	ssyncadd.s32 $0xFFFFFFFF  }
0x96: {  	s18 =	sld [smem:$0x11];
	(tm) =	ssettm $0x1  }
0x97: {  	s19 =	sld [smem:$0x3FFB];
	_ =	sdelay $0x3  }
0x98: {  	_ =	strace s19  }
0x99: {  	s2 =	sld [smem:$0x3FFC];
	_ =	sdelay $0x3  }
0x9a: {  	_ =	strace s2  }
0x9b: {  	s2 =	sld [smem:$0x3FFD];
	_ =	sdelay $0x3  }
0x9c: {  	_ =	strace s2  }
0x9d: {  	_ =	strace $0x8FFFFFFF  }
0x9e: {  	s20 =	sld [smem:$0x3FDB];
	_ =	sdelay $0x1  }
0x9f: {  	s5 =	simm.s32 $_scs_section_size  }
0xa0: {  	s6 =	simm.s32 $_size__tile_overlayer_lowered;
	s7 =	simm.s32 $_tile_overlayer_lowered  }
0xa1: {  	s8 =	simm.s32 $0x1BFF;
	s21 =	sshll.u32 s7, $0x1;
	s5 =	sadd.s32 s5, s20  }
0xa2: {  	s22 =	simm.s32 $0x0;
	s6 =	sshll.u32 s6, $0x1;
	s7 =	sadd.s32 s21, s5  }
0xa3: {  	[timem:s22], [sflag:s8] =	dma.local [hbm:s7], s6  }
0xa4: {  	_ =	swait.ge [sflag:s8], s6  }
0xa5: {  	s6 =	ssub.s32 $0x0, s6;
	[sflag:s8] =	ssyncset.done $0x0  }
0xa6: {  	[sflag:s8] =	ssyncadd.s32 s6;
	_ =	sdelay $0x1  }
0xa7: {  	s23 =	simm.s32 $0x1B8B  }
0xa8: {  	_ =	swait.ge [sflag:s23], $0x1  }
0xa9: {  	[sflag:s23] =	ssyncset.done $0x0  }
0xaa: {  	[sflag:s23] =	ssyncadd.s32 $0xFFFFFFFF  }
0xab: {  	s6 =	sld [smem:$0x0]  }
0xac: {  	s7 =	sand.u32 $0xFFFFFFFE, s1  }
0xad: {  	p0 =	sne.s32 s1, s7  }
0xae: {  	s7 =	sshll.u32 @p0 s7, $0xE  }
0xaf: {  	s7 =	sadd.s32 @p0 $0x11B8D, s7;
	s8 =	sshll.u32 @p0 s6, $0x11  }
0xb0: {  	s7 =	sor.u32 @p0 s8, s7  }
0xb1: {  	[sflag:s7] =	ssyncadd.remote.s32 @p0 $0x1;
	_ =	sdelay $0x1  }
0xb2: {  	s7 =	simm.s32 @p0 $0x1B8D  }
0xb3: {  	_ =	swait.eq @p0 [sflag:s7], $0x1  }
0xb4: {  	[sflag:s7] =	ssyncadd.s32 @p0 $0xFFFFFFFF  }
0xb5: {  	s8 =	sshll.u32 @!p0 s1, $0xE  }
0xb6: {  	s8 =	sor.u32 @!p0 $0x4000, s8;
	s7 =	simm.s32 @!p0 $0x1B8D  }
0xb7: {  	s6 =	sshll.u32 @!p0 s6, $0x11;
	s8 =	sadd.s32 @!p0 $0x11B8D, s8;
	_ =	swait.eq @!p0 [sflag:s7], $0x1  }
0xb8: {  	s6 =	sor.u32 @!p0 s6, s8;
	[sflag:s7] =	ssyncadd.s32 @!p0 $0xFFFFFFFF  }
0xb9: {  	s25 =	simm.s32 $0x1B8E;
	s24 =	sld [smem:$0x3FFE];
	[sflag:s6] =	ssyncadd.remote.s32 @!p0 $0x1  }
0xba: {  	s26 =	simm.s32 $execute0_lowered;
	[smem:$0x3FD2] =	sst s25  }
0xbb: {  	s7 =	sshll.u32 s26, $0x1;
	_ =	strace $0x80000049;
	[dreg:$0x1] =	wrdreg $0xFFFFFFFF  }
0xbc: {  	s28 =	simm.s32 $_size_execute0_lowered;
	s5 =	sadd.s32 s5, s7;
	[dreg:$0x0] =	wrdreg $0x0  }
0xbd: {  	s7 =	sshll.u32 s28, $0x1;
	[dreg:$0x2] =	wrdreg s5  }
0xbe: {  	[dreg:$0x3] =	wrdreg s7  }
0xbf: {  	[dreg:$0x4] =	wrdreg $0xC0  }
0xc0: {  	_ =	task [dreg:s22], $0x5FFFF  }
0xc1: {  	[dreg:$0x1] =	wrdreg $0xFFFFFFFF  }
0xc2: {  	[dreg:$0x0] =	wrdreg $0x60  }
0xc3: {  	[dreg:$0x2] =	wrdreg s24  }
0xc4: {  	[dreg:$0x3] =	wrdreg s18  }
0xc5: {  	[dreg:$0x4] =	wrdreg s17  }
0xc6: {  	[dreg:$0x5] =	wrdreg $0xA  }
0xc7: {  	_ =	task.clear_ibuf [dreg:s22], $0x6FFFF;
	_ =	strace $0x90000049  }
0xc8: {  	s29 =	simm.s32 $0xA;
	_ =	strace $0x8000004B  }
0xc9: {  	_ =	swait.ge [sflag:s29], $0x1  }
0xca: {  	[sflag:s29] =	ssyncadd.s32 $0xFFFFFFFF  }
0xcb: {  	_ =	strace $0x9000004B  }
0xcc: {  	_ =	sfence  }
0xcd: {  	s30 =	sld [smem:$0x0];
	_ =	sdelay $0x2  }
0xce: {  	s31 =	sshll.u32 s1, $0xD;
	s1 =	sshrl.u32 s1, $0x2  }
0xcf: {  	s4 =	sand.u32 $0x4000, s31;
	s1 =	sadd.s32 s1, s30  }
0xd0: {  	s0 =	sor.u32 s4, s0;
	s1 =	sshll.u32 s1, $0x11  }
0xd1: {  	s0 =	sor.u32 s1, s0  }
0xd2: {  	s0 =	sadd.s32 $0x8F2B, s0  }
0xd3: {  	[sflag:s0] =	ssyncadd.remote.s32 $0x1  }
0xd4: {  	_ =	sfence.sel $0xFFFF  }
0xd5: {  	[dreg:$0x0] =	wrdreg $0xFFFFFFFF;
	(pc) =	sbr.abs _section_cstart, $3  }
0xd6: {  	[dreg:$0x1] =	wrdreg $0xFFFFFFFF  }
0xd7: {  	_ =	task.clear_ibuf [dreg:s22], $0x2FFFF;
	_ =	strace $0x9FFFFFFF  }
0xd8: {  	(tm) =	ssettm $0x7FFFFFFF  }
0xd9: {  	_ =	shalt  }
tec
execute0_lowered:
.L_overlay_start_1:
0x0: {  	(tag) =	ssettag $0x1  }
0x1: {  	s0 =	rddreg [dreg:$0x0]  }
0x2: {  	s1 =	srdreg.scid;
	s2 =	rddreg [dreg:$0x1]  }
0x3: {  	s3 =	stileid.u32;
	s4 =	rddreg [dreg:$0x2]  }
0x4: {  	s21 =	rddreg [dreg:$0x3];
	s18 =	simm.s32 $0x0;
	s29 =	simm.s32 $0x6  }
0x5: {  	s25 =	simm.s32 $0x400;
	s22 =	simm.s32 $0x480;
	s23 =	simm.s32 $0x100  }
0x6: {  	s24 =	simm.s32 $0x500;
	s26 =	simm.s32 $0x180;
	[smem:$0x7FF] =	sst s18  }
0x7: {  	s28 =	simm.s32 $0x6800;
	_ =	strace $0x8000004A;
	[dreg:$0xe] =	wrdreg s22  }
0x8: {  	s30 =	simm.s32 $0x580;
	s31 =	simm.s32 $0x12800;
	[dreg:$0xf] =	wrdreg s23  }
0x9: {  	s8 =	simm.s32 $0x1;
	s6 =	simm.s32 $0x2;
	[dreg:$0x10] =	wrdreg s24  }
0xa: {  	s1 =	sand.u32 $0x1, s1;
	s3 =	sshll.u32 s3, $0x1;
	[dreg:$0x11] =	wrdreg s26  }
0xb: {  	s7 =	simm.s32 $0x3;
	s3 =	sor.u32 s1, s3;
	[dreg:$0x12] =	wrdreg s28  }
0xc: {  	p0 =	por $0x0, $0x0;
	[dreg:$0x13] =	wrdreg s30;
	s5 =	sshll.u32 s3, $0x7  }
0xd: {  	s1 =	ssub.s32 $0x2, s1;
	[dreg:$0x14] =	wrdreg s31;
	s5 =	sor.u32 $0x1000, s5  }
0xe: {  	s3 =	sshll.u32 s3, $0xE;
	s16 =	sshrl.u32 s1, $0x1;
	s2 =	sadd.s32 s2, s5  }
0xf: {  	s3 =	sadd.s32 s3, s0;
	s9 =	sadd.s32 s4, s5;
	[dreg:$0x4] =	wrdreg s2  }
0x10: {  	s1 =	ssub.s32 s1, s16;
	s10 =	sadd.s32 $0x101E00, s3;
	[dreg:$0x5] =	wrdreg s9  }
0x11: {  	s16 =	simm.s32 $0x4800;
	s11 =	sadd.s32 $0x101E08, s3;
	[dreg:$0x6] =	wrdreg s10  }
0x12: {  	s12 =	sadd.s32 $0x102E00, s3;
	s13 =	sadd.s32 $0x102E08, s3;
	[dreg:$0x7] =	wrdreg s11  }
0x13: {  	s14 =	sadd.s32 $0x103E00, s3;
	s15 =	sadd.s32 $0x103E08, s3;
	[dreg:$0x8] =	wrdreg s12  }
0x14: {  	s17 =	sadd.s32 $0x104E00, s3;
	s19 =	sadd.s32 $0x104E08, s3;
	[dreg:$0x9] =	wrdreg s13  }
0x15: {  	s20 =	smax.u32 s1, $0x1;
	s3 =	simm.s32 $0x800;
	[dreg:$0xa] =	wrdreg s14  }
0x16: {  	s4 =	simm.s32 $0xC800;
	[dreg:$0xb] =	wrdreg s15;
	p1 =	sne.s32 s20, $0x1  }
.Ltmp0:
0x17: {  	s5 =	simm.s32 $0x5;
	[dreg:$0xc] =	wrdreg s17;
	(pc) =	sbr.rel @!p1 .LBB2_1-.Ltmp0, $4  }
0x18: {  	s10 =	sadd.s32 $0x1E00, s0;
	[dreg:$0xd] =	wrdreg s19;
	s2 =	simm.s32 $0x80  }
0x19: {  	s14 =	simm.s32 $0x2800;
	s15 =	simm.s32 $0xE800;
	s17 =	simm.s32 $0x10800  }
0x1a: {  	s12 =	simm.s32 $0x8800;
	s13 =	simm.s32 $0x14800;
	s11 =	simm.s32 $0x40  }
0x1b: {  	s22 =	sadd.s32 $0xFFFFFFFF, s20;
	s9 =	simm.s32 $0x4;
	s0 =	rddreg [dreg:$0x4]  }
0x1c: {  	[tilespmem:s18], [sflag:$0x6] =	stream.linear.gather [hbm4b:s0+s18], $0x400, $0x38;
	[tilespmem:$0x18800] =	vst v63  }
0x1d: {  	_ =	swait.ge [sflag:s29], $0x400  }
0x1e: {  	[sflag:s29] =	ssyncset.done $0x0  }
0x1f: {  	s20 =	rddreg [dreg:$0x5];
	[sflag:s29] =	ssyncadd.s32 $0xFFFFFC00  }
0x20: {  	[tilespmem:s25], [sflag:$0x6] =	stream.linear.gather [hbm4b:s20+s18], $0x400, $0x38;
	[tilespmem:$0x18800] =	vst v63  }
0x21: {  	_ =	swait.ge [sflag:s29], $0x400  }
0x22: {  	s21 =	rddreg [dreg:$0x14]  }
0x23: {  	s23 =	rddreg [dreg:$0x12]  }
0x24: {  	[sflag:s29] =	ssyncset.done $0x0;
	s24 =	rddreg [dreg:$0xe]  }
0x25: {  	s1 =	rddreg [dreg:$0xf];
	[sflag:s29] =	ssyncadd.s32 $0xFFFFFC00  }
0x26: {  	[tilespmem:s3], [sflag:$0x1] =	stream.indirect.gather [hbm4b:s10+s2], $0x40, s18, s2, $0xb8;
	[tilespmem:$0x18800] =	vst v63  }
0x27: {  	s26 =	rddreg [dreg:$0x10]  }
0x28: {  	[tilespmem:s4], [sflag:$0x2] =	stream.indirect.gather [hbm4b:s10+s2], $0x40, s25, s2, $0xb8;
	[tilespmem:$0x18800] =	vst v63  }
0x29: {  	s0 =	rddreg [dreg:$0x13]  }
0x2a: {  	[tilespmem:s14], [sflag:$0x1] =	stream.indirect.gather [hbm4b:s10+s2], $0x40, s2, s2, $0xb8;
	[tilespmem:$0x18800] =	vst v63  }
0x2b: {  	[dreg:$0x15] =	wrdreg s21  }
0x2c: {  	[tilespmem:s15], [sflag:$0x2] =	stream.indirect.gather [hbm4b:s10+s2], $0x40, s24, s2, $0xb8;
	[tilespmem:$0x18800] =	vst v63  }
0x2d: {  	[dreg:$0x16] =	wrdreg s23  }
0x2e: {  	[tilespmem:s16], [sflag:$0x1] =	stream.indirect.gather [hbm4b:s10+s2], $0x40, s1, s2, $0xb8;
	[tilespmem:$0x18800] =	vst v63  }
0x2f: {  	s19 =	rddreg [dreg:$0x16]  }
0x30: {  	[tilespmem:s17], [sflag:$0x2] =	stream.indirect.gather [hbm4b:s10+s2], $0x40, s26, s2, $0xb8;
	[tilespmem:$0x18800] =	vst v63  }
0x31: {  	s1 =	rddreg [dreg:$0x11]  }
0x32: {  	[tilespmem:s19], [sflag:$0x1] =	stream.indirect.gather [hbm4b:s10+s2], $0x40, s1, s2, $0xb8;
	[tilespmem:$0x18800] =	vst v63  }
0x33: {  	s19 =	rddreg [dreg:$0x15]  }
0x34: {  	[tilespmem:s19], [sflag:$0x2] =	stream.indirect.gather [hbm4b:s10+s2], $0x40, s0, s2, $0xb8;
	[tilespmem:$0x18800] =	vst v63  }
0x35: {  	_ =	swait.ge [sflag:s8], $0x2000  }
0x36: {  	[sflag:s8] =	ssyncset.done $0x0  }
0x37: {  	[sflag:s8] =	ssyncadd.s32 $0xFFFFE000  }
0x38: {  	_ =	swait.ge [sflag:s6], $0x2000  }
0x39: {  	[sflag:s6] =	ssyncset.done $0x0  }
0x3a: {  	[sflag:s6] =	ssyncadd.s32 $0xFFFFE000  }
0x3b: {  	_ =	swait.ge [sflag:s8], $0x2000  }
0x3c: {  	[sflag:s8] =	ssyncset.done $0x0  }
0x3d: {  	[sflag:s8] =	ssyncadd.s32 $0xFFFFE000  }
0x3e: {  	_ =	swait.ge [sflag:s6], $0x2000  }
0x3f: {  	[sflag:s6] =	ssyncset.done $0x0  }
0x40: {  	s28 =	simm.s32 $0x200;
	[sflag:s6] =	ssyncadd.s32 $0xFFFFE000  }
0x41: {  	[tilespmem:s12], [sflag:$0x1] =	stream.indirect.gather [hbm4b:s10+s2], $0x40, s28, s2, $0xb8;
	[tilespmem:$0x18800] =	vst v63  }
0x42: {  	s30 =	simm.s32 $0x600  }
0x43: {  	[tilespmem:s13], [sflag:$0x2] =	stream.indirect.gather [hbm4b:s10+s2], $0x40, s30, s2, $0xb8;
	[tilespmem:$0x18800] =	vst v63  }
0x44: {  	s31 =	simm.s32 $0x280;
	s20 =	simm.s32 $0xA800  }
0x45: {  	[tilespmem:s20], [sflag:$0x1] =	stream.indirect.gather [hbm4b:s10+s2], $0x40, s31, s2, $0xb8;
	[tilespmem:$0x18800] =	vst v63  }
0x46: {  	s21 =	simm.s32 $0x680;
	s20 =	simm.s32 $0x16800  }
0x47: {  	[tilespmem:s20], [sflag:$0x2] =	stream.indirect.gather [hbm4b:s10+s2], $0x40, s21, s2, $0xb8;
	[tilespmem:$0x18800] =	vst v63  }
0x48: {  	s19 =	rddreg [dreg:$0x6]  }
0x49: {  	[hbm4b:s19+s11] =	stream.strided.scatter [tilespmem:s3], [sflag:$0x3], $0x4000, s2, s11, $0x38;
	[tilespmem:$0x18800] =	vst v63  }
0x4a: {  	s21 =	rddreg [dreg:$0x7]  }
0x4b: {  	[hbm4b:s21+s11] =	stream.strided.scatter [tilespmem:s4], [sflag:$0x3], $0x4000, s2, s11, $0x38;
	[tilespmem:$0x18800] =	vst v63  }
0x4c: {  	_ =	swait.ge [sflag:s8], $0x2000  }
0x4d: {  	[sflag:s8] =	ssyncset.done $0x0  }
0x4e: {  	[sflag:s8] =	ssyncadd.s32 $0xFFFFE000  }
0x4f: {  	_ =	swait.ge [sflag:s6], $0x2000  }
0x50: {  	[sflag:s6] =	ssyncset.done $0x0  }
0x51: {  	[sflag:s6] =	ssyncadd.s32 $0xFFFFE000  }
0x52: {  	_ =	swait.ge [sflag:s8], $0x2000  }
0x53: {  	[sflag:s8] =	ssyncset.done $0x0  }
0x54: {  	[sflag:s8] =	ssyncadd.s32 $0xFFFFE000  }
0x55: {  	_ =	swait.ge [sflag:s6], $0x2000  }
0x56: {  	[sflag:s6] =	ssyncset.done $0x0  }
0x57: {  	[sflag:s6] =	ssyncadd.s32 $0xFFFFE000  }
0x58: {  	_ =	swait.ge [sflag:s7], $0x4000  }
0x59: {  	[sflag:s7] =	ssyncset.done $0x0  }
0x5a: {  	[sflag:s7] =	ssyncadd.s32 $0xFFFFC000  }
0x5b: {  	_ =	swait.ge [sflag:s7], $0x4000  }
0x5c: {  	[sflag:s7] =	ssyncset.done $0x0  }
0x5d: {  	s23 =	simm.s32 $0x300;
	[sflag:s7] =	ssyncadd.s32 $0xFFFFC000  }
0x5e: {  	[tilespmem:s3], [sflag:$0x1] =	stream.indirect.gather [hbm4b:s10+s2], $0x40, s23, s2, $0xb8;
	[tilespmem:$0x18800] =	vst v63  }
0x5f: {  	s24 =	simm.s32 $0x700  }
0x60: {  	[tilespmem:s4], [sflag:$0x2] =	stream.indirect.gather [hbm4b:s10+s2], $0x40, s24, s2, $0xb8;
	[tilespmem:$0x18800] =	vst v63  }
0x61: {  	s26 =	simm.s32 $0x380  }
0x62: {  	[tilespmem:s14], [sflag:$0x1] =	stream.indirect.gather [hbm4b:s10+s2], $0x40, s26, s2, $0xb8;
	[tilespmem:$0x18800] =	vst v63  }
0x63: {  	s19 =	simm.s32 $0x780  }
0x64: {  	[tilespmem:s15], [sflag:$0x2] =	stream.indirect.gather [hbm4b:s10+s2], $0x40, s19, s2, $0xb8;
	[tilespmem:$0x18800] =	vst v63  }
0x65: {  	s26 =	rddreg [dreg:$0x8]  }
0x66: {  	[hbm4b:s26+s11] =	stream.strided.scatter [tilespmem:s16], [sflag:$0x4], $0x4000, s2, s11, $0x38;
	[tilespmem:$0x18800] =	vst v63  }
0x67: {  	s20 =	rddreg [dreg:$0x9]  }
0x68: {  	[hbm4b:s20+s11] =	stream.strided.scatter [tilespmem:s17], [sflag:$0x4], $0x4000, s2, s11, $0x38;
	[tilespmem:$0x18800] =	vst v63  }
0x69: {  	_ =	swait.ge [sflag:s8], $0x2000  }
0x6a: {  	[sflag:s8] =	ssyncset.done $0x0  }
0x6b: {  	[sflag:s8] =	ssyncadd.s32 $0xFFFFE000  }
0x6c: {  	_ =	swait.ge [sflag:s6], $0x2000  }
0x6d: {  	[sflag:s6] =	ssyncset.done $0x0  }
0x6e: {  	[sflag:s6] =	ssyncadd.s32 $0xFFFFE000  }
0x6f: {  	_ =	swait.ge [sflag:s8], $0x2000  }
0x70: {  	[sflag:s8] =	ssyncset.done $0x0  }
0x71: {  	[sflag:s8] =	ssyncadd.s32 $0xFFFFE000  }
0x72: {  	_ =	swait.ge [sflag:s6], $0x2000  }
0x73: {  	[sflag:s6] =	ssyncset.done $0x0  }
0x74: {  	s21 =	rddreg [dreg:$0xa];
	[sflag:s6] =	ssyncadd.s32 $0xFFFFE000  }
0x75: {  	[hbm4b:s21+s11] =	stream.strided.scatter [tilespmem:s12], [sflag:$0x5], $0x4000, s2, s11, $0x38;
	[tilespmem:$0x18800] =	vst v63  }
0x76: {  	s23 =	rddreg [dreg:$0xb]  }
0x77: {  	[hbm4b:s23+s11] =	stream.strided.scatter [tilespmem:s13], [sflag:$0x5], $0x4000, s2, s11, $0x38;
	[tilespmem:$0x18800] =	vst v63  }
0x78: {  	_ =	swait.ge [sflag:s8], $0x2000  }
0x79: {  	[sflag:s8] =	ssyncset.done $0x0  }
0x7a: {  	[sflag:s8] =	ssyncadd.s32 $0xFFFFE000  }
0x7b: {  	_ =	swait.ge [sflag:s6], $0x2000  }
0x7c: {  	[sflag:s6] =	ssyncset.done $0x0  }
0x7d: {  	[sflag:s6] =	ssyncadd.s32 $0xFFFFE000  }
0x7e: {  	_ =	swait.ge [sflag:s8], $0x2000  }
0x7f: {  	[sflag:s8] =	ssyncset.done $0x0  }
0x80: {  	[sflag:s8] =	ssyncadd.s32 $0xFFFFE000  }
0x81: {  	_ =	swait.ge [sflag:s6], $0x2000  }
0x82: {  	[sflag:s6] =	ssyncset.done $0x0  }
0x83: {  	s24 =	rddreg [dreg:$0xc];
	[sflag:s6] =	ssyncadd.s32 $0xFFFFE000  }
0x84: {  	[hbm4b:s24+s11] =	stream.strided.scatter [tilespmem:s3], [sflag:$0x3], $0x4000, s2, s11, $0x38;
	[tilespmem:$0x18800] =	vst v63  }
0x85: {  	s26 =	rddreg [dreg:$0xd]  }
0x86: {  	[hbm4b:s26+s11] =	stream.strided.scatter [tilespmem:s4], [sflag:$0x3], $0x4000, s2, s11, $0x38;
	[tilespmem:$0x18800] =	vst v63  }
0x87: {  	_ =	swait.ge [sflag:s7], $0x4000  }
0x88: {  	[sflag:s7] =	ssyncset.done $0x0  }
0x89: {  	[sflag:s7] =	ssyncadd.s32 $0xFFFFC000  }
0x8a: {  	_ =	swait.ge [sflag:s7], $0x4000  }
0x8b: {  	[sflag:s7] =	ssyncset.done $0x0  }
0x8c: {  	[sflag:s7] =	ssyncadd.s32 $0xFFFFC000  }
0x8d: {  	_ =	swait.ge [sflag:s9], $0x4000  }
0x8e: {  	[sflag:s9] =	ssyncset.done $0x0  }
0x8f: {  	[sflag:s9] =	ssyncadd.s32 $0xFFFFC000  }
0x90: {  	_ =	swait.ge [sflag:s9], $0x4000  }
0x91: {  	[sflag:s9] =	ssyncset.done $0x0  }
0x92: {  	p1 =	sne.s32 s22, $0x1;
	p0 =	por $0x1, $0x1;
	[sflag:s9] =	ssyncadd.s32 $0xFFFFC000  }
.Ltmp1:
0x93: {  	s1 =	sadd.s32 $0xFFFFFFFF, s22;
	_ =	swait.ge [sflag:s5], $0x4000;
	(pc) =	sbr.rel @!p1 .LBB2_3-.Ltmp1, $4  }
0x94: {  	s22 =	simm.s32 $0x680;
	s28 =	simm.s32 $0x200;
	[sflag:s5] =	ssyncset.done $0x0  }
0x95: {  	s30 =	simm.s32 $0x600;
	s31 =	simm.s32 $0x280;
	[sflag:s5] =	ssyncadd.s32 $0xFFFFC000  }
0x96: {  	s23 =	simm.s32 $0xA800;
	s24 =	simm.s32 $0x700;
	_ =	swait.ge [sflag:s5], $0x4000  }
0x97: {  	s26 =	simm.s32 $0x380;
	s0 =	rddreg [dreg:$0x4];
	[sflag:s5] =	ssyncset.done $0x0  }
.LBB2_4:
0x98: {  	[sflag:s5] =	ssyncadd.s32 $0xFFFFC000  }
0x99: {  	[tilespmem:s18], [sflag:$0x6] =	stream.linear.gather [hbm4b:s0+s18], $0x400, $0x38;
	[tilespmem:$0x18800] =	vst v63  }
0x9a: {  	_ =	swait.ge [sflag:s29], $0x400  }
0x9b: {  	[sflag:s29] =	ssyncset.done $0x0  }
0x9c: {  	s19 =	rddreg [dreg:$0x5];
	[sflag:s29] =	ssyncadd.s32 $0xFFFFFC00  }
0x9d: {  	[tilespmem:s25], [sflag:$0x6] =	stream.linear.gather [hbm4b:s19+s18], $0x400, $0x38;
	[tilespmem:$0x18800] =	vst v63  }
0x9e: {  	_ =	swait.ge [sflag:s29], $0x400  }
0x9f: {  	[sflag:s29] =	ssyncset.done $0x0  }
0xa0: {  	[sflag:s29] =	ssyncadd.s32 $0xFFFFFC00  }
0xa1: {  	[tilespmem:s3], [sflag:$0x1] =	stream.indirect.gather [hbm4b:s10+s2], $0x40, s18, s2, $0xb8;
	[tilespmem:$0x18800] =	vst v63  }
0xa2: {  	s0 =	rddreg [dreg:$0x14]  }
0xa3: {  	[tilespmem:s4], [sflag:$0x2] =	stream.indirect.gather [hbm4b:s10+s2], $0x40, s25, s2, $0xb8;
	[tilespmem:$0x18800] =	vst v63  }
0xa4: {  	s19 =	rddreg [dreg:$0x12]  }
0xa5: {  	[tilespmem:s14], [sflag:$0x1] =	stream.indirect.gather [hbm4b:s10+s2], $0x40, s2, s2, $0xb8;
	[tilespmem:$0x18800] =	vst v63  }
0xa6: {  	s20 =	rddreg [dreg:$0xe]  }
0xa7: {  	[tilespmem:s15], [sflag:$0x2] =	stream.indirect.gather [hbm4b:s10+s2], $0x40, s20, s2, $0xb8;
	[tilespmem:$0x18800] =	vst v63  }
0xa8: {  	s21 =	rddreg [dreg:$0xf]  }
0xa9: {  	[tilespmem:s16], [sflag:$0x1] =	stream.indirect.gather [hbm4b:s10+s2], $0x40, s21, s2, $0xb8;
	[tilespmem:$0x18800] =	vst v63  }
0xaa: {  	s20 =	rddreg [dreg:$0x10]  }
0xab: {  	[tilespmem:s17], [sflag:$0x2] =	stream.indirect.gather [hbm4b:s10+s2], $0x40, s20, s2, $0xb8;
	[tilespmem:$0x18800] =	vst v63  }
0xac: {  	s21 =	rddreg [dreg:$0x11]  }
0xad: {  	[tilespmem:s19], [sflag:$0x1] =	stream.indirect.gather [hbm4b:s10+s2], $0x40, s21, s2, $0xb8;
	[tilespmem:$0x18800] =	vst v63  }
0xae: {  	s20 =	rddreg [dreg:$0x13]  }
0xaf: {  	[tilespmem:s0], [sflag:$0x2] =	stream.indirect.gather [hbm4b:s10+s2], $0x40, s20, s2, $0xb8;
	[tilespmem:$0x18800] =	vst v63  }
0xb0: {  	_ =	swait.ge [sflag:s8], $0x2000  }
0xb1: {  	[sflag:s8] =	ssyncset.done $0x0  }
0xb2: {  	[sflag:s8] =	ssyncadd.s32 $0xFFFFE000  }
0xb3: {  	_ =	swait.ge [sflag:s6], $0x2000  }
0xb4: {  	[sflag:s6] =	ssyncset.done $0x0  }
0xb5: {  	[sflag:s6] =	ssyncadd.s32 $0xFFFFE000  }
0xb6: {  	_ =	swait.ge [sflag:s8], $0x2000  }
0xb7: {  	[sflag:s8] =	ssyncset.done $0x0  }
0xb8: {  	[sflag:s8] =	ssyncadd.s32 $0xFFFFE000  }
0xb9: {  	_ =	swait.ge [sflag:s6], $0x2000  }
0xba: {  	[sflag:s6] =	ssyncset.done $0x0  }
0xbb: {  	[sflag:s6] =	ssyncadd.s32 $0xFFFFE000  }
0xbc: {  	[tilespmem:s12], [sflag:$0x1] =	stream.indirect.gather [hbm4b:s10+s2], $0x40, s28, s2, $0xb8;
	[tilespmem:$0x18800] =	vst v63  }
0xbd: {  	_ = 	snop  }
0xbe: {  	[tilespmem:s13], [sflag:$0x2] =	stream.indirect.gather [hbm4b:s10+s2], $0x40, s30, s2, $0xb8;
	[tilespmem:$0x18800] =	vst v63  }
0xbf: {  	_ = 	snop  }
0xc0: {  	[tilespmem:s23], [sflag:$0x1] =	stream.indirect.gather [hbm4b:s10+s2], $0x40, s31, s2, $0xb8;
	[tilespmem:$0x18800] =	vst v63  }
0xc1: {  	s20 =	simm.s32 $0x16800  }
0xc2: {  	[tilespmem:s20], [sflag:$0x2] =	stream.indirect.gather [hbm4b:s10+s2], $0x40, s22, s2, $0xb8;
	[tilespmem:$0x18800] =	vst v63  }
0xc3: {  	s0 =	rddreg [dreg:$0x6]  }
0xc4: {  	[hbm4b:s0+s11] =	stream.strided.scatter [tilespmem:s3], [sflag:$0x3], $0x4000, s2, s11, $0x38;
	[tilespmem:$0x18800] =	vst v63  }
0xc5: {  	s21 =	rddreg [dreg:$0x7]  }
0xc6: {  	[hbm4b:s21+s11] =	stream.strided.scatter [tilespmem:s4], [sflag:$0x3], $0x4000, s2, s11, $0x38;
	[tilespmem:$0x18800] =	vst v63  }
0xc7: {  	_ =	swait.ge [sflag:s8], $0x2000  }
0xc8: {  	[sflag:s8] =	ssyncset.done $0x0  }
0xc9: {  	[sflag:s8] =	ssyncadd.s32 $0xFFFFE000  }
0xca: {  	_ =	swait.ge [sflag:s6], $0x2000  }
0xcb: {  	[sflag:s6] =	ssyncset.done $0x0  }
0xcc: {  	[sflag:s6] =	ssyncadd.s32 $0xFFFFE000  }
0xcd: {  	_ =	swait.ge [sflag:s8], $0x2000  }
0xce: {  	[sflag:s8] =	ssyncset.done $0x0  }
0xcf: {  	[sflag:s8] =	ssyncadd.s32 $0xFFFFE000  }
0xd0: {  	_ =	swait.ge [sflag:s6], $0x2000  }
0xd1: {  	[sflag:s6] =	ssyncset.done $0x0  }
0xd2: {  	[sflag:s6] =	ssyncadd.s32 $0xFFFFE000  }
0xd3: {  	_ =	swait.ge [sflag:s7], $0x4000  }
0xd4: {  	[sflag:s7] =	ssyncset.done $0x0  }
0xd5: {  	[sflag:s7] =	ssyncadd.s32 $0xFFFFC000  }
0xd6: {  	_ =	swait.ge [sflag:s7], $0x4000  }
0xd7: {  	[sflag:s7] =	ssyncset.done $0x0  }
0xd8: {  	s19 =	simm.s32 $0x300;
	[sflag:s7] =	ssyncadd.s32 $0xFFFFC000  }
0xd9: {  	[tilespmem:s3], [sflag:$0x1] =	stream.indirect.gather [hbm4b:s10+s2], $0x40, s19, s2, $0xb8;
	[tilespmem:$0x18800] =	vst v63  }
0xda: {  	_ = 	snop  }
0xdb: {  	[tilespmem:s4], [sflag:$0x2] =	stream.indirect.gather [hbm4b:s10+s2], $0x40, s24, s2, $0xb8;
	[tilespmem:$0x18800] =	vst v63  }
0xdc: {  	_ = 	snop  }
0xdd: {  	[tilespmem:s14], [sflag:$0x1] =	stream.indirect.gather [hbm4b:s10+s2], $0x40, s26, s2, $0xb8;
	[tilespmem:$0x18800] =	vst v63  }
0xde: {  	s20 =	simm.s32 $0x780  }
0xdf: {  	[tilespmem:s15], [sflag:$0x2] =	stream.indirect.gather [hbm4b:s10+s2], $0x40, s20, s2, $0xb8;
	[tilespmem:$0x18800] =	vst v63  }
0xe0: {  	s0 =	rddreg [dreg:$0x8]  }
0xe1: {  	[hbm4b:s0+s11] =	stream.strided.scatter [tilespmem:s16], [sflag:$0x4], $0x4000, s2, s11, $0x38;
	[tilespmem:$0x18800] =	vst v63  }
0xe2: {  	s21 =	rddreg [dreg:$0x9]  }
0xe3: {  	[hbm4b:s21+s11] =	stream.strided.scatter [tilespmem:s17], [sflag:$0x4], $0x4000, s2, s11, $0x38;
	[tilespmem:$0x18800] =	vst v63  }
0xe4: {  	_ =	swait.ge [sflag:s8], $0x2000  }
0xe5: {  	[sflag:s8] =	ssyncset.done $0x0  }
0xe6: {  	[sflag:s8] =	ssyncadd.s32 $0xFFFFE000  }
0xe7: {  	_ =	swait.ge [sflag:s6], $0x2000  }
0xe8: {  	[sflag:s6] =	ssyncset.done $0x0  }
0xe9: {  	[sflag:s6] =	ssyncadd.s32 $0xFFFFE000  }
0xea: {  	_ =	swait.ge [sflag:s8], $0x2000  }
0xeb: {  	[sflag:s8] =	ssyncset.done $0x0  }
0xec: {  	[sflag:s8] =	ssyncadd.s32 $0xFFFFE000  }
0xed: {  	_ =	swait.ge [sflag:s6], $0x2000  }
0xee: {  	[sflag:s6] =	ssyncset.done $0x0  }
0xef: {  	s20 =	rddreg [dreg:$0xa];
	[sflag:s6] =	ssyncadd.s32 $0xFFFFE000  }
0xf0: {  	[hbm4b:s20+s11] =	stream.strided.scatter [tilespmem:s12], [sflag:$0x5], $0x4000, s2, s11, $0x38;
	[tilespmem:$0x18800] =	vst v63  }
0xf1: {  	s21 =	rddreg [dreg:$0xb]  }
0xf2: {  	[hbm4b:s21+s11] =	stream.strided.scatter [tilespmem:s13], [sflag:$0x5], $0x4000, s2, s11, $0x38;
	[tilespmem:$0x18800] =	vst v63  }
0xf3: {  	_ =	swait.ge [sflag:s8], $0x2000  }
0xf4: {  	[sflag:s8] =	ssyncset.done $0x0  }
0xf5: {  	[sflag:s8] =	ssyncadd.s32 $0xFFFFE000  }
0xf6: {  	_ =	swait.ge [sflag:s6], $0x2000  }
0xf7: {  	[sflag:s6] =	ssyncset.done $0x0  }
0xf8: {  	[sflag:s6] =	ssyncadd.s32 $0xFFFFE000  }
0xf9: {  	_ =	swait.ge [sflag:s8], $0x2000  }
0xfa: {  	[sflag:s8] =	ssyncset.done $0x0  }
0xfb: {  	[sflag:s8] =	ssyncadd.s32 $0xFFFFE000  }
0xfc: {  	_ =	swait.ge [sflag:s6], $0x2000  }
0xfd: {  	[sflag:s6] =	ssyncset.done $0x0  }
0xfe: {  	s20 =	rddreg [dreg:$0xc];
	[sflag:s6] =	ssyncadd.s32 $0xFFFFE000  }
0xff: {  	[hbm4b:s20+s11] =	stream.strided.scatter [tilespmem:s3], [sflag:$0x3], $0x4000, s2, s11, $0x38;
	[tilespmem:$0x18800] =	vst v63  }
0x100: {  	s21 =	rddreg [dreg:$0xd]  }
0x101: {  	[hbm4b:s21+s11] =	stream.strided.scatter [tilespmem:s4], [sflag:$0x3], $0x4000, s2, s11, $0x38;
	[tilespmem:$0x18800] =	vst v63  }
0x102: {  	_ =	swait.ge [sflag:s7], $0x4000  }
0x103: {  	[sflag:s7] =	ssyncset.done $0x0  }
0x104: {  	[sflag:s7] =	ssyncadd.s32 $0xFFFFC000  }
0x105: {  	_ =	swait.ge [sflag:s7], $0x4000  }
0x106: {  	[sflag:s7] =	ssyncset.done $0x0  }
0x107: {  	[sflag:s7] =	ssyncadd.s32 $0xFFFFC000  }
0x108: {  	_ =	swait.ge [sflag:s9], $0x4000  }
0x109: {  	[sflag:s9] =	ssyncset.done $0x0  }
0x10a: {  	[sflag:s9] =	ssyncadd.s32 $0xFFFFC000  }
0x10b: {  	_ =	swait.ge [sflag:s9], $0x4000  }
0x10c: {  	[sflag:s9] =	ssyncset.done $0x0  }
0x10d: {  	p1 =	sne.s32 s1, $0x1;
	[sflag:s9] =	ssyncadd.s32 $0xFFFFC000  }
.Ltmp2:
0x10e: {  	_ =	swait.ge [sflag:s5], $0x4000;
	(pc) =	sbr.rel @p1 .LBB2_4-.Ltmp2, $4  }
0x10f: {  	[sflag:s5] =	ssyncset.done $0x0  }
0x110: {  	[sflag:s5] =	ssyncadd.s32 $0xFFFFC000  }
0x111: {  	_ =	swait.ge [sflag:s5], $0x4000  }
0x112: {  	s1 =	sadd.s32 $0xFFFFFFFF, s1;
	s0 =	rddreg [dreg:$0x4];
	[sflag:s5] =	ssyncset.done $0x0  }
0x113: {  	s22 =	simm.s32 $0x16800;
	s26 =	simm.s32 $0xA800;
	s20 =	simm.s32 $0x680  }
0x114: {  	s31 =	simm.s32 $0x280;
	s30 =	simm.s32 $0x600;
	s28 =	simm.s32 $0x200  }
0x115: {  	s24 =	simm.s32 $0x700;
	s23 =	simm.s32 $0x300;
	s21 =	rddreg [dreg:$0x3]  }
.LBB2_6:
0x116: {  	[sflag:s5] =	ssyncadd.s32 @p0 $0xFFFFC000  }
0x117: {  	[tilespmem:s18], [sflag:$0x6] =	stream.linear.gather [hbm4b:s0+s18], $0x400, $0x38;
	[tilespmem:$0x18800] =	vst v63  }
0x118: {  	_ =	swait.ge [sflag:s29], $0x400  }
0x119: {  	[sflag:s29] =	ssyncset.done $0x0  }
0x11a: {  	s19 =	rddreg [dreg:$0x5];
	[sflag:s29] =	ssyncadd.s32 $0xFFFFFC00  }
0x11b: {  	[tilespmem:s25], [sflag:$0x6] =	stream.linear.gather [hbm4b:s19+s18], $0x400, $0x38;
	[tilespmem:$0x18800] =	vst v63  }
0x11c: {  	_ =	swait.ge [sflag:s29], $0x400  }
0x11d: {  	[sflag:s29] =	ssyncset.done $0x0  }
0x11e: {  	[sflag:s29] =	ssyncadd.s32 $0xFFFFFC00  }
0x11f: {  	[tilespmem:s3], [sflag:$0x1] =	stream.indirect.gather [hbm4b:s10+s2], $0x40, s18, s2, $0xb8;
	[tilespmem:$0x18800] =	vst v63  }
0x120: {  	s1 =	rddreg [dreg:$0xf]  }
0x121: {  	[tilespmem:s4], [sflag:$0x2] =	stream.indirect.gather [hbm4b:s10+s2], $0x40, s25, s2, $0xb8;
	[tilespmem:$0x18800] =	vst v63  }
0x122: {  	s19 =	rddreg [dreg:$0x13]  }
0x123: {  	[tilespmem:s14], [sflag:$0x1] =	stream.indirect.gather [hbm4b:s10+s2], $0x40, s2, s2, $0xb8;
	[tilespmem:$0x18800] =	vst v63  }
0x124: {  	s25 =	rddreg [dreg:$0xe]  }
0x125: {  	[tilespmem:s15], [sflag:$0x2] =	stream.indirect.gather [hbm4b:s10+s2], $0x40, s25, s2, $0xb8;
	[tilespmem:$0x18800] =	vst v63  }
0x126: {  	s29 =	rddreg [dreg:$0x10]  }
0x127: {  	[tilespmem:s16], [sflag:$0x1] =	stream.indirect.gather [hbm4b:s10+s2], $0x40, s1, s2, $0xb8;
	[tilespmem:$0x18800] =	vst v63  }
0x128: {  	s18 =	rddreg [dreg:$0x12]  }
0x129: {  	[tilespmem:s17], [sflag:$0x2] =	stream.indirect.gather [hbm4b:s10+s2], $0x40, s29, s2, $0xb8;
	[tilespmem:$0x18800] =	vst v63  }
0x12a: {  	s25 =	rddreg [dreg:$0x11]  }
0x12b: {  	[tilespmem:s18], [sflag:$0x1] =	stream.indirect.gather [hbm4b:s10+s2], $0x40, s25, s2, $0xb8;
	[tilespmem:$0x18800] =	vst v63  }
0x12c: {  	s29 =	rddreg [dreg:$0x14]  }
0x12d: {  	[tilespmem:s29], [sflag:$0x2] =	stream.indirect.gather [hbm4b:s10+s2], $0x40, s19, s2, $0xb8;
	[tilespmem:$0x18800] =	vst v63  }
0x12e: {  	_ =	swait.ge [sflag:s8], $0x2000  }
0x12f: {  	[sflag:s8] =	ssyncset.done $0x0  }
0x130: {  	[sflag:s8] =	ssyncadd.s32 $0xFFFFE000  }
0x131: {  	_ =	swait.ge [sflag:s6], $0x2000  }
0x132: {  	[sflag:s6] =	ssyncset.done $0x0  }
0x133: {  	[sflag:s6] =	ssyncadd.s32 $0xFFFFE000  }
0x134: {  	_ =	swait.ge [sflag:s8], $0x2000  }
0x135: {  	[sflag:s8] =	ssyncset.done $0x0  }
0x136: {  	[sflag:s8] =	ssyncadd.s32 $0xFFFFE000  }
0x137: {  	_ =	swait.ge [sflag:s6], $0x2000  }
0x138: {  	[sflag:s6] =	ssyncset.done $0x0  }
0x139: {  	[sflag:s6] =	ssyncadd.s32 $0xFFFFE000  }
0x13a: {  	[tilespmem:s12], [sflag:$0x1] =	stream.indirect.gather [hbm4b:s10+s2], $0x40, s28, s2, $0xb8;
	[tilespmem:$0x18800] =	vst v63  }
0x13b: {  	_ = 	snop  }
0x13c: {  	[tilespmem:s13], [sflag:$0x2] =	stream.indirect.gather [hbm4b:s10+s2], $0x40, s30, s2, $0xb8;
	[tilespmem:$0x18800] =	vst v63  }
0x13d: {  	_ = 	snop  }
0x13e: {  	[tilespmem:s26], [sflag:$0x1] =	stream.indirect.gather [hbm4b:s10+s2], $0x40, s31, s2, $0xb8;
	[tilespmem:$0x18800] =	vst v63  }
0x13f: {  	_ = 	snop  }
0x140: {  	[tilespmem:s22], [sflag:$0x2] =	stream.indirect.gather [hbm4b:s10+s2], $0x40, s20, s2, $0xb8;
	[tilespmem:$0x18800] =	vst v63  }
0x141: {  	s19 =	rddreg [dreg:$0x6]  }
0x142: {  	[hbm4b:s19+s11] =	stream.strided.scatter [tilespmem:s3], [sflag:$0x3], $0x4000, s2, s11, $0x38;
	[tilespmem:$0x18800] =	vst v63  }
0x143: {  	s20 =	rddreg [dreg:$0x7]  }
0x144: {  	[hbm4b:s20+s11] =	stream.strided.scatter [tilespmem:s4], [sflag:$0x3], $0x4000, s2, s11, $0x38;
	[tilespmem:$0x18800] =	vst v63  }
0x145: {  	_ =	swait.ge [sflag:s8], $0x2000  }
0x146: {  	[sflag:s8] =	ssyncset.done $0x0  }
0x147: {  	[sflag:s8] =	ssyncadd.s32 $0xFFFFE000  }
0x148: {  	_ =	swait.ge [sflag:s6], $0x2000  }
0x149: {  	[sflag:s6] =	ssyncset.done $0x0  }
0x14a: {  	[sflag:s6] =	ssyncadd.s32 $0xFFFFE000  }
0x14b: {  	_ =	swait.ge [sflag:s8], $0x2000  }
0x14c: {  	[sflag:s8] =	ssyncset.done $0x0  }
0x14d: {  	[sflag:s8] =	ssyncadd.s32 $0xFFFFE000  }
0x14e: {  	_ =	swait.ge [sflag:s6], $0x2000  }
0x14f: {  	[sflag:s6] =	ssyncset.done $0x0  }
0x150: {  	[sflag:s6] =	ssyncadd.s32 $0xFFFFE000  }
0x151: {  	_ =	swait.ge [sflag:s7], $0x4000  }
0x152: {  	[sflag:s7] =	ssyncset.done $0x0  }
0x153: {  	[sflag:s7] =	ssyncadd.s32 $0xFFFFC000  }
0x154: {  	_ =	swait.ge [sflag:s7], $0x4000  }
0x155: {  	[sflag:s7] =	ssyncset.done $0x0  }
0x156: {  	[sflag:s7] =	ssyncadd.s32 $0xFFFFC000  }
0x157: {  	[tilespmem:s3], [sflag:$0x1] =	stream.indirect.gather [hbm4b:s10+s2], $0x40, s23, s2, $0xb8;
	[tilespmem:$0x18800] =	vst v63  }
0x158: {  	_ = 	snop  }
0x159: {  	[tilespmem:s4], [sflag:$0x2] =	stream.indirect.gather [hbm4b:s10+s2], $0x40, s24, s2, $0xb8;
	[tilespmem:$0x18800] =	vst v63  }
0x15a: {  	s22 =	simm.s32 $0x380  }
0x15b: {  	[tilespmem:s14], [sflag:$0x1] =	stream.indirect.gather [hbm4b:s10+s2], $0x40, s22, s2, $0xb8;
	[tilespmem:$0x18800] =	vst v63  }
0x15c: {  	s24 =	simm.s32 $0x780  }
0x15d: {  	[tilespmem:s15], [sflag:$0x2] =	stream.indirect.gather [hbm4b:s10+s2], $0x40, s24, s2, $0xb8;
	[tilespmem:$0x18800] =	vst v63  }
0x15e: {  	s23 =	rddreg [dreg:$0x8]  }
0x15f: {  	[hbm4b:s23+s11] =	stream.strided.scatter [tilespmem:s16], [sflag:$0x4], $0x4000, s2, s11, $0x38;
	[tilespmem:$0x18800] =	vst v63  }
0x160: {  	s25 =	rddreg [dreg:$0x9]  }
0x161: {  	[hbm4b:s25+s11] =	stream.strided.scatter [tilespmem:s17], [sflag:$0x4], $0x4000, s2, s11, $0x38;
	[tilespmem:$0x18800] =	vst v63  }
0x162: {  	_ =	swait.ge [sflag:s8], $0x2000  }
0x163: {  	[sflag:s8] =	ssyncset.done $0x0  }
0x164: {  	[sflag:s8] =	ssyncadd.s32 $0xFFFFE000  }
0x165: {  	_ =	swait.ge [sflag:s6], $0x2000  }
0x166: {  	[sflag:s6] =	ssyncset.done $0x0  }
0x167: {  	[sflag:s6] =	ssyncadd.s32 $0xFFFFE000  }
0x168: {  	_ =	swait.ge [sflag:s8], $0x2000  }
0x169: {  	[sflag:s8] =	ssyncset.done $0x0  }
0x16a: {  	[sflag:s8] =	ssyncadd.s32 $0xFFFFE000  }
0x16b: {  	_ =	swait.ge [sflag:s6], $0x2000  }
0x16c: {  	[sflag:s6] =	ssyncset.done $0x0  }
0x16d: {  	s26 =	rddreg [dreg:$0xa];
	[sflag:s6] =	ssyncadd.s32 $0xFFFFE000  }
0x16e: {  	[hbm4b:s26+s11] =	stream.strided.scatter [tilespmem:s12], [sflag:$0x5], $0x4000, s2, s11, $0x38;
	[tilespmem:$0x18800] =	vst v63  }
0x16f: {  	s28 =	rddreg [dreg:$0xb]  }
0x170: {  	[hbm4b:s28+s11] =	stream.strided.scatter [tilespmem:s13], [sflag:$0x5], $0x4000, s2, s11, $0x38;
	[tilespmem:$0x18800] =	vst v63  }
0x171: {  	_ =	swait.ge [sflag:s8], $0x2000  }
0x172: {  	[sflag:s8] =	ssyncset.done $0x0  }
0x173: {  	[sflag:s8] =	ssyncadd.s32 $0xFFFFE000  }
0x174: {  	_ =	swait.ge [sflag:s6], $0x2000  }
0x175: {  	[sflag:s6] =	ssyncset.done $0x0  }
0x176: {  	[sflag:s6] =	ssyncadd.s32 $0xFFFFE000  }
0x177: {  	_ =	swait.ge [sflag:s8], $0x2000  }
0x178: {  	[sflag:s8] =	ssyncset.done $0x0  }
0x179: {  	[sflag:s8] =	ssyncadd.s32 $0xFFFFE000  }
0x17a: {  	_ =	swait.ge [sflag:s6], $0x2000  }
0x17b: {  	[sflag:s6] =	ssyncset.done $0x0  }
0x17c: {  	s29 =	rddreg [dreg:$0xc];
	[sflag:s6] =	ssyncadd.s32 $0xFFFFE000  }
0x17d: {  	[hbm4b:s29+s11] =	stream.strided.scatter [tilespmem:s3], [sflag:$0x3], $0x4000, s2, s11, $0x38;
	[tilespmem:$0x18800] =	vst v63  }
0x17e: {  	s30 =	rddreg [dreg:$0xd]  }
0x17f: {  	[hbm4b:s30+s11] =	stream.strided.scatter [tilespmem:s4], [sflag:$0x3], $0x4000, s2, s11, $0x38;
	[tilespmem:$0x18800] =	vst v63  }
0x180: {  	_ =	swait.ge [sflag:s7], $0x4000  }
0x181: {  	[sflag:s7] =	ssyncset.done $0x0  }
0x182: {  	[sflag:s7] =	ssyncadd.s32 $0xFFFFC000  }
0x183: {  	_ =	swait.ge [sflag:s7], $0x4000  }
0x184: {  	[sflag:s7] =	ssyncset.done $0x0  }
0x185: {  	[sflag:s7] =	ssyncadd.s32 $0xFFFFC000  }
0x186: {  	_ =	swait.ge [sflag:s9], $0x4000  }
0x187: {  	[sflag:s9] =	ssyncset.done $0x0  }
0x188: {  	[sflag:s9] =	ssyncadd.s32 $0xFFFFC000  }
0x189: {  	_ =	swait.ge [sflag:s9], $0x4000  }
0x18a: {  	[sflag:s9] =	ssyncset.done $0x0  }
0x18b: {  	[sflag:s9] =	ssyncadd.s32 $0xFFFFC000  }
0x18c: {  	_ =	swait.ge [sflag:s5], $0x4000  }
0x18d: {  	[sflag:s5] =	ssyncset.done $0x0  }
0x18e: {  	[sflag:s5] =	ssyncadd.s32 $0xFFFFC000  }
0x18f: {  	_ =	swait.ge [sflag:s5], $0x4000  }
0x190: {  	[sflag:s5] =	ssyncset.done $0x0  }
0x191: {  	[sflag:s5] =	ssyncadd.s32 $0xFFFFC000  }
0x192: {  	_ =	sfence.sel $0x180000  }
0x193: {  	s31 =	stileid.u32;
	[bflag:$0x0] =	sbarrier.arrive $0xFFFF  }
0x194: {  	p0 =	sne.s32 s31, $0x0;
	_ =	strace $0x9000004A  }
0x195: {  	s0 =	sadd.s32 @!p0 $0x100000, s21;
	[bflag:$0x2] =	sbarrier.arrive $0xFFFF  }
0x196: {  	[sflag:s0] =	ssyncadd.tile.s32 @!p0 $0x1;
	_ =	shalt  }
.LBB2_1:
.Ltmp3:
0x197: {  	(pc) =	sbr.rel .LBB2_6-.Ltmp3, $4  }
0x198: {  	_ = 	snop  }
0x199: {  	s22 =	simm.s32 $0x16800;
	s26 =	simm.s32 $0xA800  }
0x19a: {  	s20 =	simm.s32 $0x680;
	s31 =	simm.s32 $0x280;
	s30 =	simm.s32 $0x600  }
0x19b: {  	s28 =	simm.s32 $0x200;
	s24 =	simm.s32 $0x700;
	s23 =	simm.s32 $0x300  }
.LBB2_3:
.Ltmp4:
0x19c: {  	(pc) =	sbr.rel .LBB2_6-.Ltmp4, $4  }
0x19d: {  	_ = 	snop  }
0x19e: {  	s22 =	simm.s32 $0x16800;
	s26 =	simm.s32 $0xA800;
	s20 =	simm.s32 $0x680  }
0x19f: {  	s31 =	simm.s32 $0x280;
	s30 =	simm.s32 $0x600;
	s28 =	simm.s32 $0x200  }
0x1a0: {  	s24 =	simm.s32 $0x700;
	s23 =	simm.s32 $0x300;
	s21 =	rddreg [dreg:$0x3]  }
.Lfunc_end2:
_tile_overlayer_lowered:
.L_overlay_start_2:
0x1a1: {  	(tag) =	ssettag $0x2  }
0x1a2: {  	s0 =	rddreg [dreg:$0x0];
	s2 =	stileid.u32  }
0x1a3: {  	s1 =	rddreg [dreg:$0x1];
	p0 =	sne.s32 s2, $0x0  }
0x1a4: {  	s3 =	rddreg [dreg:$0x2];
	[bflag:$0x3] =	sbarrier.arrive $0xFFFF;
	s2 =	simm.s32 @!p0 $0x1C06  }
0x1a5: {  	[timem:s3], [sflag:s2] =	dma.local @!p0 [hbm:s0], s1  }
0x1a6: {  	s0 =	simm.s32 @!p0 $0x6  }
0x1a7: {  	_ =	swait.ge @!p0 [sflag:s0], s1  }
0x1a8: {  	s1 =	ssub.s32 @!p0 $0x0, s1;
	[sflag:s0] =	ssyncset.done @!p0 $0x0  }
0x1a9: {  	[sflag:s0] =	ssyncadd.s32 @!p0 s1  }
0x1aa: {  	[bflag:$0x3] =	sbarrier.arrive $0xFFFF  }
0x1ab: {  	_ =	shalt  }

</sc_bundles>
